<compile_context>
chip_gen: v7x
topology: tpu7x:2x2x1
jax: 0.10.2.dev20260603
libtpu: 0.0.44.dev20260713+nightly
codegen_flags: <defaults>
</compile_context>

<pallas_src>
import functools

import jax
import jax.numpy as jnp
from jax import lax
from jax.experimental import pallas as pl
from jax.experimental.pallas import tpu as pltpu
from jax.experimental.pallas import tpu_sc as plsc

B, S, D = 1024, 200, 128
N = B * S
NP = N // 2
NC, NS = 2, 16
NW = NC * NS
TOK_PER_W = N // NW
CH = 128
CP = CH // 2
NCH = TOK_PER_W // CH
NBUF = 5
NITER = NCH // NBUF
SP = S // 2


def _body(seq_hbm, plab_hbm, tok_hbm, pair_hbm, out_hbm, *rest):
    (seq_v, plab_v, cidx_v, tok_rows, comb_rows, isem, gts, gcs, ws) = (
        rest[k * NBUF:(k + 1) * NBUF] for k in range(9))

    wid = lax.axis_index("s") * NC + lax.axis_index("c")
    w0 = wid * TOK_PER_W
    w0p = wid * (TOK_PER_W // 2)

    def fire_idx(b, c):
        base = w0 + c * CH
        pbase = w0p + c * CP
        pltpu.async_copy(seq_hbm.at[pl.ds(base, CH)], seq_v[b], isem[b])
        pltpu.async_copy(plab_hbm.at[pl.ds(pbase, CP)], plab_v[b], isem[b])

    def fire_gather(b, c):
        base = w0 + c * CH
        pltpu.make_async_copy(seq_hbm.at[pl.ds(0, CH)], seq_v[b], isem[b]).wait()
        pltpu.make_async_copy(plab_hbm.at[pl.ds(0, CP)], plab_v[b], isem[b]).wait()
        for q in range(CP // 16):
            sl = pl.ds(q * 16, 16)
            u = lax.rem(w0p + c * CP + q * 16 + lax.iota(jnp.int32, 16), SP)
            cidx_v[b][sl] = plab_v[b][sl] * SP + u
        pltpu.async_copy(tok_hbm.at[seq_v[b]], tok_rows[b], gts[b])
        pltpu.async_copy(pair_hbm.at[cidx_v[b]], comb_rows[b], gcs[b])

    def consume(b, c):
        base = w0 + c * CH
        pltpu.make_async_copy(tok_hbm.at[seq_v[b]], tok_rows[b], gts[b]).wait()
        pltpu.make_async_copy(pair_hbm.at[cidx_v[b]], comb_rows[b], gcs[b]).wait()

        def pair_body(t, acc):
            for m in range(2):
                r = 2 * t + m
                for g in range(D // 32):
                    w = comb_rows[b][t, pl.ds(m * 64 + g * 16, 16)]
                    lo = lax.bitcast_convert_type(
                        lax.shift_left(w, 16), jnp.float32)
                    hi = lax.bitcast_convert_type(
                        w & jnp.int32(-65536), jnp.float32)
                    plsc.addupdate(tok_rows[b].at[r, pl.ds(g * 32, 16)], lo)
                    plsc.addupdate(
                        tok_rows[b].at[r, pl.ds(g * 32 + 16, 16)], hi)
            return acc

        lax.fori_loop(0, CP, pair_body, 0)
        pltpu.async_copy(tok_rows[b], out_hbm.at[pl.ds(base, CH)], ws[b])

    def wait_wb(b):
        pltpu.make_async_copy(tok_rows[b], out_hbm.at[pl.ds(0, CH)], ws[b]).wait()

    for c in range(3):
        fire_idx(c % NBUF, c)
    for c in range(2):
        fire_gather(c % NBUF, c)

    def step(i, carry):
        for j in range(NBUF):
            c = i * NBUF + j
            bf2 = (j + 2) % NBUF
            bf3 = (j + 3) % NBUF
            if j >= NBUF - 2:
                wait_wb(bf2)
            else:
                pl.when(i >= 1)(lambda bb=bf2: wait_wb(bb))
            if j <= NBUF - 4:
                fire_idx(bf3, c + 3)
            else:
                pl.when(i < NITER - 1)(lambda bb=bf3, cc=c + 3: fire_idx(bb, cc))
            if j <= NBUF - 3:
                fire_gather(bf2, c + 2)
            else:
                pl.when(i < NITER - 1)(lambda bb=bf2, cc=c + 2: fire_gather(bb, cc))
            consume(j, c)
        return carry

    lax.fori_loop(0, NITER, step, 0)
    for k in range(NCH - (NBUF - 2), NCH):
        wait_wb(k % NBUF)


@functools.partial(
    pl.kernel,
    out_type=jax.ShapeDtypeStruct((N, D), jnp.float32),
    mesh=plsc.VectorSubcoreMesh(core_axis_name="c", subcore_axis_name="s"),
    scratch_types=(
        [pltpu.VMEM((CH,), jnp.int32) for _ in range(NBUF)]
        + [pltpu.VMEM((CP,), jnp.int32) for _ in range(NBUF)]
        + [pltpu.VMEM((CP,), jnp.int32) for _ in range(NBUF)]
        + [pltpu.VMEM((CH, D), jnp.float32) for _ in range(NBUF)]
        + [pltpu.VMEM((CP, D), jnp.int32) for _ in range(NBUF)]
        + [pltpu.SemaphoreType.DMA for _ in range(4 * NBUF)]
    ),
)
def _sc_embed(*args):
    _body(*args)


def kernel(sequence, segment_label, token_table, segment_table, pe):
    comb = (segment_table[:, None, :] + pe[0, :S, :][None, :, :]).reshape(3 * S, D)
    packed = comb.reshape(3 * S, D // 32, 2, 16).transpose(0, 1, 3, 2)
    packed = packed.reshape(3 * S, D // 2, 2).astype(jnp.bfloat16)
    packed = lax.bitcast_convert_type(packed, jnp.int32)
    pk = packed.reshape(3, S, D // 2)
    even, odd = pk[:, 0::2, :], pk[:, 1::2, :]
    pair = jnp.concatenate(
        [jnp.broadcast_to(even[:, None], (3, 3, SP, D // 2)),
         jnp.broadcast_to(odd[None, :], (3, 3, SP, D // 2))],
        axis=-1).reshape(9 * SP, D)
    lab2 = segment_label.reshape(B, SP, 2)
    plab = (lab2[..., 0] * 3 + lab2[..., 1]).reshape(NP).astype(jnp.int32)
    out = _sc_embed(sequence.reshape(N), plab, token_table, pair)
    return out.reshape(B, S, D)

# --- scband reference (transcript-rebuilt; emitter-appended) ---
"""Pipeline reference for scband-bert-input-embedding-51659866636395 (READ-ONLY COPY).

The authoritative reference and input builder live on the scoring server;
editing this copy changes nothing except your own understanding.
"""

import jax, jax.numpy as jnp
import numpy as np
import math

VOCAB, D_MODEL, BATCH, SEQ, MAX_LEN = 100000, 128, 1024, 200, 512


def _make_pe(max_len=MAX_LEN, d_model=D_MODEL):
    position = np.arange(0, max_len, dtype=np.float32)[:, None]
    div_term = np.exp(np.arange(0, d_model, 2, dtype=np.float32) * -(math.log(10000.0) / d_model))
    pe = np.zeros((max_len, d_model), dtype=np.float32)
    pe[:, 0::2] = np.sin(position * div_term)
    pe[:, 1::2] = np.cos(position * div_term)
    return jnp.asarray(pe[None])  # [1, max_len, d_model]


def setup_inputs(seed: int = 0) -> dict:
    key = jax.random.key(seed)
    k1, k2, k3, k4 = jax.random.split(key, 4)
    sequence = jax.random.randint(k1, (BATCH, SEQ), 0, VOCAB, dtype=jnp.int32)
    segment_label = jax.random.randint(k2, (BATCH, SEQ), 0, 3, dtype=jnp.int32)
    token_table = jax.random.normal(k3, (VOCAB, D_MODEL), dtype=jnp.float32) * 0.02
    token_table = token_table.at[0].set(0.0)  # padding_idx=0
    segment_table = jax.random.normal(k4, (3, D_MODEL), dtype=jnp.float32) * 0.02
    segment_table = segment_table.at[0].set(0.0)  # padding_idx=0
    pe = _make_pe()
    return {"sequence": sequence, "segment_label": segment_label,
            "token_table": token_table, "segment_table": segment_table, "pe": pe}


def reference(sequence, segment_label, token_table, segment_table, pe):
    # TokenEmbedding lookup
    x = jnp.take(token_table, sequence, axis=0)  # [B, S, D]
    # PositionalEmbedding (buffer, sliced to seq len)
    x = x + pe[:, : sequence.shape[1]]
    # SegmentEmbedding lookup
    x = x + jnp.take(segment_table, segment_label, axis=0)
    # Dropout is identity at inference
    return x

if __name__ == "__main__":
    import jax
    _d = setup_inputs()
    print(jax.jit(kernel)(*tuple(_d.values())))

</pallas_src>

<mosaic_0001>
#map = affine_map<(d0, d1) -> (0)>
#map1 = affine_map<(d0, d1) -> (0, 0)>
module attributes {stable_mosaic.version = 14 : i64} {
  func.func @_sc_embed(%arg0: i32, %arg1: i32, %arg2: memref<204800xi32, #tpu.memory_space<hbm>>, %arg3: memref<102400xi32, #tpu.memory_space<hbm>>, %arg4: memref<100000x128xf32, #tpu.memory_space<hbm>>, %arg5: memref<900x128xi32, #tpu.memory_space<hbm>>, %arg6: memref<204800x128xf32, #tpu.memory_space<hbm>>, %arg7: memref<128xi32, #tpu.memory_space<vmem>>, %arg8: memref<128xi32, #tpu.memory_space<vmem>>, %arg9: memref<128xi32, #tpu.memory_space<vmem>>, %arg10: memref<128xi32, #tpu.memory_space<vmem>>, %arg11: memref<128xi32, #tpu.memory_space<vmem>>, %arg12: memref<64xi32, #tpu.memory_space<vmem>>, %arg13: memref<64xi32, #tpu.memory_space<vmem>>, %arg14: memref<64xi32, #tpu.memory_space<vmem>>, %arg15: memref<64xi32, #tpu.memory_space<vmem>>, %arg16: memref<64xi32, #tpu.memory_space<vmem>>, %arg17: memref<64xi32, #tpu.memory_space<vmem>>, %arg18: memref<64xi32, #tpu.memory_space<vmem>>, %arg19: memref<64xi32, #tpu.memory_space<vmem>>, %arg20: memref<64xi32, #tpu.memory_space<vmem>>, %arg21: memref<64xi32, #tpu.memory_space<vmem>>, %arg22: memref<128x128xf32, #tpu.memory_space<vmem>>, %arg23: memref<128x128xf32, #tpu.memory_space<vmem>>, %arg24: memref<128x128xf32, #tpu.memory_space<vmem>>, %arg25: memref<128x128xf32, #tpu.memory_space<vmem>>, %arg26: memref<128x128xf32, #tpu.memory_space<vmem>>, %arg27: memref<64x128xi32, #tpu.memory_space<vmem>>, %arg28: memref<64x128xi32, #tpu.memory_space<vmem>>, %arg29: memref<64x128xi32, #tpu.memory_space<vmem>>, %arg30: memref<64x128xi32, #tpu.memory_space<vmem>>, %arg31: memref<64x128xi32, #tpu.memory_space<vmem>>, %arg32: memref<!tpu.dma_semaphore, #tpu.memory_space<semaphore_mem>>, %arg33: memref<!tpu.dma_semaphore, #tpu.memory_space<semaphore_mem>>, %arg34: memref<!tpu.dma_semaphore, #tpu.memory_space<semaphore_mem>>, %arg35: memref<!tpu.dma_semaphore, #tpu.memory_space<semaphore_mem>>, %arg36: memref<!tpu.dma_semaphore, #tpu.memory_space<semaphore_mem>>, %arg37: memref<!tpu.dma_semaphore, #tpu.memory_space<semaphore_mem>>, %arg38: memref<!tpu.dma_semaphore, #tpu.memory_space<semaphore_mem>>, %arg39: memref<!tpu.dma_semaphore, #tpu.memory_space<semaphore_mem>>, %arg40: memref<!tpu.dma_semaphore, #tpu.memory_space<semaphore_mem>>, %arg41: memref<!tpu.dma_semaphore, #tpu.memory_space<semaphore_mem>>, %arg42: memref<!tpu.dma_semaphore, #tpu.memory_space<semaphore_mem>>, %arg43: memref<!tpu.dma_semaphore, #tpu.memory_space<semaphore_mem>>, %arg44: memref<!tpu.dma_semaphore, #tpu.memory_space<semaphore_mem>>, %arg45: memref<!tpu.dma_semaphore, #tpu.memory_space<semaphore_mem>>, %arg46: memref<!tpu.dma_semaphore, #tpu.memory_space<semaphore_mem>>, %arg47: memref<!tpu.dma_semaphore, #tpu.memory_space<semaphore_mem>>, %arg48: memref<!tpu.dma_semaphore, #tpu.memory_space<semaphore_mem>>, %arg49: memref<!tpu.dma_semaphore, #tpu.memory_space<semaphore_mem>>, %arg50: memref<!tpu.dma_semaphore, #tpu.memory_space<semaphore_mem>>, %arg51: memref<!tpu.dma_semaphore, #tpu.memory_space<semaphore_mem>>) attributes {dimension_semantics = [#tpu.dimension_semantics<core_parallel>, #tpu.dimension_semantics<subcore_parallel>], iteration_bounds = array<i64: 2, 16>, scalar_prefetch = 0 : i64, scratch_operands = 45 : i64, tpu.core_type = #tpu.core_type<sc_vector_subcore>, window_params = [{transform_indices = #map}, {transform_indices = #map}, {transform_indices = #map1}, {transform_indices = #map1}, {transform_indices = #map1}]} {
    %mul3A = arith.constant 2 : i32
    %mul3A_0 = arith.muli %arg1, %mul3A : i32
    %add3A = arith.addi %mul3A_0, %arg0 : i32
    %mul3A_1 = arith.constant 6400 : i32
    %mul3A_2 = arith.muli %add3A, %mul3A_1 : i32
    %mul3A_3 = arith.constant 3200 : i32
    %mul3A_4 = arith.muli %add3A, %mul3A_3 : i32
    %add3A_5 = arith.constant 0 : i32
    %add3A_6 = arith.addi %mul3A_2, %add3A_5 : i32
    %add3A_7 = arith.constant 0 : i32
    %add3A_8 = arith.addi %mul3A_4, %add3A_7 : i32
    %dma_start3A = tpu.memref_slice %arg2[%add3A_6] : memref<204800xi32, #tpu.memory_space<hbm>> -> memref<128xi32, #tpu.memory_space<hbm>>
    %dma_start3A_9 = tpu.memref_slice %arg2[%add3A_6] : memref<204800xi32, #tpu.memory_space<hbm>> -> memref<128xi32, #tpu.memory_space<hbm>>
    tpu.enqueue_dma source(%dma_start3A_9 : memref<128xi32, #tpu.memory_space<hbm>>) target(%arg7 : memref<128xi32, #tpu.memory_space<vmem>>) target_semaphore(%arg32 : memref<!tpu.dma_semaphore, #tpu.memory_space<semaphore_mem>>)
    %dma_start3A_10 = tpu.memref_slice %arg3[%add3A_8] : memref<102400xi32, #tpu.memory_space<hbm>> -> memref<64xi32, #tpu.memory_space<hbm>>
    %dma_start3A_11 = tpu.memref_slice %arg3[%add3A_8] : memref<102400xi32, #tpu.memory_space<hbm>> -> memref<64xi32, #tpu.memory_space<hbm>>
    tpu.enqueue_dma source(%dma_start3A_11 : memref<64xi32, #tpu.memory_space<hbm>>) target(%arg12 : memref<64xi32, #tpu.memory_space<vmem>>) target_semaphore(%arg32 : memref<!tpu.dma_semaphore, #tpu.memory_space<semaphore_mem>>)
    %add3A_12 = arith.constant 128 : i32
    %add3A_13 = arith.addi %mul3A_2, %add3A_12 : i32
    %add3A_14 = arith.constant 64 : i32
    %add3A_15 = arith.addi %mul3A_4, %add3A_14 : i32
    %dma_start3A_16 = tpu.memref_slice %arg2[%add3A_13] : memref<204800xi32, #tpu.memory_space<hbm>> -> memref<128xi32, #tpu.memory_space<hbm>>
    %dma_start3A_17 = tpu.memref_slice %arg2[%add3A_13] : memref<204800xi32, #tpu.memory_space<hbm>> -> memref<128xi32, #tpu.memory_space<hbm>>
    tpu.enqueue_dma source(%dma_start3A_17 : memref<128xi32, #tpu.memory_space<hbm>>) target(%arg8 : memref<128xi32, #tpu.memory_space<vmem>>) target_semaphore(%arg33 : memref<!tpu.dma_semaphore, #tpu.memory_space<semaphore_mem>>)
    %dma_start3A_18 = tpu.memref_slice %arg3[%add3A_15] : memref<102400xi32, #tpu.memory_space<hbm>> -> memref<64xi32, #tpu.memory_space<hbm>>
    %dma_start3A_19 = tpu.memref_slice %arg3[%add3A_15] : memref<102400xi32, #tpu.memory_space<hbm>> -> memref<64xi32, #tpu.memory_space<hbm>>
    tpu.enqueue_dma source(%dma_start3A_19 : memref<64xi32, #tpu.memory_space<hbm>>) target(%arg13 : memref<64xi32, #tpu.memory_space<vmem>>) target_semaphore(%arg33 : memref<!tpu.dma_semaphore, #tpu.memory_space<semaphore_mem>>)
    %add3A_20 = arith.constant 256 : i32
    %add3A_21 = arith.addi %mul3A_2, %add3A_20 : i32
    %add3A_22 = arith.constant 128 : i32
    %add3A_23 = arith.addi %mul3A_4, %add3A_22 : i32
    %dma_start3A_24 = tpu.memref_slice %arg2[%add3A_21] : memref<204800xi32, #tpu.memory_space<hbm>> -> memref<128xi32, #tpu.memory_space<hbm>>
    %dma_start3A_25 = tpu.memref_slice %arg2[%add3A_21] : memref<204800xi32, #tpu.memory_space<hbm>> -> memref<128xi32, #tpu.memory_space<hbm>>
    tpu.enqueue_dma source(%dma_start3A_25 : memref<128xi32, #tpu.memory_space<hbm>>) target(%arg9 : memref<128xi32, #tpu.memory_space<vmem>>) target_semaphore(%arg34 : memref<!tpu.dma_semaphore, #tpu.memory_space<semaphore_mem>>)
    %dma_start3A_26 = tpu.memref_slice %arg3[%add3A_23] : memref<102400xi32, #tpu.memory_space<hbm>> -> memref<64xi32, #tpu.memory_space<hbm>>
    %dma_start3A_27 = tpu.memref_slice %arg3[%add3A_23] : memref<102400xi32, #tpu.memory_space<hbm>> -> memref<64xi32, #tpu.memory_space<hbm>>
    tpu.enqueue_dma source(%dma_start3A_27 : memref<64xi32, #tpu.memory_space<hbm>>) target(%arg14 : memref<64xi32, #tpu.memory_space<vmem>>) target_semaphore(%arg34 : memref<!tpu.dma_semaphore, #tpu.memory_space<semaphore_mem>>)
    %add3A_28 = arith.constant 0 : i32
    %add3A_29 = arith.addi %mul3A_2, %add3A_28 : i32
    %dma_wait3A = arith.constant 0 : i32
    %dma_wait3A_30 = tpu.memref_slice %arg2[%dma_wait3A] : memref<204800xi32, #tpu.memory_space<hbm>> -> memref<128xi32, #tpu.memory_space<hbm>>
    %dma_wait3A_31 = arith.constant 0 : i32
    %dma_wait3A_32 = tpu.memref_slice %arg2[%dma_wait3A_31] : memref<204800xi32, #tpu.memory_space<hbm>> -> memref<128xi32, #tpu.memory_space<hbm>>
    tpu.wait_dma2 semaphore(%arg32 : memref<!tpu.dma_semaphore, #tpu.memory_space<semaphore_mem>>) src(%dma_wait3A_32 : memref<128xi32, #tpu.memory_space<hbm>>) dst(%arg7 : memref<128xi32, #tpu.memory_space<vmem>>)
    %dma_wait3A_33 = arith.constant 0 : i32
    %dma_wait3A_34 = tpu.memref_slice %arg3[%dma_wait3A_33] : memref<102400xi32, #tpu.memory_space<hbm>> -> memref<64xi32, #tpu.memory_space<hbm>>
    %dma_wait3A_35 = arith.constant 0 : i32
    %dma_wait3A_36 = tpu.memref_slice %arg3[%dma_wait3A_35] : memref<102400xi32, #tpu.memory_space<hbm>> -> memref<64xi32, #tpu.memory_space<hbm>>
    tpu.wait_dma2 semaphore(%arg32 : memref<!tpu.dma_semaphore, #tpu.memory_space<semaphore_mem>>) src(%dma_wait3A_36 : memref<64xi32, #tpu.memory_space<hbm>>) dst(%arg12 : memref<64xi32, #tpu.memory_space<vmem>>)
    %add3A_37 = arith.constant 0 : i32
    %add3A_38 = arith.addi %mul3A_4, %add3A_37 : i32
    %add3A_39 = arith.constant 0 : i32
    %add3A_40 = arith.addi %add3A_38, %add3A_39 : i32
    %iota3A = tpu.iota {dimensions = array<i32: 0>} : vector<16xi32>
    %add3A_41 = vector.broadcast %add3A_40 : i32 to vector<16xi32>
    %add3A_42 = arith.addi %add3A_41, %iota3A : vector<16xi32>
    %rem3A = arith.constant 100 : i32
    %rem3A_43 = vector.broadcast %rem3A : i32 to vector<16xi32>
    %rem3A_44 = arith.remsi %add3A_42, %rem3A_43 : vector<16xi32>
    %get3A = arith.constant 0 : index
    %get3A_45 = tpu.vector_load %arg12[%get3A] {strides = array<i32>} : memref<64xi32, #tpu.memory_space<vmem>>, vector<16xi32>,
    %get3A_46 = vector.shape_cast %get3A_45 : vector<16xi32> to vector<16xi32>
    %mul3A_47 = arith.constant 100 : i32
    %mul3A_48 = vector.broadcast %mul3A_47 : i32 to vector<16xi32>
    %mul3A_49 = arith.muli %get3A_46, %mul3A_48 : vector<16xi32>
    %add3A_50 = arith.addi %mul3A_49, %rem3A_44 : vector<16xi32>
    %swap3A = arith.constant 0 : index
    %swap3A_51 = tpu.vector_load %arg17[%swap3A] {strides = array<i32>} : memref<64xi32, #tpu.memory_space<vmem>>, vector<16xi32>,
    %swap3A_52 = vector.shape_cast %swap3A_51 : vector<16xi32> to vector<16xi32>
    %swap3A_53 = vector.shape_cast %add3A_50 : vector<16xi32> to vector<16xi32>
    tpu.vector_store %arg17[%swap3A], %swap3A_53 {strides = array<i32>} : memref<64xi32, #tpu.memory_space<vmem>>, vector<16xi32>,
    %add3A_54 = arith.constant 0 : i32
    %add3A_55 = arith.addi %mul3A_4, %add3A_54 : i32
    %add3A_56 = arith.constant 16 : i32
    %add3A_57 = arith.addi %add3A_55, %add3A_56 : i32
    %iota3A_58 = tpu.iota {dimensions = array<i32: 0>} : vector<16xi32>
    %add3A_59 = vector.broadcast %add3A_57 : i32 to vector<16xi32>
    %add3A_60 = arith.addi %add3A_59, %iota3A_58 : vector<16xi32>
    %rem3A_61 = arith.constant 100 : i32
    %rem3A_62 = vector.broadcast %rem3A_61 : i32 to vector<16xi32>
    %rem3A_63 = arith.remsi %add3A_60, %rem3A_62 : vector<16xi32>
    %get3A_64 = arith.constant 16 : index
    %get3A_65 = tpu.vector_load %arg12[%get3A_64] {strides = array<i32>} : memref<64xi32, #tpu.memory_space<vmem>>, vector<16xi32>,
    %get3A_66 = vector.shape_cast %get3A_65 : vector<16xi32> to vector<16xi32>
    %mul3A_67 = arith.constant 100 : i32
    %mul3A_68 = vector.broadcast %mul3A_67 : i32 to vector<16xi32>
    %mul3A_69 = arith.muli %get3A_66, %mul3A_68 : vector<16xi32>
    %add3A_70 = arith.addi %mul3A_69, %rem3A_63 : vector<16xi32>
    %swap3A_71 = arith.constant 16 : index
    %swap3A_72 = tpu.vector_load %arg17[%swap3A_71] {strides = array<i32>} : memref<64xi32, #tpu.memory_space<vmem>>, vector<16xi32>,
    %swap3A_73 = vector.shape_cast %swap3A_72 : vector<16xi32> to vector<16xi32>
    %swap3A_74 = vector.shape_cast %add3A_70 : vector<16xi32> to vector<16xi32>
    tpu.vector_store %arg17[%swap3A_71], %swap3A_74 {strides = array<i32>} : memref<64xi32, #tpu.memory_space<vmem>>, vector<16xi32>,
    %add3A_75 = arith.constant 0 : i32
    %add3A_76 = arith.addi %mul3A_4, %add3A_75 : i32
    %add3A_77 = arith.constant 32 : i32
    %add3A_78 = arith.addi %add3A_76, %add3A_77 : i32
    %iota3A_79 = tpu.iota {dimensions = array<i32: 0>} : vector<16xi32>
    %add3A_80 = vector.broadcast %add3A_78 : i32 to vector<16xi32>
    %add3A_81 = arith.addi %add3A_80, %iota3A_79 : vector<16xi32>
    %rem3A_82 = arith.constant 100 : i32
    %rem3A_83 = vector.broadcast %rem3A_82 : i32 to vector<16xi32>
    %rem3A_84 = arith.remsi %add3A_81, %rem3A_83 : vector<16xi32>
    %get3A_85 = arith.constant 32 : index
    %get3A_86 = tpu.vector_load %arg12[%get3A_85] {strides = array<i32>} : memref<64xi32, #tpu.memory_space<vmem>>, vector<16xi32>,
    %get3A_87 = vector.shape_cast %get3A_86 : vector<16xi32> to vector<16xi32>
    %mul3A_88 = arith.constant 100 : i32
    %mul3A_89 = vector.broadcast %mul3A_88 : i32 to vector<16xi32>
    %mul3A_90 = arith.muli %get3A_87, %mul3A_89 : vector<16xi32>
    %add3A_91 = arith.addi %mul3A_90, %rem3A_84 : vector<16xi32>
    %swap3A_92 = arith.constant 32 : index
    %swap3A_93 = tpu.vector_load %arg17[%swap3A_92] {strides = array<i32>} : memref<64xi32, #tpu.memory_space<vmem>>, vector<16xi32>,
    %swap3A_94 = vector.shape_cast %swap3A_93 : vector<16xi32> to vector<16xi32>
    %swap3A_95 = vector.shape_cast %add3A_91 : vector<16xi32> to vector<16xi32>
    tpu.vector_store %arg17[%swap3A_92], %swap3A_95 {strides = array<i32>} : memref<64xi32, #tpu.memory_space<vmem>>, vector<16xi32>,
    %add3A_96 = arith.constant 0 : i32
    %add3A_97 = arith.addi %mul3A_4, %add3A_96 : i32
    %add3A_98 = arith.constant 48 : i32
    %add3A_99 = arith.addi %add3A_97, %add3A_98 : i32
    %iota3A_100 = tpu.iota {dimensions = array<i32: 0>} : vector<16xi32>
    %add3A_101 = vector.broadcast %add3A_99 : i32 to vector<16xi32>
    %add3A_102 = arith.addi %add3A_101, %iota3A_100 : vector<16xi32>
    %rem3A_103 = arith.constant 100 : i32
    %rem3A_104 = vector.broadcast %rem3A_103 : i32 to vector<16xi32>
    %rem3A_105 = arith.remsi %add3A_102, %rem3A_104 : vector<16xi32>
    %get3A_106 = arith.constant 48 : index
    %get3A_107 = tpu.vector_load %arg12[%get3A_106] {strides = array<i32>} : memref<64xi32, #tpu.memory_space<vmem>>, vector<16xi32>,
    %get3A_108 = vector.shape_cast %get3A_107 : vector<16xi32> to vector<16xi32>
    %mul3A_109 = arith.constant 100 : i32
    %mul3A_110 = vector.broadcast %mul3A_109 : i32 to vector<16xi32>
    %mul3A_111 = arith.muli %get3A_108, %mul3A_110 : vector<16xi32>
    %add3A_112 = arith.addi %mul3A_111, %rem3A_105 : vector<16xi32>
    %swap3A_113 = arith.constant 48 : index
    %swap3A_114 = tpu.vector_load %arg17[%swap3A_113] {strides = array<i32>} : memref<64xi32, #tpu.memory_space<vmem>>, vector<16xi32>,
    %swap3A_115 = vector.shape_cast %swap3A_114 : vector<16xi32> to vector<16xi32>
    %swap3A_116 = vector.shape_cast %add3A_112 : vector<16xi32> to vector<16xi32>
    tpu.vector_store %arg17[%swap3A_113], %swap3A_116 {strides = array<i32>} : memref<64xi32, #tpu.memory_space<vmem>>, vector<16xi32>,
    %dma_start3A_117 = arith.constant 0 : i32
    %dma_start3A_118 = arith.constant 0 : i32
    %dma_start3A_119 = tpu.memref_slice %arg4[%dma_start3A_117, %dma_start3A_118] : memref<100000x128xf32, #tpu.memory_space<hbm>> -> memref<100000x128xf32, #tpu.memory_space<hbm>>
    tpu.enqueue_indirect_dma source(%dma_start3A_119 : memref<100000x128xf32, #tpu.memory_space<hbm>>) target(%arg22 : memref<128x128xf32, #tpu.memory_space<vmem>>) offsets(%arg7 : memref<128xi32, #tpu.memory_space<vmem>>) semaphore(%arg37 : memref<!tpu.dma_semaphore, #tpu.memory_space<semaphore_mem>>)
    %dma_start3A_120 = arith.constant 0 : i32
    %dma_start3A_121 = arith.constant 0 : i32
    %dma_start3A_122 = tpu.memref_slice %arg5[%dma_start3A_120, %dma_start3A_121] : memref<900x128xi32, #tpu.memory_space<hbm>> -> memref<900x128xi32, #tpu.memory_space<hbm>>
    tpu.enqueue_indirect_dma source(%dma_start3A_122 : memref<900x128xi32, #tpu.memory_space<hbm>>) target(%arg27 : memref<64x128xi32, #tpu.memory_space<vmem>>) offsets(%arg17 : memref<64xi32, #tpu.memory_space<vmem>>) semaphore(%arg42 : memref<!tpu.dma_semaphore, #tpu.memory_space<semaphore_mem>>)
    %add3A_123 = arith.constant 128 : i32
    %add3A_124 = arith.addi %mul3A_2, %add3A_123 : i32
    %dma_wait3A_125 = arith.constant 0 : i32
    %dma_wait3A_126 = tpu.memref_slice %arg2[%dma_wait3A_125] : memref<204800xi32, #tpu.memory_space<hbm>> -> memref<128xi32, #tpu.memory_space<hbm>>
    %dma_wait3A_127 = arith.constant 0 : i32
    %dma_wait3A_128 = tpu.memref_slice %arg2[%dma_wait3A_127] : memref<204800xi32, #tpu.memory_space<hbm>> -> memref<128xi32, #tpu.memory_space<hbm>>
    tpu.wait_dma2 semaphore(%arg33 : memref<!tpu.dma_semaphore, #tpu.memory_space<semaphore_mem>>) src(%dma_wait3A_128 : memref<128xi32, #tpu.memory_space<hbm>>) dst(%arg8 : memref<128xi32, #tpu.memory_space<vmem>>)
    %dma_wait3A_129 = arith.constant 0 : i32
    %dma_wait3A_130 = tpu.memref_slice %arg3[%dma_wait3A_129] : memref<102400xi32, #tpu.memory_space<hbm>> -> memref<64xi32, #tpu.memory_space<hbm>>
    %dma_wait3A_131 = arith.constant 0 : i32
    %dma_wait3A_132 = tpu.memref_slice %arg3[%dma_wait3A_131] : memref<102400xi32, #tpu.memory_space<hbm>> -> memref<64xi32, #tpu.memory_space<hbm>>
    tpu.wait_dma2 semaphore(%arg33 : memref<!tpu.dma_semaphore, #tpu.memory_space<semaphore_mem>>) src(%dma_wait3A_132 : memref<64xi32, #tpu.memory_space<hbm>>) dst(%arg13 : memref<64xi32, #tpu.memory_space<vmem>>)
    %add3A_133 = arith.constant 64 : i32
    %add3A_134 = arith.addi %mul3A_4, %add3A_133 : i32
    %add3A_135 = arith.constant 0 : i32
    %add3A_136 = arith.addi %add3A_134, %add3A_135 : i32
    %iota3A_137 = tpu.iota {dimensions = array<i32: 0>} : vector<16xi32>
    %add3A_138 = vector.broadcast %add3A_136 : i32 to vector<16xi32>
    %add3A_139 = arith.addi %add3A_138, %iota3A_137 : vector<16xi32>
    %rem3A_140 = arith.constant 100 : i32
    %rem3A_141 = vector.broadcast %rem3A_140 : i32 to vector<16xi32>
    %rem3A_142 = arith.remsi %add3A_139, %rem3A_141 : vector<16xi32>
    %get3A_143 = arith.constant 0 : index
    %get3A_144 = tpu.vector_load %arg13[%get3A_143] {strides = array<i32>} : memref<64xi32, #tpu.memory_space<vmem>>, vector<16xi32>,
    %get3A_145 = vector.shape_cast %get3A_144 : vector<16xi32> to vector<16xi32>
    %mul3A_146 = arith.constant 100 : i32
    %mul3A_147 = vector.broadcast %mul3A_146 : i32 to vector<16xi32>
    %mul3A_148 = arith.muli %get3A_145, %mul3A_147 : vector<16xi32>
    %add3A_149 = arith.addi %mul3A_148, %rem3A_142 : vector<16xi32>
    %swap3A_150 = arith.constant 0 : index
    %swap3A_151 = tpu.vector_load %arg18[%swap3A_150] {strides = array<i32>} : memref<64xi32, #tpu.memory_space<vmem>>, vector<16xi32>,
    %swap3A_152 = vector.shape_cast %swap3A_151 : vector<16xi32> to vector<16xi32>
    %swap3A_153 = vector.shape_cast %add3A_149 : vector<16xi32> to vector<16xi32>
    tpu.vector_store %arg18[%swap3A_150], %swap3A_153 {strides = array<i32>} : memref<64xi32, #tpu.memory_space<vmem>>, vector<16xi32>,
    %add3A_154 = arith.constant 64 : i32
    %add3A_155 = arith.addi %mul3A_4, %add3A_154 : i32
    %add3A_156 = arith.constant 16 : i32
    %add3A_157 = arith.addi %add3A_155, %add3A_156 : i32
    %iota3A_158 = tpu.iota {dimensions = array<i32: 0>} : vector<16xi32>
    %add3A_159 = vector.broadcast %add3A_157 : i32 to vector<16xi32>
    %add3A_160 = arith.addi %add3A_159, %iota3A_158 : vector<16xi32>
    %rem3A_161 = arith.constant 100 : i32
    %rem3A_162 = vector.broadcast %rem3A_161 : i32 to vector<16xi32>
    %rem3A_163 = arith.remsi %add3A_160, %rem3A_162 : vector<16xi32>
    %get3A_164 = arith.constant 16 : index
    %get3A_165 = tpu.vector_load %arg13[%get3A_164] {strides = array<i32>} : memref<64xi32, #tpu.memory_space<vmem>>, vector<16xi32>,
    %get3A_166 = vector.shape_cast %get3A_165 : vector<16xi32> to vector<16xi32>
    %mul3A_167 = arith.constant 100 : i32
    %mul3A_168 = vector.broadcast %mul3A_167 : i32 to vector<16xi32>
    %mul3A_169 = arith.muli %get3A_166, %mul3A_168 : vector<16xi32>
    %add3A_170 = arith.addi %mul3A_169, %rem3A_163 : vector<16xi32>
    %swap3A_171 = arith.constant 16 : index
    %swap3A_172 = tpu.vector_load %arg18[%swap3A_171] {strides = array<i32>} : memref<64xi32, #tpu.memory_space<vmem>>, vector<16xi32>,
    %swap3A_173 = vector.shape_cast %swap3A_172 : vector<16xi32> to vector<16xi32>
    %swap3A_174 = vector.shape_cast %add3A_170 : vector<16xi32> to vector<16xi32>
    tpu.vector_store %arg18[%swap3A_171], %swap3A_174 {strides = array<i32>} : memref<64xi32, #tpu.memory_space<vmem>>, vector<16xi32>,
    %add3A_175 = arith.constant 64 : i32
    %add3A_176 = arith.addi %mul3A_4, %add3A_175 : i32
    %add3A_177 = arith.constant 32 : i32
    %add3A_178 = arith.addi %add3A_176, %add3A_177 : i32
    %iota3A_179 = tpu.iota {dimensions = array<i32: 0>} : vector<16xi32>
    %add3A_180 = vector.broadcast %add3A_178 : i32 to vector<16xi32>
    %add3A_181 = arith.addi %add3A_180, %iota3A_179 : vector<16xi32>
    %rem3A_182 = arith.constant 100 : i32
    %rem3A_183 = vector.broadcast %rem3A_182 : i32 to vector<16xi32>
    %rem3A_184 = arith.remsi %add3A_181, %rem3A_183 : vector<16xi32>
    %get3A_185 = arith.constant 32 : index
    %get3A_186 = tpu.vector_load %arg13[%get3A_185] {strides = array<i32>} : memref<64xi32, #tpu.memory_space<vmem>>, vector<16xi32>,
    %get3A_187 = vector.shape_cast %get3A_186 : vector<16xi32> to vector<16xi32>
    %mul3A_188 = arith.constant 100 : i32
    %mul3A_189 = vector.broadcast %mul3A_188 : i32 to vector<16xi32>
    %mul3A_190 = arith.muli %get3A_187, %mul3A_189 : vector<16xi32>
    %add3A_191 = arith.addi %mul3A_190, %rem3A_184 : vector<16xi32>
    %swap3A_192 = arith.constant 32 : index
    %swap3A_193 = tpu.vector_load %arg18[%swap3A_192] {strides = array<i32>} : memref<64xi32, #tpu.memory_space<vmem>>, vector<16xi32>,
    %swap3A_194 = vector.shape_cast %swap3A_193 : vector<16xi32> to vector<16xi32>
    %swap3A_195 = vector.shape_cast %add3A_191 : vector<16xi32> to vector<16xi32>
    tpu.vector_store %arg18[%swap3A_192], %swap3A_195 {strides = array<i32>} : memref<64xi32, #tpu.memory_space<vmem>>, vector<16xi32>,
    %add3A_196 = arith.constant 64 : i32
    %add3A_197 = arith.addi %mul3A_4, %add3A_196 : i32
    %add3A_198 = arith.constant 48 : i32
    %add3A_199 = arith.addi %add3A_197, %add3A_198 : i32
    %iota3A_200 = tpu.iota {dimensions = array<i32: 0>} : vector<16xi32>
    %add3A_201 = vector.broadcast %add3A_199 : i32 to vector<16xi32>
    %add3A_202 = arith.addi %add3A_201, %iota3A_200 : vector<16xi32>
    %rem3A_203 = arith.constant 100 : i32
    %rem3A_204 = vector.broadcast %rem3A_203 : i32 to vector<16xi32>
    %rem3A_205 = arith.remsi %add3A_202, %rem3A_204 : vector<16xi32>
    %get3A_206 = arith.constant 48 : index
    %get3A_207 = tpu.vector_load %arg13[%get3A_206] {strides = array<i32>} : memref<64xi32, #tpu.memory_space<vmem>>, vector<16xi32>,
    %get3A_208 = vector.shape_cast %get3A_207 : vector<16xi32> to vector<16xi32>
    %mul3A_209 = arith.constant 100 : i32
    %mul3A_210 = vector.broadcast %mul3A_209 : i32 to vector<16xi32>
    %mul3A_211 = arith.muli %get3A_208, %mul3A_210 : vector<16xi32>
    %add3A_212 = arith.addi %mul3A_211, %rem3A_205 : vector<16xi32>
    %swap3A_213 = arith.constant 48 : index
    %swap3A_214 = tpu.vector_load %arg18[%swap3A_213] {strides = array<i32>} : memref<64xi32, #tpu.memory_space<vmem>>, vector<16xi32>,
    %swap3A_215 = vector.shape_cast %swap3A_214 : vector<16xi32> to vector<16xi32>
    %swap3A_216 = vector.shape_cast %add3A_212 : vector<16xi32> to vector<16xi32>
    tpu.vector_store %arg18[%swap3A_213], %swap3A_216 {strides = array<i32>} : memref<64xi32, #tpu.memory_space<vmem>>, vector<16xi32>,
    %dma_start3A_217 = arith.constant 0 : i32
    %dma_start3A_218 = arith.constant 0 : i32
    %dma_start3A_219 = tpu.memref_slice %arg4[%dma_start3A_217, %dma_start3A_218] : memref<100000x128xf32, #tpu.memory_space<hbm>> -> memref<100000x128xf32, #tpu.memory_space<hbm>>
    tpu.enqueue_indirect_dma source(%dma_start3A_219 : memref<100000x128xf32, #tpu.memory_space<hbm>>) target(%arg23 : memref<128x128xf32, #tpu.memory_space<vmem>>) offsets(%arg8 : memref<128xi32, #tpu.memory_space<vmem>>) semaphore(%arg38 : memref<!tpu.dma_semaphore, #tpu.memory_space<semaphore_mem>>)
    %dma_start3A_220 = arith.constant 0 : i32
    %dma_start3A_221 = arith.constant 0 : i32
    %dma_start3A_222 = tpu.memref_slice %arg5[%dma_start3A_220, %dma_start3A_221] : memref<900x128xi32, #tpu.memory_space<hbm>> -> memref<900x128xi32, #tpu.memory_space<hbm>>
    tpu.enqueue_indirect_dma source(%dma_start3A_222 : memref<900x128xi32, #tpu.memory_space<hbm>>) target(%arg28 : memref<64x128xi32, #tpu.memory_space<vmem>>) offsets(%arg18 : memref<64xi32, #tpu.memory_space<vmem>>) semaphore(%arg43 : memref<!tpu.dma_semaphore, #tpu.memory_space<semaphore_mem>>)
    %scan3A = arith.constant 0 : i32
    %scan3A_223 = arith.constant 0 : i32
    %scan3A_224 = arith.constant 10 : i32
    %scan3A_225 = arith.addi %scan3A_223, %scan3A_224 : i32
    %scan3A_226 = arith.constant 1 : i32
    scf.for %scan3A_246 = %scan3A_223 to %scan3A_225 step %scan3A_226  : i32 {
      %mul3A_247 = arith.constant 5 : i32
      %mul3A_248 = arith.muli %scan3A_246, %mul3A_247 : i32
      %add3A_249 = arith.constant 0 : i32
      %add3A_250 = arith.addi %mul3A_248, %add3A_249 : i32
      %ge3A = arith.constant 1 : i32
      %ge3A_251 = arith.cmpi sge, %scan3A_246, %ge3A : i32
      %convert_element_type3A = arith.extui %ge3A_251 : i1 to i32
      %cond3A = arith.constant 0 : i32
      %cond3A_252 = arith.cmpi ne, %convert_element_type3A, %cond3A : i32
      scf.if %cond3A_252 {
        %dma_wait3A_765 = arith.constant 0 : i32
        %dma_wait3A_766 = arith.constant 0 : i32
        %dma_wait3A_767 = tpu.memref_slice %arg6[%dma_wait3A_765, %dma_wait3A_766] : memref<204800x128xf32, #tpu.memory_space<hbm>> -> memref<128x128xf32, #tpu.memory_space<hbm>>
        %dma_wait3A_768 = arith.constant 0 : i32
        %dma_wait3A_769 = arith.constant 0 : i32
        %dma_wait3A_770 = tpu.memref_slice %arg6[%dma_wait3A_768, %dma_wait3A_769] : memref<204800x128xf32, #tpu.memory_space<hbm>> -> memref<128x128xf32, #tpu.memory_space<hbm>>
        tpu.wait_dma2 semaphore(%arg49 : memref<!tpu.dma_semaphore, #tpu.memory_space<semaphore_mem>>) src(%arg24 : memref<128x128xf32, #tpu.memory_space<vmem>>) dst(%dma_wait3A_770 : memref<128x128xf32, #tpu.memory_space<hbm>>)
      } else {
      }
      %add3A_253 = arith.constant 3 : i32
      %add3A_254 = arith.addi %add3A_250, %add3A_253 : i32
      %mul3A_255 = arith.constant 128 : i32
      %mul3A_256 = arith.muli %add3A_254, %mul3A_255 : i32
      %add3A_257 = arith.addi %mul3A_2, %mul3A_256 : i32
      %mul3A_258 = arith.constant 64 : i32
      %mul3A_259 = arith.muli %add3A_254, %mul3A_258 : i32
      %add3A_260 = arith.addi %mul3A_4, %mul3A_259 : i32
      %dma_start3A_261 = tpu.memref_slice %arg2[%add3A_257] : memref<204800xi32, #tpu.memory_space<hbm>> -> memref<128xi32, #tpu.memory_space<hbm>>
      %dma_start3A_262 = tpu.memref_slice %arg2[%add3A_257] : memref<204800xi32, #tpu.memory_space<hbm>> -> memref<128xi32, #tpu.memory_space<hbm>>
      tpu.enqueue_dma source(%dma_start3A_262 : memref<128xi32, #tpu.memory_space<hbm>>) target(%arg10 : memref<128xi32, #tpu.memory_space<vmem>>) target_semaphore(%arg35 : memref<!tpu.dma_semaphore, #tpu.memory_space<semaphore_mem>>)
      %dma_start3A_263 = tpu.memref_slice %arg3[%add3A_260] : memref<102400xi32, #tpu.memory_space<hbm>> -> memref<64xi32, #tpu.memory_space<hbm>>
      %dma_start3A_264 = tpu.memref_slice %arg3[%add3A_260] : memref<102400xi32, #tpu.memory_space<hbm>> -> memref<64xi32, #tpu.memory_space<hbm>>
      tpu.enqueue_dma source(%dma_start3A_264 : memref<64xi32, #tpu.memory_space<hbm>>) target(%arg15 : memref<64xi32, #tpu.memory_space<vmem>>) target_semaphore(%arg35 : memref<!tpu.dma_semaphore, #tpu.memory_space<semaphore_mem>>)
      %add3A_265 = arith.constant 2 : i32
      %add3A_266 = arith.addi %add3A_250, %add3A_265 : i32
      %mul3A_267 = arith.constant 128 : i32
      %mul3A_268 = arith.muli %add3A_266, %mul3A_267 : i32
      %add3A_269 = arith.addi %mul3A_2, %mul3A_268 : i32
      %dma_wait3A_270 = arith.constant 0 : i32
      %dma_wait3A_271 = tpu.memref_slice %arg2[%dma_wait3A_270] : memref<204800xi32, #tpu.memory_space<hbm>> -> memref<128xi32, #tpu.memory_space<hbm>>
      %dma_wait3A_272 = arith.constant 0 : i32
      %dma_wait3A_273 = tpu.memref_slice %arg2[%dma_wait3A_272] : memref<204800xi32, #tpu.memory_space<hbm>> -> memref<128xi32, #tpu.memory_space<hbm>>
      tpu.wait_dma2 semaphore(%arg34 : memref<!tpu.dma_semaphore, #tpu.memory_space<semaphore_mem>>) src(%dma_wait3A_273 : memref<128xi32, #tpu.memory_space<hbm>>) dst(%arg9 : memref<128xi32, #tpu.memory_space<vmem>>)
      %dma_wait3A_274 = arith.constant 0 : i32
      %dma_wait3A_275 = tpu.memref_slice %arg3[%dma_wait3A_274] : memref<102400xi32, #tpu.memory_space<hbm>> -> memref<64xi32, #tpu.memory_space<hbm>>
      %dma_wait3A_276 = arith.constant 0 : i32
      %dma_wait3A_277 = tpu.memref_slice %arg3[%dma_wait3A_276] : memref<102400xi32, #tpu.memory_space<hbm>> -> memref<64xi32, #tpu.memory_space<hbm>>
      tpu.wait_dma2 semaphore(%arg34 : memref<!tpu.dma_semaphore, #tpu.memory_space<semaphore_mem>>) src(%dma_wait3A_277 : memref<64xi32, #tpu.memory_space<hbm>>) dst(%arg14 : memref<64xi32, #tpu.memory_space<vmem>>)
      %mul3A_278 = arith.constant 64 : i32
      %mul3A_279 = arith.muli %add3A_266, %mul3A_278 : i32
      %add3A_280 = arith.addi %mul3A_4, %mul3A_279 : i32
      %add3A_281 = arith.constant 0 : i32
      %add3A_282 = arith.addi %add3A_280, %add3A_281 : i32
      %iota3A_283 = tpu.iota {dimensions = array<i32: 0>} : vector<16xi32>
      %add3A_284 = vector.broadcast %add3A_282 : i32 to vector<16xi32>
      %add3A_285 = arith.addi %add3A_284, %iota3A_283 : vector<16xi32>
      %rem3A_286 = arith.constant 100 : i32
      %rem3A_287 = vector.broadcast %rem3A_286 : i32 to vector<16xi32>
      %rem3A_288 = arith.remsi %add3A_285, %rem3A_287 : vector<16xi32>
      %get3A_289 = arith.constant 0 : index
      %get3A_290 = tpu.vector_load %arg14[%get3A_289] {strides = array<i32>} : memref<64xi32, #tpu.memory_space<vmem>>, vector<16xi32>,
      %get3A_291 = vector.shape_cast %get3A_290 : vector<16xi32> to vector<16xi32>
      %mul3A_292 = arith.constant 100 : i32
      %mul3A_293 = vector.broadcast %mul3A_292 : i32 to vector<16xi32>
      %mul3A_294 = arith.muli %get3A_291, %mul3A_293 : vector<16xi32>
      %add3A_295 = arith.addi %mul3A_294, %rem3A_288 : vector<16xi32>
      %swap3A_296 = arith.constant 0 : index
      %swap3A_297 = tpu.vector_load %arg19[%swap3A_296] {strides = array<i32>} : memref<64xi32, #tpu.memory_space<vmem>>, vector<16xi32>,
      %swap3A_298 = vector.shape_cast %swap3A_297 : vector<16xi32> to vector<16xi32>
      %swap3A_299 = vector.shape_cast %add3A_295 : vector<16xi32> to vector<16xi32>
      tpu.vector_store %arg19[%swap3A_296], %swap3A_299 {strides = array<i32>} : memref<64xi32, #tpu.memory_space<vmem>>, vector<16xi32>,
      %mul3A_300 = arith.constant 64 : i32
      %mul3A_301 = arith.muli %add3A_266, %mul3A_300 : i32
      %add3A_302 = arith.addi %mul3A_4, %mul3A_301 : i32
      %add3A_303 = arith.constant 16 : i32
      %add3A_304 = arith.addi %add3A_302, %add3A_303 : i32
      %iota3A_305 = tpu.iota {dimensions = array<i32: 0>} : vector<16xi32>
      %add3A_306 = vector.broadcast %add3A_304 : i32 to vector<16xi32>
      %add3A_307 = arith.addi %add3A_306, %iota3A_305 : vector<16xi32>
      %rem3A_308 = arith.constant 100 : i32
      %rem3A_309 = vector.broadcast %rem3A_308 : i32 to vector<16xi32>
      %rem3A_310 = arith.remsi %add3A_307, %rem3A_309 : vector<16xi32>
      %get3A_311 = arith.constant 16 : index
      %get3A_312 = tpu.vector_load %arg14[%get3A_311] {strides = array<i32>} : memref<64xi32, #tpu.memory_space<vmem>>, vector<16xi32>,
      %get3A_313 = vector.shape_cast %get3A_312 : vector<16xi32> to vector<16xi32>
      %mul3A_314 = arith.constant 100 : i32
      %mul3A_315 = vector.broadcast %mul3A_314 : i32 to vector<16xi32>
      %mul3A_316 = arith.muli %get3A_313, %mul3A_315 : vector<16xi32>
      %add3A_317 = arith.addi %mul3A_316, %rem3A_310 : vector<16xi32>
      %swap3A_318 = arith.constant 16 : index
      %swap3A_319 = tpu.vector_load %arg19[%swap3A_318] {strides = array<i32>} : memref<64xi32, #tpu.memory_space<vmem>>, vector<16xi32>,
      %swap3A_320 = vector.shape_cast %swap3A_319 : vector<16xi32> to vector<16xi32>
      %swap3A_321 = vector.shape_cast %add3A_317 : vector<16xi32> to vector<16xi32>
      tpu.vector_store %arg19[%swap3A_318], %swap3A_321 {strides = array<i32>} : memref<64xi32, #tpu.memory_space<vmem>>, vector<16xi32>,
      %mul3A_322 = arith.constant 64 : i32
      %mul3A_323 = arith.muli %add3A_266, %mul3A_322 : i32
      %add3A_324 = arith.addi %mul3A_4, %mul3A_323 : i32
      %add3A_325 = arith.constant 32 : i32
      %add3A_326 = arith.addi %add3A_324, %add3A_325 : i32
      %iota3A_327 = tpu.iota {dimensions = array<i32: 0>} : vector<16xi32>
      %add3A_328 = vector.broadcast %add3A_326 : i32 to vector<16xi32>
      %add3A_329 = arith.addi %add3A_328, %iota3A_327 : vector<16xi32>
      %rem3A_330 = arith.constant 100 : i32
      %rem3A_331 = vector.broadcast %rem3A_330 : i32 to vector<16xi32>
      %rem3A_332 = arith.remsi %add3A_329, %rem3A_331 : vector<16xi32>
      %get3A_333 = arith.constant 32 : index
      %get3A_334 = tpu.vector_load %arg14[%get3A_333] {strides = array<i32>} : memref<64xi32, #tpu.memory_space<vmem>>, vector<16xi32>,
      %get3A_335 = vector.shape_cast %get3A_334 : vector<16xi32> to vector<16xi32>
      %mul3A_336 = arith.constant 100 : i32
      %mul3A_337 = vector.broadcast %mul3A_336 : i32 to vector<16xi32>
      %mul3A_338 = arith.muli %get3A_335, %mul3A_337 : vector<16xi32>
      %add3A_339 = arith.addi %mul3A_338, %rem3A_332 : vector<16xi32>
      %swap3A_340 = arith.constant 32 : index
      %swap3A_341 = tpu.vector_load %arg19[%swap3A_340] {strides = array<i32>} : memref<64xi32, #tpu.memory_space<vmem>>, vector<16xi32>,
      %swap3A_342 = vector.shape_cast %swap3A_341 : vector<16xi32> to vector<16xi32>
      %swap3A_343 = vector.shape_cast %add3A_339 : vector<16xi32> to vector<16xi32>
      tpu.vector_store %arg19[%swap3A_340], %swap3A_343 {strides = array<i32>} : memref<64xi32, #tpu.memory_space<vmem>>, vector<16xi32>,
      %mul3A_344 = arith.constant 64 : i32
      %mul3A_345 = arith.muli %add3A_266, %mul3A_344 : i32
      %add3A_346 = arith.addi %mul3A_4, %mul3A_345 : i32
      %add3A_347 = arith.constant 48 : i32
      %add3A_348 = arith.addi %add3A_346, %add3A_347 : i32
      %iota3A_349 = tpu.iota {dimensions = array<i32: 0>} : vector<16xi32>
      %add3A_350 = vector.broadcast %add3A_348 : i32 to vector<16xi32>
      %add3A_351 = arith.addi %add3A_350, %iota3A_349 : vector<16xi32>
      %rem3A_352 = arith.constant 100 : i32
      %rem3A_353 = vector.broadcast %rem3A_352 : i32 to vector<16xi32>
      %rem3A_354 = arith.remsi %add3A_351, %rem3A_353 : vector<16xi32>
      %get3A_355 = arith.constant 48 : index
      %get3A_356 = tpu.vector_load %arg14[%get3A_355] {strides = array<i32>} : memref<64xi32, #tpu.memory_space<vmem>>, vector<16xi32>,
      %get3A_357 = vector.shape_cast %get3A_356 : vector<16xi32> to vector<16xi32>
      %mul3A_358 = arith.constant 100 : i32
      %mul3A_359 = vector.broadcast %mul3A_358 : i32 to vector<16xi32>
      %mul3A_360 = arith.muli %get3A_357, %mul3A_359 : vector<16xi32>
      %add3A_361 = arith.addi %mul3A_360, %rem3A_354 : vector<16xi32>
      %swap3A_362 = arith.constant 48 : index
      %swap3A_363 = tpu.vector_load %arg19[%swap3A_362] {strides = array<i32>} : memref<64xi32, #tpu.memory_space<vmem>>, vector<16xi32>,
      %swap3A_364 = vector.shape_cast %swap3A_363 : vector<16xi32> to vector<16xi32>
      %swap3A_365 = vector.shape_cast %add3A_361 : vector<16xi32> to vector<16xi32>
      tpu.vector_store %arg19[%swap3A_362], %swap3A_365 {strides = array<i32>} : memref<64xi32, #tpu.memory_space<vmem>>, vector<16xi32>,
      %dma_start3A_366 = arith.constant 0 : i32
      %dma_start3A_367 = arith.constant 0 : i32
      %dma_start3A_368 = tpu.memref_slice %arg4[%dma_start3A_366, %dma_start3A_367] : memref<100000x128xf32, #tpu.memory_space<hbm>> -> memref<100000x128xf32, #tpu.memory_space<hbm>>
      tpu.enqueue_indirect_dma source(%dma_start3A_368 : memref<100000x128xf32, #tpu.memory_space<hbm>>) target(%arg24 : memref<128x128xf32, #tpu.memory_space<vmem>>) offsets(%arg9 : memref<128xi32, #tpu.memory_space<vmem>>) semaphore(%arg39 : memref<!tpu.dma_semaphore, #tpu.memory_space<semaphore_mem>>)
      %dma_start3A_369 = arith.constant 0 : i32
      %dma_start3A_370 = arith.constant 0 : i32
      %dma_start3A_371 = tpu.memref_slice %arg5[%dma_start3A_369, %dma_start3A_370] : memref<900x128xi32, #tpu.memory_space<hbm>> -> memref<900x128xi32, #tpu.memory_space<hbm>>
      tpu.enqueue_indirect_dma source(%dma_start3A_371 : memref<900x128xi32, #tpu.memory_space<hbm>>) target(%arg29 : memref<64x128xi32, #tpu.memory_space<vmem>>) offsets(%arg19 : memref<64xi32, #tpu.memory_space<vmem>>) semaphore(%arg44 : memref<!tpu.dma_semaphore, #tpu.memory_space<semaphore_mem>>)
      %mul3A_372 = arith.constant 128 : i32
      %mul3A_373 = arith.muli %add3A_250, %mul3A_372 : i32
      %add3A_374 = arith.addi %mul3A_2, %mul3A_373 : i32
      %dma_wait3A_375 = arith.constant 0 : i32
      %dma_wait3A_376 = arith.constant 0 : i32
      %dma_wait3A_377 = tpu.memref_slice %arg4[%dma_wait3A_375, %dma_wait3A_376] : memref<100000x128xf32, #tpu.memory_space<hbm>> -> memref<100000x128xf32, #tpu.memory_space<hbm>>
      tpu.wait_indirect_dma semaphore(%arg37 : memref<!tpu.dma_semaphore, #tpu.memory_space<semaphore_mem>>) src(%dma_wait3A_377 : memref<100000x128xf32, #tpu.memory_space<hbm>>) dst(%arg22 : memref<128x128xf32, #tpu.memory_space<vmem>>)
      %dma_wait3A_378 = arith.constant 0 : i32
      %dma_wait3A_379 = arith.constant 0 : i32
      %dma_wait3A_380 = tpu.memref_slice %arg5[%dma_wait3A_378, %dma_wait3A_379] : memref<900x128xi32, #tpu.memory_space<hbm>> -> memref<900x128xi32, #tpu.memory_space<hbm>>
      tpu.wait_indirect_dma semaphore(%arg42 : memref<!tpu.dma_semaphore, #tpu.memory_space<semaphore_mem>>) src(%dma_wait3A_380 : memref<900x128xi32, #tpu.memory_space<hbm>>) dst(%arg27 : memref<64x128xi32, #tpu.memory_space<vmem>>)
      %scan3A_381 = arith.constant 0 : i32
      %scan3A_382 = arith.constant 0 : i32
      %scan3A_383 = arith.constant 64 : i32
      %scan3A_384 = arith.addi %scan3A_382, %scan3A_383 : i32
      %scan3A_385 = arith.constant 1 : i32
      scf.for %scan3A_765 = %scan3A_382 to %scan3A_384 step %scan3A_385  : i32 {
        %mul3A_766 = arith.constant 2 : i32
        %mul3A_767 = arith.muli %mul3A_766, %scan3A_765 : i32
        %add3A_768 = arith.constant 0 : i32
        %add3A_769 = arith.addi %mul3A_767, %add3A_768 : i32
        %get3A_770 = arith.index_cast %scan3A_765 : i32 to index
        %get3A_771 = arith.constant 0 : index
        %get3A_772 = tpu.vector_load %arg27[%get3A_770, %get3A_771] {strides = array<i32>} : memref<64x128xi32, #tpu.memory_space<vmem>>, vector<1x16xi32>,
        %get3A_773 = vector.shape_cast %get3A_772 : vector<1x16xi32> to vector<16xi32>
        %shift_left3A = arith.constant 16 : i32
        %shift_left3A_774 = vector.broadcast %shift_left3A : i32 to vector<16xi32>
        %shift_left3A_775 = arith.shli %get3A_773, %shift_left3A_774 : vector<16xi32>
        %bitcast_convert_type3A = tpu.bitcast %shift_left3A_775 : vector<16xi32> -> vector<16xf32>
        %and3A = arith.constant -65536 : i32
        %and3A_776 = vector.broadcast %and3A : i32 to vector<16xi32>
        %and3A_777 = arith.andi %get3A_773, %and3A_776 : vector<16xi32>
        %bitcast_convert_type3A_778 = tpu.bitcast %and3A_777 : vector<16xi32> -> vector<16xf32>
        %swap3A_779 = arith.index_cast %add3A_769 : i32 to index
        %swap3A_780 = arith.constant 0 : index
        %swap3A_781 = tpu.vector_load %arg22[%swap3A_779, %swap3A_780] {strides = array<i32>} : memref<128x128xf32, #tpu.memory_space<vmem>>, vector<1x16xf32>,
        %swap3A_782 = vector.shape_cast %swap3A_781 : vector<1x16xf32> to vector<16xf32>
        %swap3A_783 = vector.shape_cast %bitcast_convert_type3A : vector<16xf32> to vector<1x16xf32>
        tpu.vector_store %arg22[%swap3A_779, %swap3A_780], %swap3A_783 {add = true, strides = array<i32>} : memref<128x128xf32, #tpu.memory_space<vmem>>, vector<1x16xf32>,
        %swap3A_784 = arith.index_cast %add3A_769 : i32 to index
        %swap3A_785 = arith.constant 16 : index
        %swap3A_786 = tpu.vector_load %arg22[%swap3A_784, %swap3A_785] {strides = array<i32>} : memref<128x128xf32, #tpu.memory_space<vmem>>, vector<1x16xf32>,
        %swap3A_787 = vector.shape_cast %swap3A_786 : vector<1x16xf32> to vector<16xf32>
        %swap3A_788 = vector.shape_cast %bitcast_convert_type3A_778 : vector<16xf32> to vector<1x16xf32>
        tpu.vector_store %arg22[%swap3A_784, %swap3A_785], %swap3A_788 {add = true, strides = array<i32>} : memref<128x128xf32, #tpu.memory_space<vmem>>, vector<1x16xf32>,
        %get3A_789 = arith.index_cast %scan3A_765 : i32 to index
        %get3A_790 = arith.constant 16 : index
        %get3A_791 = tpu.vector_load %arg27[%get3A_789, %get3A_790] {strides = array<i32>} : memref<64x128xi32, #tpu.memory_space<vmem>>, vector<1x16xi32>,
        %get3A_792 = vector.shape_cast %get3A_791 : vector<1x16xi32> to vector<16xi32>
        %shift_left3A_793 = arith.constant 16 : i32
        %shift_left3A_794 = vector.broadcast %shift_left3A_793 : i32 to vector<16xi32>
        %shift_left3A_795 = arith.shli %get3A_792, %shift_left3A_794 : vector<16xi32>
        %bitcast_convert_type3A_796 = tpu.bitcast %shift_left3A_795 : vector<16xi32> -> vector<16xf32>
        %and3A_797 = arith.constant -65536 : i32
        %and3A_798 = vector.broadcast %and3A_797 : i32 to vector<16xi32>
        %and3A_799 = arith.andi %get3A_792, %and3A_798 : vector<16xi32>
        %bitcast_convert_type3A_800 = tpu.bitcast %and3A_799 : vector<16xi32> -> vector<16xf32>
        %swap3A_801 = arith.index_cast %add3A_769 : i32 to index
        %swap3A_802 = arith.constant 32 : index
        %swap3A_803 = tpu.vector_load %arg22[%swap3A_801, %swap3A_802] {strides = array<i32>} : memref<128x128xf32, #tpu.memory_space<vmem>>, vector<1x16xf32>,
        %swap3A_804 = vector.shape_cast %swap3A_803 : vector<1x16xf32> to vector<16xf32>
        %swap3A_805 = vector.shape_cast %bitcast_convert_type3A_796 : vector<16xf32> to vector<1x16xf32>
        tpu.vector_store %arg22[%swap3A_801, %swap3A_802], %swap3A_805 {add = true, strides = array<i32>} : memref<128x128xf32, #tpu.memory_space<vmem>>, vector<1x16xf32>,
        %swap3A_806 = arith.index_cast %add3A_769 : i32 to index
        %swap3A_807 = arith.constant 48 : index
        %swap3A_808 = tpu.vector_load %arg22[%swap3A_806, %swap3A_807] {strides = array<i32>} : memref<128x128xf32, #tpu.memory_space<vmem>>, vector<1x16xf32>,
        %swap3A_809 = vector.shape_cast %swap3A_808 : vector<1x16xf32> to vector<16xf32>
        %swap3A_810 = vector.shape_cast %bitcast_convert_type3A_800 : vector<16xf32> to vector<1x16xf32>
        tpu.vector_store %arg22[%swap3A_806, %swap3A_807], %swap3A_810 {add = true, strides = array<i32>} : memref<128x128xf32, #tpu.memory_space<vmem>>, vector<1x16xf32>,
        %get3A_811 = arith.index_cast %scan3A_765 : i32 to index
        %get3A_812 = arith.constant 32 : index
        %get3A_813 = tpu.vector_load %arg27[%get3A_811, %get3A_812] {strides = array<i32>} : memref<64x128xi32, #tpu.memory_space<vmem>>, vector<1x16xi32>,
        %get3A_814 = vector.shape_cast %get3A_813 : vector<1x16xi32> to vector<16xi32>
        %shift_left3A_815 = arith.constant 16 : i32
        %shift_left3A_816 = vector.broadcast %shift_left3A_815 : i32 to vector<16xi32>
        %shift_left3A_817 = arith.shli %get3A_814, %shift_left3A_816 : vector<16xi32>
        %bitcast_convert_type3A_818 = tpu.bitcast %shift_left3A_817 : vector<16xi32> -> vector<16xf32>
        %and3A_819 = arith.constant -65536 : i32
        %and3A_820 = vector.broadcast %and3A_819 : i32 to vector<16xi32>
        %and3A_821 = arith.andi %get3A_814, %and3A_820 : vector<16xi32>
        %bitcast_convert_type3A_822 = tpu.bitcast %and3A_821 : vector<16xi32> -> vector<16xf32>
        %swap3A_823 = arith.index_cast %add3A_769 : i32 to index
        %swap3A_824 = arith.constant 64 : index
        %swap3A_825 = tpu.vector_load %arg22[%swap3A_823, %swap3A_824] {strides = array<i32>} : memref<128x128xf32, #tpu.memory_space<vmem>>, vector<1x16xf32>,
        %swap3A_826 = vector.shape_cast %swap3A_825 : vector<1x16xf32> to vector<16xf32>
        %swap3A_827 = vector.shape_cast %bitcast_convert_type3A_818 : vector<16xf32> to vector<1x16xf32>
        tpu.vector_store %arg22[%swap3A_823, %swap3A_824], %swap3A_827 {add = true, strides = array<i32>} : memref<128x128xf32, #tpu.memory_space<vmem>>, vector<1x16xf32>,
        %swap3A_828 = arith.index_cast %add3A_769 : i32 to index
        %swap3A_829 = arith.constant 80 : index
        %swap3A_830 = tpu.vector_load %arg22[%swap3A_828, %swap3A_829] {strides = array<i32>} : memref<128x128xf32, #tpu.memory_space<vmem>>, vector<1x16xf32>,
        %swap3A_831 = vector.shape_cast %swap3A_830 : vector<1x16xf32> to vector<16xf32>
        %swap3A_832 = vector.shape_cast %bitcast_convert_type3A_822 : vector<16xf32> to vector<1x16xf32>
        tpu.vector_store %arg22[%swap3A_828, %swap3A_829], %swap3A_832 {add = true, strides = array<i32>} : memref<128x128xf32, #tpu.memory_space<vmem>>, vector<1x16xf32>,
        %get3A_833 = arith.index_cast %scan3A_765 : i32 to index
        %get3A_834 = arith.constant 48 : index
        %get3A_835 = tpu.vector_load %arg27[%get3A_833, %get3A_834] {strides = array<i32>} : memref<64x128xi32, #tpu.memory_space<vmem>>, vector<1x16xi32>,
        %get3A_836 = vector.shape_cast %get3A_835 : vector<1x16xi32> to vector<16xi32>
        %shift_left3A_837 = arith.constant 16 : i32
        %shift_left3A_838 = vector.broadcast %shift_left3A_837 : i32 to vector<16xi32>
        %shift_left3A_839 = arith.shli %get3A_836, %shift_left3A_838 : vector<16xi32>
        %bitcast_convert_type3A_840 = tpu.bitcast %shift_left3A_839 : vector<16xi32> -> vector<16xf32>
        %and3A_841 = arith.constant -65536 : i32
        %and3A_842 = vector.broadcast %and3A_841 : i32 to vector<16xi32>
        %and3A_843 = arith.andi %get3A_836, %and3A_842 : vector<16xi32>
        %bitcast_convert_type3A_844 = tpu.bitcast %and3A_843 : vector<16xi32> -> vector<16xf32>
        %swap3A_845 = arith.index_cast %add3A_769 : i32 to index
        %swap3A_846 = arith.constant 96 : index
        %swap3A_847 = tpu.vector_load %arg22[%swap3A_845, %swap3A_846] {strides = array<i32>} : memref<128x128xf32, #tpu.memory_space<vmem>>, vector<1x16xf32>,
        %swap3A_848 = vector.shape_cast %swap3A_847 : vector<1x16xf32> to vector<16xf32>
        %swap3A_849 = vector.shape_cast %bitcast_convert_type3A_840 : vector<16xf32> to vector<1x16xf32>
        tpu.vector_store %arg22[%swap3A_845, %swap3A_846], %swap3A_849 {add = true, strides = array<i32>} : memref<128x128xf32, #tpu.memory_space<vmem>>, vector<1x16xf32>,
        %swap3A_850 = arith.index_cast %add3A_769 : i32 to index
        %swap3A_851 = arith.constant 112 : index
        %swap3A_852 = tpu.vector_load %arg22[%swap3A_850, %swap3A_851] {strides = array<i32>} : memref<128x128xf32, #tpu.memory_space<vmem>>, vector<1x16xf32>,
        %swap3A_853 = vector.shape_cast %swap3A_852 : vector<1x16xf32> to vector<16xf32>
        %swap3A_854 = vector.shape_cast %bitcast_convert_type3A_844 : vector<16xf32> to vector<1x16xf32>
        tpu.vector_store %arg22[%swap3A_850, %swap3A_851], %swap3A_854 {add = true, strides = array<i32>} : memref<128x128xf32, #tpu.memory_space<vmem>>, vector<1x16xf32>,
        %mul3A_855 = arith.constant 2 : i32
        %mul3A_856 = arith.muli %mul3A_855, %scan3A_765 : i32
        %add3A_857 = arith.constant 1 : i32
        %add3A_858 = arith.addi %mul3A_856, %add3A_857 : i32
        %get3A_859 = arith.index_cast %scan3A_765 : i32 to index
        %get3A_860 = arith.constant 64 : index
        %get3A_861 = tpu.vector_load %arg27[%get3A_859, %get3A_860] {strides = array<i32>} : memref<64x128xi32, #tpu.memory_space<vmem>>, vector<1x16xi32>,
        %get3A_862 = vector.shape_cast %get3A_861 : vector<1x16xi32> to vector<16xi32>
        %shift_left3A_863 = arith.constant 16 : i32
        %shift_left3A_864 = vector.broadcast %shift_left3A_863 : i32 to vector<16xi32>
        %shift_left3A_865 = arith.shli %get3A_862, %shift_left3A_864 : vector<16xi32>
        %bitcast_convert_type3A_866 = tpu.bitcast %shift_left3A_865 : vector<16xi32> -> vector<16xf32>
        %and3A_867 = arith.constant -65536 : i32
        %and3A_868 = vector.broadcast %and3A_867 : i32 to vector<16xi32>
        %and3A_869 = arith.andi %get3A_862, %and3A_868 : vector<16xi32>
        %bitcast_convert_type3A_870 = tpu.bitcast %and3A_869 : vector<16xi32> -> vector<16xf32>
        %swap3A_871 = arith.index_cast %add3A_858 : i32 to index
        %swap3A_872 = arith.constant 0 : index
        %swap3A_873 = tpu.vector_load %arg22[%swap3A_871, %swap3A_872] {strides = array<i32>} : memref<128x128xf32, #tpu.memory_space<vmem>>, vector<1x16xf32>,
        %swap3A_874 = vector.shape_cast %swap3A_873 : vector<1x16xf32> to vector<16xf32>
        %swap3A_875 = vector.shape_cast %bitcast_convert_type3A_866 : vector<16xf32> to vector<1x16xf32>
        tpu.vector_store %arg22[%swap3A_871, %swap3A_872], %swap3A_875 {add = true, strides = array<i32>} : memref<128x128xf32, #tpu.memory_space<vmem>>, vector<1x16xf32>,
        %swap3A_876 = arith.index_cast %add3A_858 : i32 to index
        %swap3A_877 = arith.constant 16 : index
        %swap3A_878 = tpu.vector_load %arg22[%swap3A_876, %swap3A_877] {strides = array<i32>} : memref<128x128xf32, #tpu.memory_space<vmem>>, vector<1x16xf32>,
        %swap3A_879 = vector.shape_cast %swap3A_878 : vector<1x16xf32> to vector<16xf32>
        %swap3A_880 = vector.shape_cast %bitcast_convert_type3A_870 : vector<16xf32> to vector<1x16xf32>
        tpu.vector_store %arg22[%swap3A_876, %swap3A_877], %swap3A_880 {add = true, strides = array<i32>} : memref<128x128xf32, #tpu.memory_space<vmem>>, vector<1x16xf32>,
        %get3A_881 = arith.index_cast %scan3A_765 : i32 to index
        %get3A_882 = arith.constant 80 : index
        %get3A_883 = tpu.vector_load %arg27[%get3A_881, %get3A_882] {strides = array<i32>} : memref<64x128xi32, #tpu.memory_space<vmem>>, vector<1x16xi32>,
        %get3A_884 = vector.shape_cast %get3A_883 : vector<1x16xi32> to vector<16xi32>
        %shift_left3A_885 = arith.constant 16 : i32
        %shift_left3A_886 = vector.broadcast %shift_left3A_885 : i32 to vector<16xi32>
        %shift_left3A_887 = arith.shli %get3A_884, %shift_left3A_886 : vector<16xi32>
        %bitcast_convert_type3A_888 = tpu.bitcast %shift_left3A_887 : vector<16xi32> -> vector<16xf32>
        %and3A_889 = arith.constant -65536 : i32
        %and3A_890 = vector.broadcast %and3A_889 : i32 to vector<16xi32>
        %and3A_891 = arith.andi %get3A_884, %and3A_890 : vector<16xi32>
        %bitcast_convert_type3A_892 = tpu.bitcast %and3A_891 : vector<16xi32> -> vector<16xf32>
        %swap3A_893 = arith.index_cast %add3A_858 : i32 to index
        %swap3A_894 = arith.constant 32 : index
        %swap3A_895 = tpu.vector_load %arg22[%swap3A_893, %swap3A_894] {strides = array<i32>} : memref<128x128xf32, #tpu.memory_space<vmem>>, vector<1x16xf32>,
        %swap3A_896 = vector.shape_cast %swap3A_895 : vector<1x16xf32> to vector<16xf32>
        %swap3A_897 = vector.shape_cast %bitcast_convert_type3A_888 : vector<16xf32> to vector<1x16xf32>
        tpu.vector_store %arg22[%swap3A_893, %swap3A_894], %swap3A_897 {add = true, strides = array<i32>} : memref<128x128xf32, #tpu.memory_space<vmem>>, vector<1x16xf32>,
        %swap3A_898 = arith.index_cast %add3A_858 : i32 to index
        %swap3A_899 = arith.constant 48 : index
        %swap3A_900 = tpu.vector_load %arg22[%swap3A_898, %swap3A_899] {strides = array<i32>} : memref<128x128xf32, #tpu.memory_space<vmem>>, vector<1x16xf32>,
        %swap3A_901 = vector.shape_cast %swap3A_900 : vector<1x16xf32> to vector<16xf32>
        %swap3A_902 = vector.shape_cast %bitcast_convert_type3A_892 : vector<16xf32> to vector<1x16xf32>
        tpu.vector_store %arg22[%swap3A_898, %swap3A_899], %swap3A_902 {add = true, strides = array<i32>} : memref<128x128xf32, #tpu.memory_space<vmem>>, vector<1x16xf32>,
        %get3A_903 = arith.index_cast %scan3A_765 : i32 to index
        %get3A_904 = arith.constant 96 : index
        %get3A_905 = tpu.vector_load %arg27[%get3A_903, %get3A_904] {strides = array<i32>} : memref<64x128xi32, #tpu.memory_space<vmem>>, vector<1x16xi32>,
        %get3A_906 = vector.shape_cast %get3A_905 : vector<1x16xi32> to vector<16xi32>
        %shift_left3A_907 = arith.constant 16 : i32
        %shift_left3A_908 = vector.broadcast %shift_left3A_907 : i32 to vector<16xi32>
        %shift_left3A_909 = arith.shli %get3A_906, %shift_left3A_908 : vector<16xi32>
        %bitcast_convert_type3A_910 = tpu.bitcast %shift_left3A_909 : vector<16xi32> -> vector<16xf32>
        %and3A_911 = arith.constant -65536 : i32
        %and3A_912 = vector.broadcast %and3A_911 : i32 to vector<16xi32>
        %and3A_913 = arith.andi %get3A_906, %and3A_912 : vector<16xi32>
        %bitcast_convert_type3A_914 = tpu.bitcast %and3A_913 : vector<16xi32> -> vector<16xf32>
        %swap3A_915 = arith.index_cast %add3A_858 : i32 to index
        %swap3A_916 = arith.constant 64 : index
        %swap3A_917 = tpu.vector_load %arg22[%swap3A_915, %swap3A_916] {strides = array<i32>} : memref<128x128xf32, #tpu.memory_space<vmem>>, vector<1x16xf32>,
        %swap3A_918 = vector.shape_cast %swap3A_917 : vector<1x16xf32> to vector<16xf32>
        %swap3A_919 = vector.shape_cast %bitcast_convert_type3A_910 : vector<16xf32> to vector<1x16xf32>
        tpu.vector_store %arg22[%swap3A_915, %swap3A_916], %swap3A_919 {add = true, strides = array<i32>} : memref<128x128xf32, #tpu.memory_space<vmem>>, vector<1x16xf32>,
        %swap3A_920 = arith.index_cast %add3A_858 : i32 to index
        %swap3A_921 = arith.constant 80 : index
        %swap3A_922 = tpu.vector_load %arg22[%swap3A_920, %swap3A_921] {strides = array<i32>} : memref<128x128xf32, #tpu.memory_space<vmem>>, vector<1x16xf32>,
        %swap3A_923 = vector.shape_cast %swap3A_922 : vector<1x16xf32> to vector<16xf32>
        %swap3A_924 = vector.shape_cast %bitcast_convert_type3A_914 : vector<16xf32> to vector<1x16xf32>
        tpu.vector_store %arg22[%swap3A_920, %swap3A_921], %swap3A_924 {add = true, strides = array<i32>} : memref<128x128xf32, #tpu.memory_space<vmem>>, vector<1x16xf32>,
        %get3A_925 = arith.index_cast %scan3A_765 : i32 to index
        %get3A_926 = arith.constant 112 : index
        %get3A_927 = tpu.vector_load %arg27[%get3A_925, %get3A_926] {strides = array<i32>} : memref<64x128xi32, #tpu.memory_space<vmem>>, vector<1x16xi32>,
        %get3A_928 = vector.shape_cast %get3A_927 : vector<1x16xi32> to vector<16xi32>
        %shift_left3A_929 = arith.constant 16 : i32
        %shift_left3A_930 = vector.broadcast %shift_left3A_929 : i32 to vector<16xi32>
        %shift_left3A_931 = arith.shli %get3A_928, %shift_left3A_930 : vector<16xi32>
        %bitcast_convert_type3A_932 = tpu.bitcast %shift_left3A_931 : vector<16xi32> -> vector<16xf32>
        %and3A_933 = arith.constant -65536 : i32
        %and3A_934 = vector.broadcast %and3A_933 : i32 to vector<16xi32>
        %and3A_935 = arith.andi %get3A_928, %and3A_934 : vector<16xi32>
        %bitcast_convert_type3A_936 = tpu.bitcast %and3A_935 : vector<16xi32> -> vector<16xf32>
        %swap3A_937 = arith.index_cast %add3A_858 : i32 to index
        %swap3A_938 = arith.constant 96 : index
        %swap3A_939 = tpu.vector_load %arg22[%swap3A_937, %swap3A_938] {strides = array<i32>} : memref<128x128xf32, #tpu.memory_space<vmem>>, vector<1x16xf32>,
        %swap3A_940 = vector.shape_cast %swap3A_939 : vector<1x16xf32> to vector<16xf32>
        %swap3A_941 = vector.shape_cast %bitcast_convert_type3A_932 : vector<16xf32> to vector<1x16xf32>
        tpu.vector_store %arg22[%swap3A_937, %swap3A_938], %swap3A_941 {add = true, strides = array<i32>} : memref<128x128xf32, #tpu.memory_space<vmem>>, vector<1x16xf32>,
        %swap3A_942 = arith.index_cast %add3A_858 : i32 to index
        %swap3A_943 = arith.constant 112 : index
        %swap3A_944 = tpu.vector_load %arg22[%swap3A_942, %swap3A_943] {strides = array<i32>} : memref<128x128xf32, #tpu.memory_space<vmem>>, vector<1x16xf32>,
        %swap3A_945 = vector.shape_cast %swap3A_944 : vector<1x16xf32> to vector<16xf32>
        %swap3A_946 = vector.shape_cast %bitcast_convert_type3A_936 : vector<16xf32> to vector<1x16xf32>
        tpu.vector_store %arg22[%swap3A_942, %swap3A_943], %swap3A_946 {add = true, strides = array<i32>} : memref<128x128xf32, #tpu.memory_space<vmem>>, vector<1x16xf32>,
      }
      %scan3A_386 = arith.constant 64 : i32
      %dma_start3A_387 = arith.constant 0 : i32
      %dma_start3A_388 = tpu.memref_slice %arg6[%add3A_374, %dma_start3A_387] : memref<204800x128xf32, #tpu.memory_space<hbm>> -> memref<128x128xf32, #tpu.memory_space<hbm>>
      %dma_start3A_389 = arith.constant 0 : i32
      %dma_start3A_390 = tpu.memref_slice %arg6[%add3A_374, %dma_start3A_389] : memref<204800x128xf32, #tpu.memory_space<hbm>> -> memref<128x128xf32, #tpu.memory_space<hbm>>
      tpu.enqueue_dma source(%arg22 : memref<128x128xf32, #tpu.memory_space<vmem>>) target(%dma_start3A_390 : memref<128x128xf32, #tpu.memory_space<hbm>>) target_semaphore(%arg47 : memref<!tpu.dma_semaphore, #tpu.memory_space<semaphore_mem>>)
      %mul3A_391 = arith.constant 5 : i32
      %mul3A_392 = arith.muli %scan3A_246, %mul3A_391 : i32
      %add3A_393 = arith.constant 1 : i32
      %add3A_394 = arith.addi %mul3A_392, %add3A_393 : i32
      %ge3A_395 = arith.constant 1 : i32
      %ge3A_396 = arith.cmpi sge, %scan3A_246, %ge3A_395 : i32
      %convert_element_type3A_397 = arith.extui %ge3A_396 : i1 to i32
      %cond3A_398 = arith.constant 0 : i32
      %cond3A_399 = arith.cmpi ne, %convert_element_type3A_397, %cond3A_398 : i32
      scf.if %cond3A_399 {
        %dma_wait3A_765 = arith.constant 0 : i32
        %dma_wait3A_766 = arith.constant 0 : i32
        %dma_wait3A_767 = tpu.memref_slice %arg6[%dma_wait3A_765, %dma_wait3A_766] : memref<204800x128xf32, #tpu.memory_space<hbm>> -> memref<128x128xf32, #tpu.memory_space<hbm>>
        %dma_wait3A_768 = arith.constant 0 : i32
        %dma_wait3A_769 = arith.constant 0 : i32
        %dma_wait3A_770 = tpu.memref_slice %arg6[%dma_wait3A_768, %dma_wait3A_769] : memref<204800x128xf32, #tpu.memory_space<hbm>> -> memref<128x128xf32, #tpu.memory_space<hbm>>
        tpu.wait_dma2 semaphore(%arg50 : memref<!tpu.dma_semaphore, #tpu.memory_space<semaphore_mem>>) src(%arg25 : memref<128x128xf32, #tpu.memory_space<vmem>>) dst(%dma_wait3A_770 : memref<128x128xf32, #tpu.memory_space<hbm>>)
      } else {
      }
      %add3A_400 = arith.constant 3 : i32
      %add3A_401 = arith.addi %add3A_394, %add3A_400 : i32
      %mul3A_402 = arith.constant 128 : i32
      %mul3A_403 = arith.muli %add3A_401, %mul3A_402 : i32
      %add3A_404 = arith.addi %mul3A_2, %mul3A_403 : i32
      %mul3A_405 = arith.constant 64 : i32
      %mul3A_406 = arith.muli %add3A_401, %mul3A_405 : i32
      %add3A_407 = arith.addi %mul3A_4, %mul3A_406 : i32
      %dma_start3A_408 = tpu.memref_slice %arg2[%add3A_404] : memref<204800xi32, #tpu.memory_space<hbm>> -> memref<128xi32, #tpu.memory_space<hbm>>
      %dma_start3A_409 = tpu.memref_slice %arg2[%add3A_404] : memref<204800xi32, #tpu.memory_space<hbm>> -> memref<128xi32, #tpu.memory_space<hbm>>
      tpu.enqueue_dma source(%dma_start3A_409 : memref<128xi32, #tpu.memory_space<hbm>>) target(%arg11 : memref<128xi32, #tpu.memory_space<vmem>>) target_semaphore(%arg36 : memref<!tpu.dma_semaphore, #tpu.memory_space<semaphore_mem>>)
      %dma_start3A_410 = tpu.memref_slice %arg3[%add3A_407] : memref<102400xi32, #tpu.memory_space<hbm>> -> memref<64xi32, #tpu.memory_space<hbm>>
      %dma_start3A_411 = tpu.memref_slice %arg3[%add3A_407] : memref<102400xi32, #tpu.memory_space<hbm>> -> memref<64xi32, #tpu.memory_space<hbm>>
      tpu.enqueue_dma source(%dma_start3A_411 : memref<64xi32, #tpu.memory_space<hbm>>) target(%arg16 : memref<64xi32, #tpu.memory_space<vmem>>) target_semaphore(%arg36 : memref<!tpu.dma_semaphore, #tpu.memory_space<semaphore_mem>>)
      %add3A_412 = arith.constant 2 : i32
      %add3A_413 = arith.addi %add3A_394, %add3A_412 : i32
      %mul3A_414 = arith.constant 128 : i32
      %mul3A_415 = arith.muli %add3A_413, %mul3A_414 : i32
      %add3A_416 = arith.addi %mul3A_2, %mul3A_415 : i32
      %dma_wait3A_417 = arith.constant 0 : i32
      %dma_wait3A_418 = tpu.memref_slice %arg2[%dma_wait3A_417] : memref<204800xi32, #tpu.memory_space<hbm>> -> memref<128xi32, #tpu.memory_space<hbm>>
      %dma_wait3A_419 = arith.constant 0 : i32
      %dma_wait3A_420 = tpu.memref_slice %arg2[%dma_wait3A_419] : memref<204800xi32, #tpu.memory_space<hbm>> -> memref<128xi32, #tpu.memory_space<hbm>>
      tpu.wait_dma2 semaphore(%arg35 : memref<!tpu.dma_semaphore, #tpu.memory_space<semaphore_mem>>) src(%dma_wait3A_420 : memref<128xi32, #tpu.memory_space<hbm>>) dst(%arg10 : memref<128xi32, #tpu.memory_space<vmem>>)
      %dma_wait3A_421 = arith.constant 0 : i32
      %dma_wait3A_422 = tpu.memref_slice %arg3[%dma_wait3A_421] : memref<102400xi32, #tpu.memory_space<hbm>> -> memref<64xi32, #tpu.memory_space<hbm>>
      %dma_wait3A_423 = arith.constant 0 : i32
      %dma_wait3A_424 = tpu.memref_slice %arg3[%dma_wait3A_423] : memref<102400xi32, #tpu.memory_space<hbm>> -> memref<64xi32, #tpu.memory_space<hbm>>
      tpu.wait_dma2 semaphore(%arg35 : memref<!tpu.dma_semaphore, #tpu.memory_space<semaphore_mem>>) src(%dma_wait3A_424 : memref<64xi32, #tpu.memory_space<hbm>>) dst(%arg15 : memref<64xi32, #tpu.memory_space<vmem>>)
      %mul3A_425 = arith.constant 64 : i32
      %mul3A_426 = arith.muli %add3A_413, %mul3A_425 : i32
      %add3A_427 = arith.addi %mul3A_4, %mul3A_426 : i32
      %add3A_428 = arith.constant 0 : i32
      %add3A_429 = arith.addi %add3A_427, %add3A_428 : i32
      %iota3A_430 = tpu.iota {dimensions = array<i32: 0>} : vector<16xi32>
      %add3A_431 = vector.broadcast %add3A_429 : i32 to vector<16xi32>
      %add3A_432 = arith.addi %add3A_431, %iota3A_430 : vector<16xi32>
      %rem3A_433 = arith.constant 100 : i32
      %rem3A_434 = vector.broadcast %rem3A_433 : i32 to vector<16xi32>
      %rem3A_435 = arith.remsi %add3A_432, %rem3A_434 : vector<16xi32>
      %get3A_436 = arith.constant 0 : index
      %get3A_437 = tpu.vector_load %arg15[%get3A_436] {strides = array<i32>} : memref<64xi32, #tpu.memory_space<vmem>>, vector<16xi32>,
      %get3A_438 = vector.shape_cast %get3A_437 : vector<16xi32> to vector<16xi32>
      %mul3A_439 = arith.constant 100 : i32
      %mul3A_440 = vector.broadcast %mul3A_439 : i32 to vector<16xi32>
      %mul3A_441 = arith.muli %get3A_438, %mul3A_440 : vector<16xi32>
      %add3A_442 = arith.addi %mul3A_441, %rem3A_435 : vector<16xi32>
      %swap3A_443 = arith.constant 0 : index
      %swap3A_444 = tpu.vector_load %arg20[%swap3A_443] {strides = array<i32>} : memref<64xi32, #tpu.memory_space<vmem>>, vector<16xi32>,
      %swap3A_445 = vector.shape_cast %swap3A_444 : vector<16xi32> to vector<16xi32>
      %swap3A_446 = vector.shape_cast %add3A_442 : vector<16xi32> to vector<16xi32>
      tpu.vector_store %arg20[%swap3A_443], %swap3A_446 {strides = array<i32>} : memref<64xi32, #tpu.memory_space<vmem>>, vector<16xi32>,
      %mul3A_447 = arith.constant 64 : i32
      %mul3A_448 = arith.muli %add3A_413, %mul3A_447 : i32
      %add3A_449 = arith.addi %mul3A_4, %mul3A_448 : i32
      %add3A_450 = arith.constant 16 : i32
      %add3A_451 = arith.addi %add3A_449, %add3A_450 : i32
      %iota3A_452 = tpu.iota {dimensions = array<i32: 0>} : vector<16xi32>
      %add3A_453 = vector.broadcast %add3A_451 : i32 to vector<16xi32>
      %add3A_454 = arith.addi %add3A_453, %iota3A_452 : vector<16xi32>
      %rem3A_455 = arith.constant 100 : i32
      %rem3A_456 = vector.broadcast %rem3A_455 : i32 to vector<16xi32>
      %rem3A_457 = arith.remsi %add3A_454, %rem3A_456 : vector<16xi32>
      %get3A_458 = arith.constant 16 : index
      %get3A_459 = tpu.vector_load %arg15[%get3A_458] {strides = array<i32>} : memref<64xi32, #tpu.memory_space<vmem>>, vector<16xi32>,
      %get3A_460 = vector.shape_cast %get3A_459 : vector<16xi32> to vector<16xi32>
      %mul3A_461 = arith.constant 100 : i32
      %mul3A_462 = vector.broadcast %mul3A_461 : i32 to vector<16xi32>
      %mul3A_463 = arith.muli %get3A_460, %mul3A_462 : vector<16xi32>
      %add3A_464 = arith.addi %mul3A_463, %rem3A_457 : vector<16xi32>
      %swap3A_465 = arith.constant 16 : index
      %swap3A_466 = tpu.vector_load %arg20[%swap3A_465] {strides = array<i32>} : memref<64xi32, #tpu.memory_space<vmem>>, vector<16xi32>,
      %swap3A_467 = vector.shape_cast %swap3A_466 : vector<16xi32> to vector<16xi32>
      %swap3A_468 = vector.shape_cast %add3A_464 : vector<16xi32> to vector<16xi32>
      tpu.vector_store %arg20[%swap3A_465], %swap3A_468 {strides = array<i32>} : memref<64xi32, #tpu.memory_space<vmem>>, vector<16xi32>,
      %mul3A_469 = arith.constant 64 : i32
      %mul3A_470 = arith.muli %add3A_413, %mul3A_469 : i32
      %add3A_471 = arith.addi %mul3A_4, %mul3A_470 : i32
      %add3A_472 = arith.constant 32 : i32
      %add3A_473 = arith.addi %add3A_471, %add3A_472 : i32
      %iota3A_474 = tpu.iota {dimensions = array<i32: 0>} : vector<16xi32>
      %add3A_475 = vector.broadcast %add3A_473 : i32 to vector<16xi32>
      %add3A_476 = arith.addi %add3A_475, %iota3A_474 : vector<16xi32>
      %rem3A_477 = arith.constant 100 : i32
      %rem3A_478 = vector.broadcast %rem3A_477 : i32 to vector<16xi32>
      %rem3A_479 = arith.remsi %add3A_476, %rem3A_478 : vector<16xi32>
      %get3A_480 = arith.constant 32 : index
      %get3A_481 = tpu.vector_load %arg15[%get3A_480] {strides = array<i32>} : memref<64xi32, #tpu.memory_space<vmem>>, vector<16xi32>,
      %get3A_482 = vector.shape_cast %get3A_481 : vector<16xi32> to vector<16xi32>
      %mul3A_483 = arith.constant 100 : i32
      %mul3A_484 = vector.broadcast %mul3A_483 : i32 to vector<16xi32>
      %mul3A_485 = arith.muli %get3A_482, %mul3A_484 : vector<16xi32>
      %add3A_486 = arith.addi %mul3A_485, %rem3A_479 : vector<16xi32>
      %swap3A_487 = arith.constant 32 : index
      %swap3A_488 = tpu.vector_load %arg20[%swap3A_487] {strides = array<i32>} : memref<64xi32, #tpu.memory_space<vmem>>, vector<16xi32>,
      %swap3A_489 = vector.shape_cast %swap3A_488 : vector<16xi32> to vector<16xi32>
      %swap3A_490 = vector.shape_cast %add3A_486 : vector<16xi32> to vector<16xi32>
      tpu.vector_store %arg20[%swap3A_487], %swap3A_490 {strides = array<i32>} : memref<64xi32, #tpu.memory_space<vmem>>, vector<16xi32>,
      %mul3A_491 = arith.constant 64 : i32
      %mul3A_492 = arith.muli %add3A_413, %mul3A_491 : i32
      %add3A_493 = arith.addi %mul3A_4, %mul3A_492 : i32
      %add3A_494 = arith.constant 48 : i32
      %add3A_495 = arith.addi %add3A_493, %add3A_494 : i32
      %iota3A_496 = tpu.iota {dimensions = array<i32: 0>} : vector<16xi32>
      %add3A_497 = vector.broadcast %add3A_495 : i32 to vector<16xi32>
      %add3A_498 = arith.addi %add3A_497, %iota3A_496 : vector<16xi32>
      %rem3A_499 = arith.constant 100 : i32
      %rem3A_500 = vector.broadcast %rem3A_499 : i32 to vector<16xi32>
      %rem3A_501 = arith.remsi %add3A_498, %rem3A_500 : vector<16xi32>
      %get3A_502 = arith.constant 48 : index
      %get3A_503 = tpu.vector_load %arg15[%get3A_502] {strides = array<i32>} : memref<64xi32, #tpu.memory_space<vmem>>, vector<16xi32>,
      %get3A_504 = vector.shape_cast %get3A_503 : vector<16xi32> to vector<16xi32>
      %mul3A_505 = arith.constant 100 : i32
      %mul3A_506 = vector.broadcast %mul3A_505 : i32 to vector<16xi32>
      %mul3A_507 = arith.muli %get3A_504, %mul3A_506 : vector<16xi32>
      %add3A_508 = arith.addi %mul3A_507, %rem3A_501 : vector<16xi32>
      %swap3A_509 = arith.constant 48 : index
      %swap3A_510 = tpu.vector_load %arg20[%swap3A_509] {strides = array<i32>} : memref<64xi32, #tpu.memory_space<vmem>>, vector<16xi32>,
      %swap3A_511 = vector.shape_cast %swap3A_510 : vector<16xi32> to vector<16xi32>
      %swap3A_512 = vector.shape_cast %add3A_508 : vector<16xi32> to vector<16xi32>
      tpu.vector_store %arg20[%swap3A_509], %swap3A_512 {strides = array<i32>} : memref<64xi32, #tpu.memory_space<vmem>>, vector<16xi32>,
      %dma_start3A_513 = arith.constant 0 : i32
      %dma_start3A_514 = arith.constant 0 : i32
      %dma_start3A_515 = tpu.memref_slice %arg4[%dma_start3A_513, %dma_start3A_514] : memref<100000x128xf32, #tpu.memory_space<hbm>> -> memref<100000x128xf32, #tpu.memory_space<hbm>>
      tpu.enqueue_indirect_dma source(%dma_start3A_515 : memref<100000x128xf32, #tpu.memory_space<hbm>>) target(%arg25 : memref<128x128xf32, #tpu.memory_space<vmem>>) offsets(%arg10 : memref<128xi32, #tpu.memory_space<vmem>>) semaphore(%arg40 : memref<!tpu.dma_semaphore, #tpu.memory_space<semaphore_mem>>)
      %dma_start3A_516 = arith.constant 0 : i32
      %dma_start3A_517 = arith.constant 0 : i32
      %dma_start3A_518 = tpu.memref_slice %arg5[%dma_start3A_516, %dma_start3A_517] : memref<900x128xi32, #tpu.memory_space<hbm>> -> memref<900x128xi32, #tpu.memory_space<hbm>>
      tpu.enqueue_indirect_dma source(%dma_start3A_518 : memref<900x128xi32, #tpu.memory_space<hbm>>) target(%arg30 : memref<64x128xi32, #tpu.memory_space<vmem>>) offsets(%arg20 : memref<64xi32, #tpu.memory_space<vmem>>) semaphore(%arg45 : memref<!tpu.dma_semaphore, #tpu.memory_space<semaphore_mem>>)
      %mul3A_519 = arith.constant 128 : i32
      %mul3A_520 = arith.muli %add3A_394, %mul3A_519 : i32
      %add3A_521 = arith.addi %mul3A_2, %mul3A_520 : i32
      %dma_wait3A_522 = arith.constant 0 : i32
      %dma_wait3A_523 = arith.constant 0 : i32
      %dma_wait3A_524 = tpu.memref_slice %arg4[%dma_wait3A_522, %dma_wait3A_523] : memref<100000x128xf32, #tpu.memory_space<hbm>> -> memref<100000x128xf32, #tpu.memory_space<hbm>>
      tpu.wait_indirect_dma semaphore(%arg38 : memref<!tpu.dma_semaphore, #tpu.memory_space<semaphore_mem>>) src(%dma_wait3A_524 : memref<100000x128xf32, #tpu.memory_space<hbm>>) dst(%arg23 : memref<128x128xf32, #tpu.memory_space<vmem>>)
      %dma_wait3A_525 = arith.constant 0 : i32
      %dma_wait3A_526 = arith.constant 0 : i32
      %dma_wait3A_527 = tpu.memref_slice %arg5[%dma_wait3A_525, %dma_wait3A_526] : memref<900x128xi32, #tpu.memory_space<hbm>> -> memref<900x128xi32, #tpu.memory_space<hbm>>
      tpu.wait_indirect_dma semaphore(%arg43 : memref<!tpu.dma_semaphore, #tpu.memory_space<semaphore_mem>>) src(%dma_wait3A_527 : memref<900x128xi32, #tpu.memory_space<hbm>>) dst(%arg28 : memref<64x128xi32, #tpu.memory_space<vmem>>)
      %scan3A_528 = arith.constant 0 : i32
      %scan3A_529 = arith.constant 0 : i32
      %scan3A_530 = arith.constant 64 : i32
      %scan3A_531 = arith.addi %scan3A_529, %scan3A_530 : i32
      %scan3A_532 = arith.constant 1 : i32
      scf.for %scan3A_765 = %scan3A_529 to %scan3A_531 step %scan3A_532  : i32 {
        %mul3A_766 = arith.constant 2 : i32
        %mul3A_767 = arith.muli %mul3A_766, %scan3A_765 : i32
        %add3A_768 = arith.constant 0 : i32
        %add3A_769 = arith.addi %mul3A_767, %add3A_768 : i32
        %get3A_770 = arith.index_cast %scan3A_765 : i32 to index
        %get3A_771 = arith.constant 0 : index
        %get3A_772 = tpu.vector_load %arg28[%get3A_770, %get3A_771] {strides = array<i32>} : memref<64x128xi32, #tpu.memory_space<vmem>>, vector<1x16xi32>,
        %get3A_773 = vector.shape_cast %get3A_772 : vector<1x16xi32> to vector<16xi32>
        %shift_left3A = arith.constant 16 : i32
        %shift_left3A_774 = vector.broadcast %shift_left3A : i32 to vector<16xi32>
        %shift_left3A_775 = arith.shli %get3A_773, %shift_left3A_774 : vector<16xi32>
        %bitcast_convert_type3A = tpu.bitcast %shift_left3A_775 : vector<16xi32> -> vector<16xf32>
        %and3A = arith.constant -65536 : i32
        %and3A_776 = vector.broadcast %and3A : i32 to vector<16xi32>
        %and3A_777 = arith.andi %get3A_773, %and3A_776 : vector<16xi32>
        %bitcast_convert_type3A_778 = tpu.bitcast %and3A_777 : vector<16xi32> -> vector<16xf32>
        %swap3A_779 = arith.index_cast %add3A_769 : i32 to index
        %swap3A_780 = arith.constant 0 : index
        %swap3A_781 = tpu.vector_load %arg23[%swap3A_779, %swap3A_780] {strides = array<i32>} : memref<128x128xf32, #tpu.memory_space<vmem>>, vector<1x16xf32>,
        %swap3A_782 = vector.shape_cast %swap3A_781 : vector<1x16xf32> to vector<16xf32>
        %swap3A_783 = vector.shape_cast %bitcast_convert_type3A : vector<16xf32> to vector<1x16xf32>
        tpu.vector_store %arg23[%swap3A_779, %swap3A_780], %swap3A_783 {add = true, strides = array<i32>} : memref<128x128xf32, #tpu.memory_space<vmem>>, vector<1x16xf32>,
        %swap3A_784 = arith.index_cast %add3A_769 : i32 to index
        %swap3A_785 = arith.constant 16 : index
        %swap3A_786 = tpu.vector_load %arg23[%swap3A_784, %swap3A_785] {strides = array<i32>} : memref<128x128xf32, #tpu.memory_space<vmem>>, vector<1x16xf32>,
        %swap3A_787 = vector.shape_cast %swap3A_786 : vector<1x16xf32> to vector<16xf32>
        %swap3A_788 = vector.shape_cast %bitcast_convert_type3A_778 : vector<16xf32> to vector<1x16xf32>
        tpu.vector_store %arg23[%swap3A_784, %swap3A_785], %swap3A_788 {add = true, strides = array<i32>} : memref<128x128xf32, #tpu.memory_space<vmem>>, vector<1x16xf32>,
        %get3A_789 = arith.index_cast %scan3A_765 : i32 to index
        %get3A_790 = arith.constant 16 : index
        %get3A_791 = tpu.vector_load %arg28[%get3A_789, %get3A_790] {strides = array<i32>} : memref<64x128xi32, #tpu.memory_space<vmem>>, vector<1x16xi32>,
        %get3A_792 = vector.shape_cast %get3A_791 : vector<1x16xi32> to vector<16xi32>
        %shift_left3A_793 = arith.constant 16 : i32
        %shift_left3A_794 = vector.broadcast %shift_left3A_793 : i32 to vector<16xi32>
        %shift_left3A_795 = arith.shli %get3A_792, %shift_left3A_794 : vector<16xi32>
        %bitcast_convert_type3A_796 = tpu.bitcast %shift_left3A_795 : vector<16xi32> -> vector<16xf32>
        %and3A_797 = arith.constant -65536 : i32
        %and3A_798 = vector.broadcast %and3A_797 : i32 to vector<16xi32>
        %and3A_799 = arith.andi %get3A_792, %and3A_798 : vector<16xi32>
        %bitcast_convert_type3A_800 = tpu.bitcast %and3A_799 : vector<16xi32> -> vector<16xf32>
        %swap3A_801 = arith.index_cast %add3A_769 : i32 to index
        %swap3A_802 = arith.constant 32 : index
        %swap3A_803 = tpu.vector_load %arg23[%swap3A_801, %swap3A_802] {strides = array<i32>} : memref<128x128xf32, #tpu.memory_space<vmem>>, vector<1x16xf32>,
        %swap3A_804 = vector.shape_cast %swap3A_803 : vector<1x16xf32> to vector<16xf32>
        %swap3A_805 = vector.shape_cast %bitcast_convert_type3A_796 : vector<16xf32> to vector<1x16xf32>
        tpu.vector_store %arg23[%swap3A_801, %swap3A_802], %swap3A_805 {add = true, strides = array<i32>} : memref<128x128xf32, #tpu.memory_space<vmem>>, vector<1x16xf32>,
        %swap3A_806 = arith.index_cast %add3A_769 : i32 to index
        %swap3A_807 = arith.constant 48 : index
        %swap3A_808 = tpu.vector_load %arg23[%swap3A_806, %swap3A_807] {strides = array<i32>} : memref<128x128xf32, #tpu.memory_space<vmem>>, vector<1x16xf32>,
        %swap3A_809 = vector.shape_cast %swap3A_808 : vector<1x16xf32> to vector<16xf32>
        %swap3A_810 = vector.shape_cast %bitcast_convert_type3A_800 : vector<16xf32> to vector<1x16xf32>
        tpu.vector_store %arg23[%swap3A_806, %swap3A_807], %swap3A_810 {add = true, strides = array<i32>} : memref<128x128xf32, #tpu.memory_space<vmem>>, vector<1x16xf32>,
        %get3A_811 = arith.index_cast %scan3A_765 : i32 to index
        %get3A_812 = arith.constant 32 : index
        %get3A_813 = tpu.vector_load %arg28[%get3A_811, %get3A_812] {strides = array<i32>} : memref<64x128xi32, #tpu.memory_space<vmem>>, vector<1x16xi32>,
        %get3A_814 = vector.shape_cast %get3A_813 : vector<1x16xi32> to vector<16xi32>
        %shift_left3A_815 = arith.constant 16 : i32
        %shift_left3A_816 = vector.broadcast %shift_left3A_815 : i32 to vector<16xi32>
        %shift_left3A_817 = arith.shli %get3A_814, %shift_left3A_816 : vector<16xi32>
        %bitcast_convert_type3A_818 = tpu.bitcast %shift_left3A_817 : vector<16xi32> -> vector<16xf32>
        %and3A_819 = arith.constant -65536 : i32
        %and3A_820 = vector.broadcast %and3A_819 : i32 to vector<16xi32>
        %and3A_821 = arith.andi %get3A_814, %and3A_820 : vector<16xi32>
        %bitcast_convert_type3A_822 = tpu.bitcast %and3A_821 : vector<16xi32> -> vector<16xf32>
        %swap3A_823 = arith.index_cast %add3A_769 : i32 to index
        %swap3A_824 = arith.constant 64 : index
        %swap3A_825 = tpu.vector_load %arg23[%swap3A_823, %swap3A_824] {strides = array<i32>} : memref<128x128xf32, #tpu.memory_space<vmem>>, vector<1x16xf32>,
        %swap3A_826 = vector.shape_cast %swap3A_825 : vector<1x16xf32> to vector<16xf32>
        %swap3A_827 = vector.shape_cast %bitcast_convert_type3A_818 : vector<16xf32> to vector<1x16xf32>
        tpu.vector_store %arg23[%swap3A_823, %swap3A_824], %swap3A_827 {add = true, strides = array<i32>} : memref<128x128xf32, #tpu.memory_space<vmem>>, vector<1x16xf32>,
        %swap3A_828 = arith.index_cast %add3A_769 : i32 to index
        %swap3A_829 = arith.constant 80 : index
        %swap3A_830 = tpu.vector_load %arg23[%swap3A_828, %swap3A_829] {strides = array<i32>} : memref<128x128xf32, #tpu.memory_space<vmem>>, vector<1x16xf32>,
        %swap3A_831 = vector.shape_cast %swap3A_830 : vector<1x16xf32> to vector<16xf32>
        %swap3A_832 = vector.shape_cast %bitcast_convert_type3A_822 : vector<16xf32> to vector<1x16xf32>
        tpu.vector_store %arg23[%swap3A_828, %swap3A_829], %swap3A_832 {add = true, strides = array<i32>} : memref<128x128xf32, #tpu.memory_space<vmem>>, vector<1x16xf32>,
        %get3A_833 = arith.index_cast %scan3A_765 : i32 to index
        %get3A_834 = arith.constant 48 : index
        %get3A_835 = tpu.vector_load %arg28[%get3A_833, %get3A_834] {strides = array<i32>} : memref<64x128xi32, #tpu.memory_space<vmem>>, vector<1x16xi32>,
        %get3A_836 = vector.shape_cast %get3A_835 : vector<1x16xi32> to vector<16xi32>
        %shift_left3A_837 = arith.constant 16 : i32
        %shift_left3A_838 = vector.broadcast %shift_left3A_837 : i32 to vector<16xi32>
        %shift_left3A_839 = arith.shli %get3A_836, %shift_left3A_838 : vector<16xi32>
        %bitcast_convert_type3A_840 = tpu.bitcast %shift_left3A_839 : vector<16xi32> -> vector<16xf32>
        %and3A_841 = arith.constant -65536 : i32
        %and3A_842 = vector.broadcast %and3A_841 : i32 to vector<16xi32>
        %and3A_843 = arith.andi %get3A_836, %and3A_842 : vector<16xi32>
        %bitcast_convert_type3A_844 = tpu.bitcast %and3A_843 : vector<16xi32> -> vector<16xf32>
        %swap3A_845 = arith.index_cast %add3A_769 : i32 to index
        %swap3A_846 = arith.constant 96 : index
        %swap3A_847 = tpu.vector_load %arg23[%swap3A_845, %swap3A_846] {strides = array<i32>} : memref<128x128xf32, #tpu.memory_space<vmem>>, vector<1x16xf32>,
        %swap3A_848 = vector.shape_cast %swap3A_847 : vector<1x16xf32> to vector<16xf32>
        %swap3A_849 = vector.shape_cast %bitcast_convert_type3A_840 : vector<16xf32> to vector<1x16xf32>
        tpu.vector_store %arg23[%swap3A_845, %swap3A_846], %swap3A_849 {add = true, strides = array<i32>} : memref<128x128xf32, #tpu.memory_space<vmem>>, vector<1x16xf32>,
        %swap3A_850 = arith.index_cast %add3A_769 : i32 to index
        %swap3A_851 = arith.constant 112 : index
        %swap3A_852 = tpu.vector_load %arg23[%swap3A_850, %swap3A_851] {strides = array<i32>} : memref<128x128xf32, #tpu.memory_space<vmem>>, vector<1x16xf32>,
        %swap3A_853 = vector.shape_cast %swap3A_852 : vector<1x16xf32> to vector<16xf32>
        %swap3A_854 = vector.shape_cast %bitcast_convert_type3A_844 : vector<16xf32> to vector<1x16xf32>
        tpu.vector_store %arg23[%swap3A_850, %swap3A_851], %swap3A_854 {add = true, strides = array<i32>} : memref<128x128xf32, #tpu.memory_space<vmem>>, vector<1x16xf32>,
        %mul3A_855 = arith.constant 2 : i32
        %mul3A_856 = arith.muli %mul3A_855, %scan3A_765 : i32
        %add3A_857 = arith.constant 1 : i32
        %add3A_858 = arith.addi %mul3A_856, %add3A_857 : i32
        %get3A_859 = arith.index_cast %scan3A_765 : i32 to index
        %get3A_860 = arith.constant 64 : index
        %get3A_861 = tpu.vector_load %arg28[%get3A_859, %get3A_860] {strides = array<i32>} : memref<64x128xi32, #tpu.memory_space<vmem>>, vector<1x16xi32>,
        %get3A_862 = vector.shape_cast %get3A_861 : vector<1x16xi32> to vector<16xi32>
        %shift_left3A_863 = arith.constant 16 : i32
        %shift_left3A_864 = vector.broadcast %shift_left3A_863 : i32 to vector<16xi32>
        %shift_left3A_865 = arith.shli %get3A_862, %shift_left3A_864 : vector<16xi32>
        %bitcast_convert_type3A_866 = tpu.bitcast %shift_left3A_865 : vector<16xi32> -> vector<16xf32>
        %and3A_867 = arith.constant -65536 : i32
        %and3A_868 = vector.broadcast %and3A_867 : i32 to vector<16xi32>
        %and3A_869 = arith.andi %get3A_862, %and3A_868 : vector<16xi32>
        %bitcast_convert_type3A_870 = tpu.bitcast %and3A_869 : vector<16xi32> -> vector<16xf32>
        %swap3A_871 = arith.index_cast %add3A_858 : i32 to index
        %swap3A_872 = arith.constant 0 : index
        %swap3A_873 = tpu.vector_load %arg23[%swap3A_871, %swap3A_872] {strides = array<i32>} : memref<128x128xf32, #tpu.memory_space<vmem>>, vector<1x16xf32>,
        %swap3A_874 = vector.shape_cast %swap3A_873 : vector<1x16xf32> to vector<16xf32>
        %swap3A_875 = vector.shape_cast %bitcast_convert_type3A_866 : vector<16xf32> to vector<1x16xf32>
        tpu.vector_store %arg23[%swap3A_871, %swap3A_872], %swap3A_875 {add = true, strides = array<i32>} : memref<128x128xf32, #tpu.memory_space<vmem>>, vector<1x16xf32>,
        %swap3A_876 = arith.index_cast %add3A_858 : i32 to index
        %swap3A_877 = arith.constant 16 : index
        %swap3A_878 = tpu.vector_load %arg23[%swap3A_876, %swap3A_877] {strides = array<i32>} : memref<128x128xf32, #tpu.memory_space<vmem>>, vector<1x16xf32>,
        %swap3A_879 = vector.shape_cast %swap3A_878 : vector<1x16xf32> to vector<16xf32>
        %swap3A_880 = vector.shape_cast %bitcast_convert_type3A_870 : vector<16xf32> to vector<1x16xf32>
        tpu.vector_store %arg23[%swap3A_876, %swap3A_877], %swap3A_880 {add = true, strides = array<i32>} : memref<128x128xf32, #tpu.memory_space<vmem>>, vector<1x16xf32>,
        %get3A_881 = arith.index_cast %scan3A_765 : i32 to index
        %get3A_882 = arith.constant 80 : index
        %get3A_883 = tpu.vector_load %arg28[%get3A_881, %get3A_882] {strides = array<i32>} : memref<64x128xi32, #tpu.memory_space<vmem>>, vector<1x16xi32>,
        %get3A_884 = vector.shape_cast %get3A_883 : vector<1x16xi32> to vector<16xi32>
        %shift_left3A_885 = arith.constant 16 : i32
        %shift_left3A_886 = vector.broadcast %shift_left3A_885 : i32 to vector<16xi32>
        %shift_left3A_887 = arith.shli %get3A_884, %shift_left3A_886 : vector<16xi32>
        %bitcast_convert_type3A_888 = tpu.bitcast %shift_left3A_887 : vector<16xi32> -> vector<16xf32>
        %and3A_889 = arith.constant -65536 : i32
        %and3A_890 = vector.broadcast %and3A_889 : i32 to vector<16xi32>
        %and3A_891 = arith.andi %get3A_884, %and3A_890 : vector<16xi32>
        %bitcast_convert_type3A_892 = tpu.bitcast %and3A_891 : vector<16xi32> -> vector<16xf32>
        %swap3A_893 = arith.index_cast %add3A_858 : i32 to index
        %swap3A_894 = arith.constant 32 : index
        %swap3A_895 = tpu.vector_load %arg23[%swap3A_893, %swap3A_894] {strides = array<i32>} : memref<128x128xf32, #tpu.memory_space<vmem>>, vector<1x16xf32>,
        %swap3A_896 = vector.shape_cast %swap3A_895 : vector<1x16xf32> to vector<16xf32>
        %swap3A_897 = vector.shape_cast %bitcast_convert_type3A_888 : vector<16xf32> to vector<1x16xf32>
        tpu.vector_store %arg23[%swap3A_893, %swap3A_894], %swap3A_897 {add = true, strides = array<i32>} : memref<128x128xf32, #tpu.memory_space<vmem>>, vector<1x16xf32>,
        %swap3A_898 = arith.index_cast %add3A_858 : i32 to index
        %swap3A_899 = arith.constant 48 : index
        %swap3A_900 = tpu.vector_load %arg23[%swap3A_898, %swap3A_899] {strides = array<i32>} : memref<128x128xf32, #tpu.memory_space<vmem>>, vector<1x16xf32>,
        %swap3A_901 = vector.shape_cast %swap3A_900 : vector<1x16xf32> to vector<16xf32>
        %swap3A_902 = vector.shape_cast %bitcast_convert_type3A_892 : vector<16xf32> to vector<1x16xf32>
        tpu.vector_store %arg23[%swap3A_898, %swap3A_899], %swap3A_902 {add = true, strides = array<i32>} : memref<128x128xf32, #tpu.memory_space<vmem>>, vector<1x16xf32>,
        %get3A_903 = arith.index_cast %scan3A_765 : i32 to index
        %get3A_904 = arith.constant 96 : index
        %get3A_905 = tpu.vector_load %arg28[%get3A_903, %get3A_904] {strides = array<i32>} : memref<64x128xi32, #tpu.memory_space<vmem>>, vector<1x16xi32>,
        %get3A_906 = vector.shape_cast %get3A_905 : vector<1x16xi32> to vector<16xi32>
        %shift_left3A_907 = arith.constant 16 : i32
        %shift_left3A_908 = vector.broadcast %shift_left3A_907 : i32 to vector<16xi32>
        %shift_left3A_909 = arith.shli %get3A_906, %shift_left3A_908 : vector<16xi32>
        %bitcast_convert_type3A_910 = tpu.bitcast %shift_left3A_909 : vector<16xi32> -> vector<16xf32>
        %and3A_911 = arith.constant -65536 : i32
        %and3A_912 = vector.broadcast %and3A_911 : i32 to vector<16xi32>
        %and3A_913 = arith.andi %get3A_906, %and3A_912 : vector<16xi32>
        %bitcast_convert_type3A_914 = tpu.bitcast %and3A_913 : vector<16xi32> -> vector<16xf32>
        %swap3A_915 = arith.index_cast %add3A_858 : i32 to index
        %swap3A_916 = arith.constant 64 : index
        %swap3A_917 = tpu.vector_load %arg23[%swap3A_915, %swap3A_916] {strides = array<i32>} : memref<128x128xf32, #tpu.memory_space<vmem>>, vector<1x16xf32>,
        %swap3A_918 = vector.shape_cast %swap3A_917 : vector<1x16xf32> to vector<16xf32>
        %swap3A_919 = vector.shape_cast %bitcast_convert_type3A_910 : vector<16xf32> to vector<1x16xf32>
        tpu.vector_store %arg23[%swap3A_915, %swap3A_916], %swap3A_919 {add = true, strides = array<i32>} : memref<128x128xf32, #tpu.memory_space<vmem>>, vector<1x16xf32>,
        %swap3A_920 = arith.index_cast %add3A_858 : i32 to index
        %swap3A_921 = arith.constant 80 : index
        %swap3A_922 = tpu.vector_load %arg23[%swap3A_920, %swap3A_921] {strides = array<i32>} : memref<128x128xf32, #tpu.memory_space<vmem>>, vector<1x16xf32>,
        %swap3A_923 = vector.shape_cast %swap3A_922 : vector<1x16xf32> to vector<16xf32>
        %swap3A_924 = vector.shape_cast %bitcast_convert_type3A_914 : vector<16xf32> to vector<1x16xf32>
        tpu.vector_store %arg23[%swap3A_920, %swap3A_921], %swap3A_924 {add = true, strides = array<i32>} : memref<128x128xf32, #tpu.memory_space<vmem>>, vector<1x16xf32>,
        %get3A_925 = arith.index_cast %scan3A_765 : i32 to index
        %get3A_926 = arith.constant 112 : index
        %get3A_927 = tpu.vector_load %arg28[%get3A_925, %get3A_926] {strides = array<i32>} : memref<64x128xi32, #tpu.memory_space<vmem>>, vector<1x16xi32>,
        %get3A_928 = vector.shape_cast %get3A_927 : vector<1x16xi32> to vector<16xi32>
        %shift_left3A_929 = arith.constant 16 : i32
        %shift_left3A_930 = vector.broadcast %shift_left3A_929 : i32 to vector<16xi32>
        %shift_left3A_931 = arith.shli %get3A_928, %shift_left3A_930 : vector<16xi32>
        %bitcast_convert_type3A_932 = tpu.bitcast %shift_left3A_931 : vector<16xi32> -> vector<16xf32>
        %and3A_933 = arith.constant -65536 : i32
        %and3A_934 = vector.broadcast %and3A_933 : i32 to vector<16xi32>
        %and3A_935 = arith.andi %get3A_928, %and3A_934 : vector<16xi32>
        %bitcast_convert_type3A_936 = tpu.bitcast %and3A_935 : vector<16xi32> -> vector<16xf32>
        %swap3A_937 = arith.index_cast %add3A_858 : i32 to index
        %swap3A_938 = arith.constant 96 : index
        %swap3A_939 = tpu.vector_load %arg23[%swap3A_937, %swap3A_938] {strides = array<i32>} : memref<128x128xf32, #tpu.memory_space<vmem>>, vector<1x16xf32>,
        %swap3A_940 = vector.shape_cast %swap3A_939 : vector<1x16xf32> to vector<16xf32>
        %swap3A_941 = vector.shape_cast %bitcast_convert_type3A_932 : vector<16xf32> to vector<1x16xf32>
        tpu.vector_store %arg23[%swap3A_937, %swap3A_938], %swap3A_941 {add = true, strides = array<i32>} : memref<128x128xf32, #tpu.memory_space<vmem>>, vector<1x16xf32>,
        %swap3A_942 = arith.index_cast %add3A_858 : i32 to index
        %swap3A_943 = arith.constant 112 : index
        %swap3A_944 = tpu.vector_load %arg23[%swap3A_942, %swap3A_943] {strides = array<i32>} : memref<128x128xf32, #tpu.memory_space<vmem>>, vector<1x16xf32>,
        %swap3A_945 = vector.shape_cast %swap3A_944 : vector<1x16xf32> to vector<16xf32>
        %swap3A_946 = vector.shape_cast %bitcast_convert_type3A_936 : vector<16xf32> to vector<1x16xf32>
        tpu.vector_store %arg23[%swap3A_942, %swap3A_943], %swap3A_946 {add = true, strides = array<i32>} : memref<128x128xf32, #tpu.memory_space<vmem>>, vector<1x16xf32>,
      }
      %scan3A_533 = arith.constant 64 : i32
      %dma_start3A_534 = arith.constant 0 : i32
      %dma_start3A_535 = tpu.memref_slice %arg6[%add3A_521, %dma_start3A_534] : memref<204800x128xf32, #tpu.memory_space<hbm>> -> memref<128x128xf32, #tpu.memory_space<hbm>>
      %dma_start3A_536 = arith.constant 0 : i32
      %dma_start3A_537 = tpu.memref_slice %arg6[%add3A_521, %dma_start3A_536] : memref<204800x128xf32, #tpu.memory_space<hbm>> -> memref<128x128xf32, #tpu.memory_space<hbm>>
      tpu.enqueue_dma source(%arg23 : memref<128x128xf32, #tpu.memory_space<vmem>>) target(%dma_start3A_537 : memref<128x128xf32, #tpu.memory_space<hbm>>) target_semaphore(%arg48 : memref<!tpu.dma_semaphore, #tpu.memory_space<semaphore_mem>>)
      %mul3A_538 = arith.constant 5 : i32
      %mul3A_539 = arith.muli %scan3A_246, %mul3A_538 : i32
      %add3A_540 = arith.constant 2 : i32
      %add3A_541 = arith.addi %mul3A_539, %add3A_540 : i32
      %ge3A_542 = arith.constant 1 : i32
      %ge3A_543 = arith.cmpi sge, %scan3A_246, %ge3A_542 : i32
      %convert_element_type3A_544 = arith.extui %ge3A_543 : i1 to i32
      %cond3A_545 = arith.constant 0 : i32
      %cond3A_546 = arith.cmpi ne, %convert_element_type3A_544, %cond3A_545 : i32
      scf.if %cond3A_546 {
        %dma_wait3A_765 = arith.constant 0 : i32
        %dma_wait3A_766 = arith.constant 0 : i32
        %dma_wait3A_767 = tpu.memref_slice %arg6[%dma_wait3A_765, %dma_wait3A_766] : memref<204800x128xf32, #tpu.memory_space<hbm>> -> memref<128x128xf32, #tpu.memory_space<hbm>>
        %dma_wait3A_768 = arith.constant 0 : i32
        %dma_wait3A_769 = arith.constant 0 : i32
        %dma_wait3A_770 = tpu.memref_slice %arg6[%dma_wait3A_768, %dma_wait3A_769] : memref<204800x128xf32, #tpu.memory_space<hbm>> -> memref<128x128xf32, #tpu.memory_space<hbm>>
        tpu.wait_dma2 semaphore(%arg51 : memref<!tpu.dma_semaphore, #tpu.memory_space<semaphore_mem>>) src(%arg26 : memref<128x128xf32, #tpu.memory_space<vmem>>) dst(%dma_wait3A_770 : memref<128x128xf32, #tpu.memory_space<hbm>>)
      } else {
      }
      %lt3A = arith.constant 9 : i32
      %lt3A_547 = arith.cmpi slt, %scan3A_246, %lt3A : i32
      %add3A_548 = arith.constant 3 : i32
      %add3A_549 = arith.addi %add3A_541, %add3A_548 : i32
      %convert_element_type3A_550 = arith.extui %lt3A_547 : i1 to i32
      %cond3A_551 = arith.constant 0 : i32
      %cond3A_552 = arith.cmpi ne, %convert_element_type3A_550, %cond3A_551 : i32
      scf.if %cond3A_552 {
        %mul3A_765 = arith.constant 128 : i32
        %mul3A_766 = arith.muli %add3A_549, %mul3A_765 : i32
        %add3A_767 = arith.addi %mul3A_2, %mul3A_766 : i32
        %mul3A_768 = arith.constant 64 : i32
        %mul3A_769 = arith.muli %add3A_549, %mul3A_768 : i32
        %add3A_770 = arith.addi %mul3A_4, %mul3A_769 : i32
        %dma_start3A_771 = tpu.memref_slice %arg2[%add3A_767] : memref<204800xi32, #tpu.memory_space<hbm>> -> memref<128xi32, #tpu.memory_space<hbm>>
        %dma_start3A_772 = tpu.memref_slice %arg2[%add3A_767] : memref<204800xi32, #tpu.memory_space<hbm>> -> memref<128xi32, #tpu.memory_space<hbm>>
        tpu.enqueue_dma source(%dma_start3A_772 : memref<128xi32, #tpu.memory_space<hbm>>) target(%arg7 : memref<128xi32, #tpu.memory_space<vmem>>) target_semaphore(%arg32 : memref<!tpu.dma_semaphore, #tpu.memory_space<semaphore_mem>>)
        %dma_start3A_773 = tpu.memref_slice %arg3[%add3A_770] : memref<102400xi32, #tpu.memory_space<hbm>> -> memref<64xi32, #tpu.memory_space<hbm>>
        %dma_start3A_774 = tpu.memref_slice %arg3[%add3A_770] : memref<102400xi32, #tpu.memory_space<hbm>> -> memref<64xi32, #tpu.memory_space<hbm>>
        tpu.enqueue_dma source(%dma_start3A_774 : memref<64xi32, #tpu.memory_space<hbm>>) target(%arg12 : memref<64xi32, #tpu.memory_space<vmem>>) target_semaphore(%arg32 : memref<!tpu.dma_semaphore, #tpu.memory_space<semaphore_mem>>)
      } else {
      }
      %add3A_553 = arith.constant 2 : i32
      %add3A_554 = arith.addi %add3A_541, %add3A_553 : i32
      %mul3A_555 = arith.constant 128 : i32
      %mul3A_556 = arith.muli %add3A_554, %mul3A_555 : i32
      %add3A_557 = arith.addi %mul3A_2, %mul3A_556 : i32
      %dma_wait3A_558 = arith.constant 0 : i32
      %dma_wait3A_559 = tpu.memref_slice %arg2[%dma_wait3A_558] : memref<204800xi32, #tpu.memory_space<hbm>> -> memref<128xi32, #tpu.memory_space<hbm>>
      %dma_wait3A_560 = arith.constant 0 : i32
      %dma_wait3A_561 = tpu.memref_slice %arg2[%dma_wait3A_560] : memref<204800xi32, #tpu.memory_space<hbm>> -> memref<128xi32, #tpu.memory_space<hbm>>
      tpu.wait_dma2 semaphore(%arg36 : memref<!tpu.dma_semaphore, #tpu.memory_space<semaphore_mem>>) src(%dma_wait3A_561 : memref<128xi32, #tpu.memory_space<hbm>>) dst(%arg11 : memref<128xi32, #tpu.memory_space<vmem>>)
      %dma_wait3A_562 = arith.constant 0 : i32
      %dma_wait3A_563 = tpu.memref_slice %arg3[%dma_wait3A_562] : memref<102400xi32, #tpu.memory_space<hbm>> -> memref<64xi32, #tpu.memory_space<hbm>>
      %dma_wait3A_564 = arith.constant 0 : i32
      %dma_wait3A_565 = tpu.memref_slice %arg3[%dma_wait3A_564] : memref<102400xi32, #tpu.memory_space<hbm>> -> memref<64xi32, #tpu.memory_space<hbm>>
      tpu.wait_dma2 semaphore(%arg36 : memref<!tpu.dma_semaphore, #tpu.memory_space<semaphore_mem>>) src(%dma_wait3A_565 : memref<64xi32, #tpu.memory_space<hbm>>) dst(%arg16 : memref<64xi32, #tpu.memory_space<vmem>>)
      %mul3A_566 = arith.constant 64 : i32
      %mul3A_567 = arith.muli %add3A_554, %mul3A_566 : i32
      %add3A_568 = arith.addi %mul3A_4, %mul3A_567 : i32
      %add3A_569 = arith.constant 0 : i32
      %add3A_570 = arith.addi %add3A_568, %add3A_569 : i32
      %iota3A_571 = tpu.iota {dimensions = array<i32: 0>} : vector<16xi32>
      %add3A_572 = vector.broadcast %add3A_570 : i32 to vector<16xi32>
      %add3A_573 = arith.addi %add3A_572, %iota3A_571 : vector<16xi32>
      %rem3A_574 = arith.constant 100 : i32
      %rem3A_575 = vector.broadcast %rem3A_574 : i32 to vector<16xi32>
      %rem3A_576 = arith.remsi %add3A_573, %rem3A_575 : vector<16xi32>
      %get3A_577 = arith.constant 0 : index
      %get3A_578 = tpu.vector_load %arg16[%get3A_577] {strides = array<i32>} : memref<64xi32, #tpu.memory_space<vmem>>, vector<16xi32>,
      %get3A_579 = vector.shape_cast %get3A_578 : vector<16xi32> to vector<16xi32>
      %mul3A_580 = arith.constant 100 : i32
      %mul3A_581 = vector.broadcast %mul3A_580 : i32 to vector<16xi32>
      %mul3A_582 = arith.muli %get3A_579, %mul3A_581 : vector<16xi32>
      %add3A_583 = arith.addi %mul3A_582, %rem3A_576 : vector<16xi32>
      %swap3A_584 = arith.constant 0 : index
      %swap3A_585 = tpu.vector_load %arg21[%swap3A_584] {strides = array<i32>} : memref<64xi32, #tpu.memory_space<vmem>>, vector<16xi32>,
      %swap3A_586 = vector.shape_cast %swap3A_585 : vector<16xi32> to vector<16xi32>
      %swap3A_587 = vector.shape_cast %add3A_583 : vector<16xi32> to vector<16xi32>
      tpu.vector_store %arg21[%swap3A_584], %swap3A_587 {strides = array<i32>} : memref<64xi32, #tpu.memory_space<vmem>>, vector<16xi32>,
      %mul3A_588 = arith.constant 64 : i32
      %mul3A_589 = arith.muli %add3A_554, %mul3A_588 : i32
      %add3A_590 = arith.addi %mul3A_4, %mul3A_589 : i32
      %add3A_591 = arith.constant 16 : i32
      %add3A_592 = arith.addi %add3A_590, %add3A_591 : i32
      %iota3A_593 = tpu.iota {dimensions = array<i32: 0>} : vector<16xi32>
      %add3A_594 = vector.broadcast %add3A_592 : i32 to vector<16xi32>
      %add3A_595 = arith.addi %add3A_594, %iota3A_593 : vector<16xi32>
      %rem3A_596 = arith.constant 100 : i32
      %rem3A_597 = vector.broadcast %rem3A_596 : i32 to vector<16xi32>
      %rem3A_598 = arith.remsi %add3A_595, %rem3A_597 : vector<16xi32>
      %get3A_599 = arith.constant 16 : index
      %get3A_600 = tpu.vector_load %arg16[%get3A_599] {strides = array<i32>} : memref<64xi32, #tpu.memory_space<vmem>>, vector<16xi32>,
      %get3A_601 = vector.shape_cast %get3A_600 : vector<16xi32> to vector<16xi32>
      %mul3A_602 = arith.constant 100 : i32
      %mul3A_603 = vector.broadcast %mul3A_602 : i32 to vector<16xi32>
      %mul3A_604 = arith.muli %get3A_601, %mul3A_603 : vector<16xi32>
      %add3A_605 = arith.addi %mul3A_604, %rem3A_598 : vector<16xi32>
      %swap3A_606 = arith.constant 16 : index
      %swap3A_607 = tpu.vector_load %arg21[%swap3A_606] {strides = array<i32>} : memref<64xi32, #tpu.memory_space<vmem>>, vector<16xi32>,
      %swap3A_608 = vector.shape_cast %swap3A_607 : vector<16xi32> to vector<16xi32>
      %swap3A_609 = vector.shape_cast %add3A_605 : vector<16xi32> to vector<16xi32>
      tpu.vector_store %arg21[%swap3A_606], %swap3A_609 {strides = array<i32>} : memref<64xi32, #tpu.memory_space<vmem>>, vector<16xi32>,
      %mul3A_610 = arith.constant 64 : i32
      %mul3A_611 = arith.muli %add3A_554, %mul3A_610 : i32
      %add3A_612 = arith.addi %mul3A_4, %mul3A_611 : i32
      %add3A_613 = arith.constant 32 : i32
      %add3A_614 = arith.addi %add3A_612, %add3A_613 : i32
      %iota3A_615 = tpu.iota {dimensions = array<i32: 0>} : vector<16xi32>
      %add3A_616 = vector.broadcast %add3A_614 : i32 to vector<16xi32>
      %add3A_617 = arith.addi %add3A_616, %iota3A_615 : vector<16xi32>
      %rem3A_618 = arith.constant 100 : i32
      %rem3A_619 = vector.broadcast %rem3A_618 : i32 to vector<16xi32>
      %rem3A_620 = arith.remsi %add3A_617, %rem3A_619 : vector<16xi32>
      %get3A_621 = arith.constant 32 : index
      %get3A_622 = tpu.vector_load %arg16[%get3A_621] {strides = array<i32>} : memref<64xi32, #tpu.memory_space<vmem>>, vector<16xi32>,
      %get3A_623 = vector.shape_cast %get3A_622 : vector<16xi32> to vector<16xi32>
      %mul3A_624 = arith.constant 100 : i32
      %mul3A_625 = vector.broadcast %mul3A_624 : i32 to vector<16xi32>
      %mul3A_626 = arith.muli %get3A_623, %mul3A_625 : vector<16xi32>
      %add3A_627 = arith.addi %mul3A_626, %rem3A_620 : vector<16xi32>
      %swap3A_628 = arith.constant 32 : index
      %swap3A_629 = tpu.vector_load %arg21[%swap3A_628] {strides = array<i32>} : memref<64xi32, #tpu.memory_space<vmem>>, vector<16xi32>,
      %swap3A_630 = vector.shape_cast %swap3A_629 : vector<16xi32> to vector<16xi32>
      %swap3A_631 = vector.shape_cast %add3A_627 : vector<16xi32> to vector<16xi32>
      tpu.vector_store %arg21[%swap3A_628], %swap3A_631 {strides = array<i32>} : memref<64xi32, #tpu.memory_space<vmem>>, vector<16xi32>,
      %mul3A_632 = arith.constant 64 : i32
      %mul3A_633 = arith.muli %add3A_554, %mul3A_632 : i32
      %add3A_634 = arith.addi %mul3A_4, %mul3A_633 : i32
      %add3A_635 = arith.constant 48 : i32
      %add3A_636 = arith.addi %add3A_634, %add3A_635 : i32
      %iota3A_637 = tpu.iota {dimensions = array<i32: 0>} : vector<16xi32>
      %add3A_638 = vector.broadcast %add3A_636 : i32 to vector<16xi32>
      %add3A_639 = arith.addi %add3A_638, %iota3A_637 : vector<16xi32>
      %rem3A_640 = arith.constant 100 : i32
      %rem3A_641 = vector.broadcast %rem3A_640 : i32 to vector<16xi32>
      %rem3A_642 = arith.remsi %add3A_639, %rem3A_641 : vector<16xi32>
      %get3A_643 = arith.constant 48 : index
      %get3A_644 = tpu.vector_load %arg16[%get3A_643] {strides = array<i32>} : memref<64xi32, #tpu.memory_space<vmem>>, vector<16xi32>,
      %get3A_645 = vector.shape_cast %get3A_644 : vector<16xi32> to vector<16xi32>
      %mul3A_646 = arith.constant 100 : i32
      %mul3A_647 = vector.broadcast %mul3A_646 : i32 to vector<16xi32>
      %mul3A_648 = arith.muli %get3A_645, %mul3A_647 : vector<16xi32>
      %add3A_649 = arith.addi %mul3A_648, %rem3A_642 : vector<16xi32>
      %swap3A_650 = arith.constant 48 : index
      %swap3A_651 = tpu.vector_load %arg21[%swap3A_650] {strides = array<i32>} : memref<64xi32, #tpu.memory_space<vmem>>, vector<16xi32>,
      %swap3A_652 = vector.shape_cast %swap3A_651 : vector<16xi32> to vector<16xi32>
      %swap3A_653 = vector.shape_cast %add3A_649 : vector<16xi32> to vector<16xi32>
      tpu.vector_store %arg21[%swap3A_650], %swap3A_653 {strides = array<i32>} : memref<64xi32, #tpu.memory_space<vmem>>, vector<16xi32>,
      %dma_start3A_654 = arith.constant 0 : i32
      %dma_start3A_655 = arith.constant 0 : i32
      %dma_start3A_656 = tpu.memref_slice %arg4[%dma_start3A_654, %dma_start3A_655] : memref<100000x128xf32, #tpu.memory_space<hbm>> -> memref<100000x128xf32, #tpu.memory_space<hbm>>
      tpu.enqueue_indirect_dma source(%dma_start3A_656 : memref<100000x128xf32, #tpu.memory_space<hbm>>) target(%arg26 : memref<128x128xf32, #tpu.memory_space<vmem>>) offsets(%arg11 : memref<128xi32, #tpu.memory_space<vmem>>) semaphore(%arg41 : memref<!tpu.dma_semaphore, #tpu.memory_space<semaphore_mem>>)
      %dma_start3A_657 = arith.constant 0 : i32
      %dma_start3A_658 = arith.constant 0 : i32
      %dma_start3A_659 = tpu.memref_slice %arg5[%dma_start3A_657, %dma_start3A_658] : memref<900x128xi32, #tpu.memory_space<hbm>> -> memref<900x128xi32, #tpu.memory_space<hbm>>
      tpu.enqueue_indirect_dma source(%dma_start3A_659 : memref<900x128xi32, #tpu.memory_space<hbm>>) target(%arg31 : memref<64x128xi32, #tpu.memory_space<vmem>>) offsets(%arg21 : memref<64xi32, #tpu.memory_space<vmem>>) semaphore(%arg46 : memref<!tpu.dma_semaphore, #tpu.memory_space<semaphore_mem>>)
      %mul3A_660 = arith.constant 128 : i32
      %mul3A_661 = arith.muli %add3A_541, %mul3A_660 : i32
      %add3A_662 = arith.addi %mul3A_2, %mul3A_661 : i32
      %dma_wait3A_663 = arith.constant 0 : i32
      %dma_wait3A_664 = arith.constant 0 : i32
      %dma_wait3A_665 = tpu.memref_slice %arg4[%dma_wait3A_663, %dma_wait3A_664] : memref<100000x128xf32, #tpu.memory_space<hbm>> -> memref<100000x128xf32, #tpu.memory_space<hbm>>
      tpu.wait_indirect_dma semaphore(%arg39 : memref<!tpu.dma_semaphore, #tpu.memory_space<semaphore_mem>>) src(%dma_wait3A_665 : memref<100000x128xf32, #tpu.memory_space<hbm>>) dst(%arg24 : memref<128x128xf32, #tpu.memory_space<vmem>>)
      %dma_wait3A_666 = arith.constant 0 : i32
      %dma_wait3A_667 = arith.constant 0 : i32
      %dma_wait3A_668 = tpu.memref_slice %arg5[%dma_wait3A_666, %dma_wait3A_667] : memref<900x128xi32, #tpu.memory_space<hbm>> -> memref<900x128xi32, #tpu.memory_space<hbm>>
      tpu.wait_indirect_dma semaphore(%arg44 : memref<!tpu.dma_semaphore, #tpu.memory_space<semaphore_mem>>) src(%dma_wait3A_668 : memref<900x128xi32, #tpu.memory_space<hbm>>) dst(%arg29 : memref<64x128xi32, #tpu.memory_space<vmem>>)
      %scan3A_669 = arith.constant 0 : i32
      %scan3A_670 = arith.constant 0 : i32
      %scan3A_671 = arith.constant 64 : i32
      %scan3A_672 = arith.addi %scan3A_670, %scan3A_671 : i32
      %scan3A_673 = arith.constant 1 : i32
      scf.for %scan3A_765 = %scan3A_670 to %scan3A_672 step %scan3A_673  : i32 {
        %mul3A_766 = arith.constant 2 : i32
        %mul3A_767 = arith.muli %mul3A_766, %scan3A_765 : i32
        %add3A_768 = arith.constant 0 : i32
        %add3A_769 = arith.addi %mul3A_767, %add3A_768 : i32
        %get3A_770 = arith.index_cast %scan3A_765 : i32 to index
        %get3A_771 = arith.constant 0 : index
        %get3A_772 = tpu.vector_load %arg29[%get3A_770, %get3A_771] {strides = array<i32>} : memref<64x128xi32, #tpu.memory_space<vmem>>, vector<1x16xi32>,
        %get3A_773 = vector.shape_cast %get3A_772 : vector<1x16xi32> to vector<16xi32>
        %shift_left3A = arith.constant 16 : i32
        %shift_left3A_774 = vector.broadcast %shift_left3A : i32 to vector<16xi32>
        %shift_left3A_775 = arith.shli %get3A_773, %shift_left3A_774 : vector<16xi32>
        %bitcast_convert_type3A = tpu.bitcast %shift_left3A_775 : vector<16xi32> -> vector<16xf32>
        %and3A = arith.constant -65536 : i32
        %and3A_776 = vector.broadcast %and3A : i32 to vector<16xi32>
        %and3A_777 = arith.andi %get3A_773, %and3A_776 : vector<16xi32>
        %bitcast_convert_type3A_778 = tpu.bitcast %and3A_777 : vector<16xi32> -> vector<16xf32>
        %swap3A_779 = arith.index_cast %add3A_769 : i32 to index
        %swap3A_780 = arith.constant 0 : index
        %swap3A_781 = tpu.vector_load %arg24[%swap3A_779, %swap3A_780] {strides = array<i32>} : memref<128x128xf32, #tpu.memory_space<vmem>>, vector<1x16xf32>,
        %swap3A_782 = vector.shape_cast %swap3A_781 : vector<1x16xf32> to vector<16xf32>
        %swap3A_783 = vector.shape_cast %bitcast_convert_type3A : vector<16xf32> to vector<1x16xf32>
        tpu.vector_store %arg24[%swap3A_779, %swap3A_780], %swap3A_783 {add = true, strides = array<i32>} : memref<128x128xf32, #tpu.memory_space<vmem>>, vector<1x16xf32>,
        %swap3A_784 = arith.index_cast %add3A_769 : i32 to index
        %swap3A_785 = arith.constant 16 : index
        %swap3A_786 = tpu.vector_load %arg24[%swap3A_784, %swap3A_785] {strides = array<i32>} : memref<128x128xf32, #tpu.memory_space<vmem>>, vector<1x16xf32>,
        %swap3A_787 = vector.shape_cast %swap3A_786 : vector<1x16xf32> to vector<16xf32>
        %swap3A_788 = vector.shape_cast %bitcast_convert_type3A_778 : vector<16xf32> to vector<1x16xf32>
        tpu.vector_store %arg24[%swap3A_784, %swap3A_785], %swap3A_788 {add = true, strides = array<i32>} : memref<128x128xf32, #tpu.memory_space<vmem>>, vector<1x16xf32>,
        %get3A_789 = arith.index_cast %scan3A_765 : i32 to index
        %get3A_790 = arith.constant 16 : index
        %get3A_791 = tpu.vector_load %arg29[%get3A_789, %get3A_790] {strides = array<i32>} : memref<64x128xi32, #tpu.memory_space<vmem>>, vector<1x16xi32>,
        %get3A_792 = vector.shape_cast %get3A_791 : vector<1x16xi32> to vector<16xi32>
        %shift_left3A_793 = arith.constant 16 : i32
        %shift_left3A_794 = vector.broadcast %shift_left3A_793 : i32 to vector<16xi32>
        %shift_left3A_795 = arith.shli %get3A_792, %shift_left3A_794 : vector<16xi32>
        %bitcast_convert_type3A_796 = tpu.bitcast %shift_left3A_795 : vector<16xi32> -> vector<16xf32>
        %and3A_797 = arith.constant -65536 : i32
        %and3A_798 = vector.broadcast %and3A_797 : i32 to vector<16xi32>
        %and3A_799 = arith.andi %get3A_792, %and3A_798 : vector<16xi32>
        %bitcast_convert_type3A_800 = tpu.bitcast %and3A_799 : vector<16xi32> -> vector<16xf32>
        %swap3A_801 = arith.index_cast %add3A_769 : i32 to index
        %swap3A_802 = arith.constant 32 : index
        %swap3A_803 = tpu.vector_load %arg24[%swap3A_801, %swap3A_802] {strides = array<i32>} : memref<128x128xf32, #tpu.memory_space<vmem>>, vector<1x16xf32>,
        %swap3A_804 = vector.shape_cast %swap3A_803 : vector<1x16xf32> to vector<16xf32>
        %swap3A_805 = vector.shape_cast %bitcast_convert_type3A_796 : vector<16xf32> to vector<1x16xf32>
        tpu.vector_store %arg24[%swap3A_801, %swap3A_802], %swap3A_805 {add = true, strides = array<i32>} : memref<128x128xf32, #tpu.memory_space<vmem>>, vector<1x16xf32>,
        %swap3A_806 = arith.index_cast %add3A_769 : i32 to index
        %swap3A_807 = arith.constant 48 : index
        %swap3A_808 = tpu.vector_load %arg24[%swap3A_806, %swap3A_807] {strides = array<i32>} : memref<128x128xf32, #tpu.memory_space<vmem>>, vector<1x16xf32>,
        %swap3A_809 = vector.shape_cast %swap3A_808 : vector<1x16xf32> to vector<16xf32>
        %swap3A_810 = vector.shape_cast %bitcast_convert_type3A_800 : vector<16xf32> to vector<1x16xf32>
        tpu.vector_store %arg24[%swap3A_806, %swap3A_807], %swap3A_810 {add = true, strides = array<i32>} : memref<128x128xf32, #tpu.memory_space<vmem>>, vector<1x16xf32>,
        %get3A_811 = arith.index_cast %scan3A_765 : i32 to index
        %get3A_812 = arith.constant 32 : index
        %get3A_813 = tpu.vector_load %arg29[%get3A_811, %get3A_812] {strides = array<i32>} : memref<64x128xi32, #tpu.memory_space<vmem>>, vector<1x16xi32>,
        %get3A_814 = vector.shape_cast %get3A_813 : vector<1x16xi32> to vector<16xi32>
        %shift_left3A_815 = arith.constant 16 : i32
        %shift_left3A_816 = vector.broadcast %shift_left3A_815 : i32 to vector<16xi32>
        %shift_left3A_817 = arith.shli %get3A_814, %shift_left3A_816 : vector<16xi32>
        %bitcast_convert_type3A_818 = tpu.bitcast %shift_left3A_817 : vector<16xi32> -> vector<16xf32>
        %and3A_819 = arith.constant -65536 : i32
        %and3A_820 = vector.broadcast %and3A_819 : i32 to vector<16xi32>
        %and3A_821 = arith.andi %get3A_814, %and3A_820 : vector<16xi32>
        %bitcast_convert_type3A_822 = tpu.bitcast %and3A_821 : vector<16xi32> -> vector<16xf32>
        %swap3A_823 = arith.index_cast %add3A_769 : i32 to index
        %swap3A_824 = arith.constant 64 : index
        %swap3A_825 = tpu.vector_load %arg24[%swap3A_823, %swap3A_824] {strides = array<i32>} : memref<128x128xf32, #tpu.memory_space<vmem>>, vector<1x16xf32>,
        %swap3A_826 = vector.shape_cast %swap3A_825 : vector<1x16xf32> to vector<16xf32>
        %swap3A_827 = vector.shape_cast %bitcast_convert_type3A_818 : vector<16xf32> to vector<1x16xf32>
        tpu.vector_store %arg24[%swap3A_823, %swap3A_824], %swap3A_827 {add = true, strides = array<i32>} : memref<128x128xf32, #tpu.memory_space<vmem>>, vector<1x16xf32>,
        %swap3A_828 = arith.index_cast %add3A_769 : i32 to index
        %swap3A_829 = arith.constant 80 : index
        %swap3A_830 = tpu.vector_load %arg24[%swap3A_828, %swap3A_829] {strides = array<i32>} : memref<128x128xf32, #tpu.memory_space<vmem>>, vector<1x16xf32>,
        %swap3A_831 = vector.shape_cast %swap3A_830 : vector<1x16xf32> to vector<16xf32>
        %swap3A_832 = vector.shape_cast %bitcast_convert_type3A_822 : vector<16xf32> to vector<1x16xf32>
        tpu.vector_store %arg24[%swap3A_828, %swap3A_829], %swap3A_832 {add = true, strides = array<i32>} : memref<128x128xf32, #tpu.memory_space<vmem>>, vector<1x16xf32>,
        %get3A_833 = arith.index_cast %scan3A_765 : i32 to index
        %get3A_834 = arith.constant 48 : index
        %get3A_835 = tpu.vector_load %arg29[%get3A_833, %get3A_834] {strides = array<i32>} : memref<64x128xi32, #tpu.memory_space<vmem>>, vector<1x16xi32>,
        %get3A_836 = vector.shape_cast %get3A_835 : vector<1x16xi32> to vector<16xi32>
        %shift_left3A_837 = arith.constant 16 : i32
        %shift_left3A_838 = vector.broadcast %shift_left3A_837 : i32 to vector<16xi32>
        %shift_left3A_839 = arith.shli %get3A_836, %shift_left3A_838 : vector<16xi32>
        %bitcast_convert_type3A_840 = tpu.bitcast %shift_left3A_839 : vector<16xi32> -> vector<16xf32>
        %and3A_841 = arith.constant -65536 : i32
        %and3A_842 = vector.broadcast %and3A_841 : i32 to vector<16xi32>
        %and3A_843 = arith.andi %get3A_836, %and3A_842 : vector<16xi32>
        %bitcast_convert_type3A_844 = tpu.bitcast %and3A_843 : vector<16xi32> -> vector<16xf32>
        %swap3A_845 = arith.index_cast %add3A_769 : i32 to index
        %swap3A_846 = arith.constant 96 : index
        %swap3A_847 = tpu.vector_load %arg24[%swap3A_845, %swap3A_846] {strides = array<i32>} : memref<128x128xf32, #tpu.memory_space<vmem>>, vector<1x16xf32>,
        %swap3A_848 = vector.shape_cast %swap3A_847 : vector<1x16xf32> to vector<16xf32>
        %swap3A_849 = vector.shape_cast %bitcast_convert_type3A_840 : vector<16xf32> to vector<1x16xf32>
        tpu.vector_store %arg24[%swap3A_845, %swap3A_846], %swap3A_849 {add = true, strides = array<i32>} : memref<128x128xf32, #tpu.memory_space<vmem>>, vector<1x16xf32>,
        %swap3A_850 = arith.index_cast %add3A_769 : i32 to index
        %swap3A_851 = arith.constant 112 : index
        %swap3A_852 = tpu.vector_load %arg24[%swap3A_850, %swap3A_851] {strides = array<i32>} : memref<128x128xf32, #tpu.memory_space<vmem>>, vector<1x16xf32>,
        %swap3A_853 = vector.shape_cast %swap3A_852 : vector<1x16xf32> to vector<16xf32>
        %swap3A_854 = vector.shape_cast %bitcast_convert_type3A_844 : vector<16xf32> to vector<1x16xf32>
        tpu.vector_store %arg24[%swap3A_850, %swap3A_851], %swap3A_854 {add = true, strides = array<i32>} : memref<128x128xf32, #tpu.memory_space<vmem>>, vector<1x16xf32>,
        %mul3A_855 = arith.constant 2 : i32
        %mul3A_856 = arith.muli %mul3A_855, %scan3A_765 : i32
        %add3A_857 = arith.constant 1 : i32
        %add3A_858 = arith.addi %mul3A_856, %add3A_857 : i32
        %get3A_859 = arith.index_cast %scan3A_765 : i32 to index
        %get3A_860 = arith.constant 64 : index
        %get3A_861 = tpu.vector_load %arg29[%get3A_859, %get3A_860] {strides = array<i32>} : memref<64x128xi32, #tpu.memory_space<vmem>>, vector<1x16xi32>,
        %get3A_862 = vector.shape_cast %get3A_861 : vector<1x16xi32> to vector<16xi32>
        %shift_left3A_863 = arith.constant 16 : i32
        %shift_left3A_864 = vector.broadcast %shift_left3A_863 : i32 to vector<16xi32>
        %shift_left3A_865 = arith.shli %get3A_862, %shift_left3A_864 : vector<16xi32>
        %bitcast_convert_type3A_866 = tpu.bitcast %shift_left3A_865 : vector<16xi32> -> vector<16xf32>
        %and3A_867 = arith.constant -65536 : i32
        %and3A_868 = vector.broadcast %and3A_867 : i32 to vector<16xi32>
        %and3A_869 = arith.andi %get3A_862, %and3A_868 : vector<16xi32>
        %bitcast_convert_type3A_870 = tpu.bitcast %and3A_869 : vector<16xi32> -> vector<16xf32>
        %swap3A_871 = arith.index_cast %add3A_858 : i32 to index
        %swap3A_872 = arith.constant 0 : index
        %swap3A_873 = tpu.vector_load %arg24[%swap3A_871, %swap3A_872] {strides = array<i32>} : memref<128x128xf32, #tpu.memory_space<vmem>>, vector<1x16xf32>,
        %swap3A_874 = vector.shape_cast %swap3A_873 : vector<1x16xf32> to vector<16xf32>
        %swap3A_875 = vector.shape_cast %bitcast_convert_type3A_866 : vector<16xf32> to vector<1x16xf32>
        tpu.vector_store %arg24[%swap3A_871, %swap3A_872], %swap3A_875 {add = true, strides = array<i32>} : memref<128x128xf32, #tpu.memory_space<vmem>>, vector<1x16xf32>,
        %swap3A_876 = arith.index_cast %add3A_858 : i32 to index
        %swap3A_877 = arith.constant 16 : index
        %swap3A_878 = tpu.vector_load %arg24[%swap3A_876, %swap3A_877] {strides = array<i32>} : memref<128x128xf32, #tpu.memory_space<vmem>>, vector<1x16xf32>,
        %swap3A_879 = vector.shape_cast %swap3A_878 : vector<1x16xf32> to vector<16xf32>
        %swap3A_880 = vector.shape_cast %bitcast_convert_type3A_870 : vector<16xf32> to vector<1x16xf32>
        tpu.vector_store %arg24[%swap3A_876, %swap3A_877], %swap3A_880 {add = true, strides = array<i32>} : memref<128x128xf32, #tpu.memory_space<vmem>>, vector<1x16xf32>,
        %get3A_881 = arith.index_cast %scan3A_765 : i32 to index
        %get3A_882 = arith.constant 80 : index
        %get3A_883 = tpu.vector_load %arg29[%get3A_881, %get3A_882] {strides = array<i32>} : memref<64x128xi32, #tpu.memory_space<vmem>>, vector<1x16xi32>,
        %get3A_884 = vector.shape_cast %get3A_883 : vector<1x16xi32> to vector<16xi32>
        %shift_left3A_885 = arith.constant 16 : i32
        %shift_left3A_886 = vector.broadcast %shift_left3A_885 : i32 to vector<16xi32>
        %shift_left3A_887 = arith.shli %get3A_884, %shift_left3A_886 : vector<16xi32>
        %bitcast_convert_type3A_888 = tpu.bitcast %shift_left3A_887 : vector<16xi32> -> vector<16xf32>
        %and3A_889 = arith.constant -65536 : i32
        %and3A_890 = vector.broadcast %and3A_889 : i32 to vector<16xi32>
        %and3A_891 = arith.andi %get3A_884, %and3A_890 : vector<16xi32>
        %bitcast_convert_type3A_892 = tpu.bitcast %and3A_891 : vector<16xi32> -> vector<16xf32>
        %swap3A_893 = arith.index_cast %add3A_858 : i32 to index
        %swap3A_894 = arith.constant 32 : index
        %swap3A_895 = tpu.vector_load %arg24[%swap3A_893, %swap3A_894] {strides = array<i32>} : memref<128x128xf32, #tpu.memory_space<vmem>>, vector<1x16xf32>,
        %swap3A_896 = vector.shape_cast %swap3A_895 : vector<1x16xf32> to vector<16xf32>
        %swap3A_897 = vector.shape_cast %bitcast_convert_type3A_888 : vector<16xf32> to vector<1x16xf32>
        tpu.vector_store %arg24[%swap3A_893, %swap3A_894], %swap3A_897 {add = true, strides = array<i32>} : memref<128x128xf32, #tpu.memory_space<vmem>>, vector<1x16xf32>,
        %swap3A_898 = arith.index_cast %add3A_858 : i32 to index
        %swap3A_899 = arith.constant 48 : index
        %swap3A_900 = tpu.vector_load %arg24[%swap3A_898, %swap3A_899] {strides = array<i32>} : memref<128x128xf32, #tpu.memory_space<vmem>>, vector<1x16xf32>,
        %swap3A_901 = vector.shape_cast %swap3A_900 : vector<1x16xf32> to vector<16xf32>
        %swap3A_902 = vector.shape_cast %bitcast_convert_type3A_892 : vector<16xf32> to vector<1x16xf32>
        tpu.vector_store %arg24[%swap3A_898, %swap3A_899], %swap3A_902 {add = true, strides = array<i32>} : memref<128x128xf32, #tpu.memory_space<vmem>>, vector<1x16xf32>,
        %get3A_903 = arith.index_cast %scan3A_765 : i32 to index
        %get3A_904 = arith.constant 96 : index
        %get3A_905 = tpu.vector_load %arg29[%get3A_903, %get3A_904] {strides = array<i32>} : memref<64x128xi32, #tpu.memory_space<vmem>>, vector<1x16xi32>,
        %get3A_906 = vector.shape_cast %get3A_905 : vector<1x16xi32> to vector<16xi32>
        %shift_left3A_907 = arith.constant 16 : i32
        %shift_left3A_908 = vector.broadcast %shift_left3A_907 : i32 to vector<16xi32>
        %shift_left3A_909 = arith.shli %get3A_906, %shift_left3A_908 : vector<16xi32>
        %bitcast_convert_type3A_910 = tpu.bitcast %shift_left3A_909 : vector<16xi32> -> vector<16xf32>
        %and3A_911 = arith.constant -65536 : i32
        %and3A_912 = vector.broadcast %and3A_911 : i32 to vector<16xi32>
        %and3A_913 = arith.andi %get3A_906, %and3A_912 : vector<16xi32>
        %bitcast_convert_type3A_914 = tpu.bitcast %and3A_913 : vector<16xi32> -> vector<16xf32>
        %swap3A_915 = arith.index_cast %add3A_858 : i32 to index
        %swap3A_916 = arith.constant 64 : index
        %swap3A_917 = tpu.vector_load %arg24[%swap3A_915, %swap3A_916] {strides = array<i32>} : memref<128x128xf32, #tpu.memory_space<vmem>>, vector<1x16xf32>,
        %swap3A_918 = vector.shape_cast %swap3A_917 : vector<1x16xf32> to vector<16xf32>
        %swap3A_919 = vector.shape_cast %bitcast_convert_type3A_910 : vector<16xf32> to vector<1x16xf32>
        tpu.vector_store %arg24[%swap3A_915, %swap3A_916], %swap3A_919 {add = true, strides = array<i32>} : memref<128x128xf32, #tpu.memory_space<vmem>>, vector<1x16xf32>,
        %swap3A_920 = arith.index_cast %add3A_858 : i32 to index
        %swap3A_921 = arith.constant 80 : index
        %swap3A_922 = tpu.vector_load %arg24[%swap3A_920, %swap3A_921] {strides = array<i32>} : memref<128x128xf32, #tpu.memory_space<vmem>>, vector<1x16xf32>,
        %swap3A_923 = vector.shape_cast %swap3A_922 : vector<1x16xf32> to vector<16xf32>
        %swap3A_924 = vector.shape_cast %bitcast_convert_type3A_914 : vector<16xf32> to vector<1x16xf32>
        tpu.vector_store %arg24[%swap3A_920, %swap3A_921], %swap3A_924 {add = true, strides = array<i32>} : memref<128x128xf32, #tpu.memory_space<vmem>>, vector<1x16xf32>,
        %get3A_925 = arith.index_cast %scan3A_765 : i32 to index
        %get3A_926 = arith.constant 112 : index
        %get3A_927 = tpu.vector_load %arg29[%get3A_925, %get3A_926] {strides = array<i32>} : memref<64x128xi32, #tpu.memory_space<vmem>>, vector<1x16xi32>,
        %get3A_928 = vector.shape_cast %get3A_927 : vector<1x16xi32> to vector<16xi32>
        %shift_left3A_929 = arith.constant 16 : i32
        %shift_left3A_930 = vector.broadcast %shift_left3A_929 : i32 to vector<16xi32>
        %shift_left3A_931 = arith.shli %get3A_928, %shift_left3A_930 : vector<16xi32>
        %bitcast_convert_type3A_932 = tpu.bitcast %shift_left3A_931 : vector<16xi32> -> vector<16xf32>
        %and3A_933 = arith.constant -65536 : i32
        %and3A_934 = vector.broadcast %and3A_933 : i32 to vector<16xi32>
        %and3A_935 = arith.andi %get3A_928, %and3A_934 : vector<16xi32>
        %bitcast_convert_type3A_936 = tpu.bitcast %and3A_935 : vector<16xi32> -> vector<16xf32>
        %swap3A_937 = arith.index_cast %add3A_858 : i32 to index
        %swap3A_938 = arith.constant 96 : index
        %swap3A_939 = tpu.vector_load %arg24[%swap3A_937, %swap3A_938] {strides = array<i32>} : memref<128x128xf32, #tpu.memory_space<vmem>>, vector<1x16xf32>,
        %swap3A_940 = vector.shape_cast %swap3A_939 : vector<1x16xf32> to vector<16xf32>
        %swap3A_941 = vector.shape_cast %bitcast_convert_type3A_932 : vector<16xf32> to vector<1x16xf32>
        tpu.vector_store %arg24[%swap3A_937, %swap3A_938], %swap3A_941 {add = true, strides = array<i32>} : memref<128x128xf32, #tpu.memory_space<vmem>>, vector<1x16xf32>,
        %swap3A_942 = arith.index_cast %add3A_858 : i32 to index
        %swap3A_943 = arith.constant 112 : index
        %swap3A_944 = tpu.vector_load %arg24[%swap3A_942, %swap3A_943] {strides = array<i32>} : memref<128x128xf32, #tpu.memory_space<vmem>>, vector<1x16xf32>,
        %swap3A_945 = vector.shape_cast %swap3A_944 : vector<1x16xf32> to vector<16xf32>
        %swap3A_946 = vector.shape_cast %bitcast_convert_type3A_936 : vector<16xf32> to vector<1x16xf32>
        tpu.vector_store %arg24[%swap3A_942, %swap3A_943], %swap3A_946 {add = true, strides = array<i32>} : memref<128x128xf32, #tpu.memory_space<vmem>>, vector<1x16xf32>,
      }
      %scan3A_674 = arith.constant 64 : i32
      %dma_start3A_675 = arith.constant 0 : i32
      %dma_start3A_676 = tpu.memref_slice %arg6[%add3A_662, %dma_start3A_675] : memref<204800x128xf32, #tpu.memory_space<hbm>> -> memref<128x128xf32, #tpu.memory_space<hbm>>
      %dma_start3A_677 = arith.constant 0 : i32
      %dma_start3A_678 = tpu.memref_slice %arg6[%add3A_662, %dma_start3A_677] : memref<204800x128xf32, #tpu.memory_space<hbm>> -> memref<128x128xf32, #tpu.memory_space<hbm>>
      tpu.enqueue_dma source(%arg24 : memref<128x128xf32, #tpu.memory_space<vmem>>) target(%dma_start3A_678 : memref<128x128xf32, #tpu.memory_space<hbm>>) target_semaphore(%arg49 : memref<!tpu.dma_semaphore, #tpu.memory_space<semaphore_mem>>)
      %mul3A_679 = arith.constant 5 : i32
      %mul3A_680 = arith.muli %scan3A_246, %mul3A_679 : i32
      %add3A_681 = arith.constant 3 : i32
      %add3A_682 = arith.addi %mul3A_680, %add3A_681 : i32
      %dma_wait3A_683 = arith.constant 0 : i32
      %dma_wait3A_684 = arith.constant 0 : i32
      %dma_wait3A_685 = tpu.memref_slice %arg6[%dma_wait3A_683, %dma_wait3A_684] : memref<204800x128xf32, #tpu.memory_space<hbm>> -> memref<128x128xf32, #tpu.memory_space<hbm>>
      %dma_wait3A_686 = arith.constant 0 : i32
      %dma_wait3A_687 = arith.constant 0 : i32
      %dma_wait3A_688 = tpu.memref_slice %arg6[%dma_wait3A_686, %dma_wait3A_687] : memref<204800x128xf32, #tpu.memory_space<hbm>> -> memref<128x128xf32, #tpu.memory_space<hbm>>
      tpu.wait_dma2 semaphore(%arg47 : memref<!tpu.dma_semaphore, #tpu.memory_space<semaphore_mem>>) src(%arg22 : memref<128x128xf32, #tpu.memory_space<vmem>>) dst(%dma_wait3A_688 : memref<128x128xf32, #tpu.memory_space<hbm>>)
      %lt3A_689 = arith.constant 9 : i32
      %lt3A_690 = arith.cmpi slt, %scan3A_246, %lt3A_689 : i32
      %add3A_691 = arith.constant 3 : i32
      %add3A_692 = arith.addi %add3A_682, %add3A_691 : i32
      %convert_element_type3A_693 = arith.extui %lt3A_690 : i1 to i32
      %cond3A_694 = arith.constant 0 : i32
      %cond3A_695 = arith.cmpi ne, %convert_element_type3A_693, %cond3A_694 : i32
      scf.if %cond3A_695 {
        %mul3A_765 = arith.constant 128 : i32
        %mul3A_766 = arith.muli %add3A_692, %mul3A_765 : i32
        %add3A_767 = arith.addi %mul3A_2, %mul3A_766 : i32
        %mul3A_768 = arith.constant 64 : i32
        %mul3A_769 = arith.muli %add3A_692, %mul3A_768 : i32
        %add3A_770 = arith.addi %mul3A_4, %mul3A_769 : i32
        %dma_start3A_771 = tpu.memref_slice %arg2[%add3A_767] : memref<204800xi32, #tpu.memory_space<hbm>> -> memref<128xi32, #tpu.memory_space<hbm>>
        %dma_start3A_772 = tpu.memref_slice %arg2[%add3A_767] : memref<204800xi32, #tpu.memory_space<hbm>> -> memref<128xi32, #tpu.memory_space<hbm>>
        tpu.enqueue_dma source(%dma_start3A_772 : memref<128xi32, #tpu.memory_space<hbm>>) target(%arg8 : memref<128xi32, #tpu.memory_space<vmem>>) target_semaphore(%arg33 : memref<!tpu.dma_semaphore, #tpu.memory_space<semaphore_mem>>)
        %dma_start3A_773 = tpu.memref_slice %arg3[%add3A_770] : memref<102400xi32, #tpu.memory_space<hbm>> -> memref<64xi32, #tpu.memory_space<hbm>>
        %dma_start3A_774 = tpu.memref_slice %arg3[%add3A_770] : memref<102400xi32, #tpu.memory_space<hbm>> -> memref<64xi32, #tpu.memory_space<hbm>>
        tpu.enqueue_dma source(%dma_start3A_774 : memref<64xi32, #tpu.memory_space<hbm>>) target(%arg13 : memref<64xi32, #tpu.memory_space<vmem>>) target_semaphore(%arg33 : memref<!tpu.dma_semaphore, #tpu.memory_space<semaphore_mem>>)
      } else {
      }
      %lt3A_696 = arith.constant 9 : i32
      %lt3A_697 = arith.cmpi slt, %scan3A_246, %lt3A_696 : i32
      %add3A_698 = arith.constant 2 : i32
      %add3A_699 = arith.addi %add3A_682, %add3A_698 : i32
      %convert_element_type3A_700 = arith.extui %lt3A_697 : i1 to i32
      %cond3A_701 = arith.constant 0 : i32
      %cond3A_702 = arith.cmpi ne, %convert_element_type3A_700, %cond3A_701 : i32
      scf.if %cond3A_702 {
        %mul3A_765 = arith.constant 128 : i32
        %mul3A_766 = arith.muli %add3A_699, %mul3A_765 : i32
        %add3A_767 = arith.addi %mul3A_2, %mul3A_766 : i32
        %dma_wait3A_768 = arith.constant 0 : i32
        %dma_wait3A_769 = tpu.memref_slice %arg2[%dma_wait3A_768] : memref<204800xi32, #tpu.memory_space<hbm>> -> memref<128xi32, #tpu.memory_space<hbm>>
        %dma_wait3A_770 = arith.constant 0 : i32
        %dma_wait3A_771 = tpu.memref_slice %arg2[%dma_wait3A_770] : memref<204800xi32, #tpu.memory_space<hbm>> -> memref<128xi32, #tpu.memory_space<hbm>>
        tpu.wait_dma2 semaphore(%arg32 : memref<!tpu.dma_semaphore, #tpu.memory_space<semaphore_mem>>) src(%dma_wait3A_771 : memref<128xi32, #tpu.memory_space<hbm>>) dst(%arg7 : memref<128xi32, #tpu.memory_space<vmem>>)
        %dma_wait3A_772 = arith.constant 0 : i32
        %dma_wait3A_773 = tpu.memref_slice %arg3[%dma_wait3A_772] : memref<102400xi32, #tpu.memory_space<hbm>> -> memref<64xi32, #tpu.memory_space<hbm>>
        %dma_wait3A_774 = arith.constant 0 : i32
        %dma_wait3A_775 = tpu.memref_slice %arg3[%dma_wait3A_774] : memref<102400xi32, #tpu.memory_space<hbm>> -> memref<64xi32, #tpu.memory_space<hbm>>
        tpu.wait_dma2 semaphore(%arg32 : memref<!tpu.dma_semaphore, #tpu.memory_space<semaphore_mem>>) src(%dma_wait3A_775 : memref<64xi32, #tpu.memory_space<hbm>>) dst(%arg12 : memref<64xi32, #tpu.memory_space<vmem>>)
        %mul3A_776 = arith.constant 64 : i32
        %mul3A_777 = arith.muli %add3A_699, %mul3A_776 : i32
        %add3A_778 = arith.addi %mul3A_4, %mul3A_777 : i32
        %add3A_779 = arith.constant 0 : i32
        %add3A_780 = arith.addi %add3A_778, %add3A_779 : i32
        %iota3A_781 = tpu.iota {dimensions = array<i32: 0>} : vector<16xi32>
        %add3A_782 = vector.broadcast %add3A_780 : i32 to vector<16xi32>
        %add3A_783 = arith.addi %add3A_782, %iota3A_781 : vector<16xi32>
        %rem3A_784 = arith.constant 100 : i32
        %rem3A_785 = vector.broadcast %rem3A_784 : i32 to vector<16xi32>
        %rem3A_786 = arith.remsi %add3A_783, %rem3A_785 : vector<16xi32>
        %get3A_787 = arith.constant 0 : index
        %get3A_788 = tpu.vector_load %arg12[%get3A_787] {strides = array<i32>} : memref<64xi32, #tpu.memory_space<vmem>>, vector<16xi32>,
        %get3A_789 = vector.shape_cast %get3A_788 : vector<16xi32> to vector<16xi32>
        %mul3A_790 = arith.constant 100 : i32
        %mul3A_791 = vector.broadcast %mul3A_790 : i32 to vector<16xi32>
        %mul3A_792 = arith.muli %get3A_789, %mul3A_791 : vector<16xi32>
        %add3A_793 = arith.addi %mul3A_792, %rem3A_786 : vector<16xi32>
        %swap3A_794 = arith.constant 0 : index
        %swap3A_795 = tpu.vector_load %arg17[%swap3A_794] {strides = array<i32>} : memref<64xi32, #tpu.memory_space<vmem>>, vector<16xi32>,
        %swap3A_796 = vector.shape_cast %swap3A_795 : vector<16xi32> to vector<16xi32>
        %swap3A_797 = vector.shape_cast %add3A_793 : vector<16xi32> to vector<16xi32>
        tpu.vector_store %arg17[%swap3A_794], %swap3A_797 {strides = array<i32>} : memref<64xi32, #tpu.memory_space<vmem>>, vector<16xi32>,
        %mul3A_798 = arith.constant 64 : i32
        %mul3A_799 = arith.muli %add3A_699, %mul3A_798 : i32
        %add3A_800 = arith.addi %mul3A_4, %mul3A_799 : i32
        %add3A_801 = arith.constant 16 : i32
        %add3A_802 = arith.addi %add3A_800, %add3A_801 : i32
        %iota3A_803 = tpu.iota {dimensions = array<i32: 0>} : vector<16xi32>
        %add3A_804 = vector.broadcast %add3A_802 : i32 to vector<16xi32>
        %add3A_805 = arith.addi %add3A_804, %iota3A_803 : vector<16xi32>
        %rem3A_806 = arith.constant 100 : i32
        %rem3A_807 = vector.broadcast %rem3A_806 : i32 to vector<16xi32>
        %rem3A_808 = arith.remsi %add3A_805, %rem3A_807 : vector<16xi32>
        %get3A_809 = arith.constant 16 : index
        %get3A_810 = tpu.vector_load %arg12[%get3A_809] {strides = array<i32>} : memref<64xi32, #tpu.memory_space<vmem>>, vector<16xi32>,
        %get3A_811 = vector.shape_cast %get3A_810 : vector<16xi32> to vector<16xi32>
        %mul3A_812 = arith.constant 100 : i32
        %mul3A_813 = vector.broadcast %mul3A_812 : i32 to vector<16xi32>
        %mul3A_814 = arith.muli %get3A_811, %mul3A_813 : vector<16xi32>
        %add3A_815 = arith.addi %mul3A_814, %rem3A_808 : vector<16xi32>
        %swap3A_816 = arith.constant 16 : index
        %swap3A_817 = tpu.vector_load %arg17[%swap3A_816] {strides = array<i32>} : memref<64xi32, #tpu.memory_space<vmem>>, vector<16xi32>,
        %swap3A_818 = vector.shape_cast %swap3A_817 : vector<16xi32> to vector<16xi32>
        %swap3A_819 = vector.shape_cast %add3A_815 : vector<16xi32> to vector<16xi32>
        tpu.vector_store %arg17[%swap3A_816], %swap3A_819 {strides = array<i32>} : memref<64xi32, #tpu.memory_space<vmem>>, vector<16xi32>,
        %mul3A_820 = arith.constant 64 : i32
        %mul3A_821 = arith.muli %add3A_699, %mul3A_820 : i32
        %add3A_822 = arith.addi %mul3A_4, %mul3A_821 : i32
        %add3A_823 = arith.constant 32 : i32
        %add3A_824 = arith.addi %add3A_822, %add3A_823 : i32
        %iota3A_825 = tpu.iota {dimensions = array<i32: 0>} : vector<16xi32>
        %add3A_826 = vector.broadcast %add3A_824 : i32 to vector<16xi32>
        %add3A_827 = arith.addi %add3A_826, %iota3A_825 : vector<16xi32>
        %rem3A_828 = arith.constant 100 : i32
        %rem3A_829 = vector.broadcast %rem3A_828 : i32 to vector<16xi32>
        %rem3A_830 = arith.remsi %add3A_827, %rem3A_829 : vector<16xi32>
        %get3A_831 = arith.constant 32 : index
        %get3A_832 = tpu.vector_load %arg12[%get3A_831] {strides = array<i32>} : memref<64xi32, #tpu.memory_space<vmem>>, vector<16xi32>,
        %get3A_833 = vector.shape_cast %get3A_832 : vector<16xi32> to vector<16xi32>
        %mul3A_834 = arith.constant 100 : i32
        %mul3A_835 = vector.broadcast %mul3A_834 : i32 to vector<16xi32>
        %mul3A_836 = arith.muli %get3A_833, %mul3A_835 : vector<16xi32>
        %add3A_837 = arith.addi %mul3A_836, %rem3A_830 : vector<16xi32>
        %swap3A_838 = arith.constant 32 : index
        %swap3A_839 = tpu.vector_load %arg17[%swap3A_838] {strides = array<i32>} : memref<64xi32, #tpu.memory_space<vmem>>, vector<16xi32>,
        %swap3A_840 = vector.shape_cast %swap3A_839 : vector<16xi32> to vector<16xi32>
        %swap3A_841 = vector.shape_cast %add3A_837 : vector<16xi32> to vector<16xi32>
        tpu.vector_store %arg17[%swap3A_838], %swap3A_841 {strides = array<i32>} : memref<64xi32, #tpu.memory_space<vmem>>, vector<16xi32>,
        %mul3A_842 = arith.constant 64 : i32
        %mul3A_843 = arith.muli %add3A_699, %mul3A_842 : i32
        %add3A_844 = arith.addi %mul3A_4, %mul3A_843 : i32
        %add3A_845 = arith.constant 48 : i32
        %add3A_846 = arith.addi %add3A_844, %add3A_845 : i32
        %iota3A_847 = tpu.iota {dimensions = array<i32: 0>} : vector<16xi32>
        %add3A_848 = vector.broadcast %add3A_846 : i32 to vector<16xi32>
        %add3A_849 = arith.addi %add3A_848, %iota3A_847 : vector<16xi32>
        %rem3A_850 = arith.constant 100 : i32
        %rem3A_851 = vector.broadcast %rem3A_850 : i32 to vector<16xi32>
        %rem3A_852 = arith.remsi %add3A_849, %rem3A_851 : vector<16xi32>
        %get3A_853 = arith.constant 48 : index
        %get3A_854 = tpu.vector_load %arg12[%get3A_853] {strides = array<i32>} : memref<64xi32, #tpu.memory_space<vmem>>, vector<16xi32>,
        %get3A_855 = vector.shape_cast %get3A_854 : vector<16xi32> to vector<16xi32>
        %mul3A_856 = arith.constant 100 : i32
        %mul3A_857 = vector.broadcast %mul3A_856 : i32 to vector<16xi32>
        %mul3A_858 = arith.muli %get3A_855, %mul3A_857 : vector<16xi32>
        %add3A_859 = arith.addi %mul3A_858, %rem3A_852 : vector<16xi32>
        %swap3A_860 = arith.constant 48 : index
        %swap3A_861 = tpu.vector_load %arg17[%swap3A_860] {strides = array<i32>} : memref<64xi32, #tpu.memory_space<vmem>>, vector<16xi32>,
        %swap3A_862 = vector.shape_cast %swap3A_861 : vector<16xi32> to vector<16xi32>
        %swap3A_863 = vector.shape_cast %add3A_859 : vector<16xi32> to vector<16xi32>
        tpu.vector_store %arg17[%swap3A_860], %swap3A_863 {strides = array<i32>} : memref<64xi32, #tpu.memory_space<vmem>>, vector<16xi32>,
        %dma_start3A_864 = arith.constant 0 : i32
        %dma_start3A_865 = arith.constant 0 : i32
        %dma_start3A_866 = tpu.memref_slice %arg4[%dma_start3A_864, %dma_start3A_865] : memref<100000x128xf32, #tpu.memory_space<hbm>> -> memref<100000x128xf32, #tpu.memory_space<hbm>>
        tpu.enqueue_indirect_dma source(%dma_start3A_866 : memref<100000x128xf32, #tpu.memory_space<hbm>>) target(%arg22 : memref<128x128xf32, #tpu.memory_space<vmem>>) offsets(%arg7 : memref<128xi32, #tpu.memory_space<vmem>>) semaphore(%arg37 : memref<!tpu.dma_semaphore, #tpu.memory_space<semaphore_mem>>)
        %dma_start3A_867 = arith.constant 0 : i32
        %dma_start3A_868 = arith.constant 0 : i32
        %dma_start3A_869 = tpu.memref_slice %arg5[%dma_start3A_867, %dma_start3A_868] : memref<900x128xi32, #tpu.memory_space<hbm>> -> memref<900x128xi32, #tpu.memory_space<hbm>>
        tpu.enqueue_indirect_dma source(%dma_start3A_869 : memref<900x128xi32, #tpu.memory_space<hbm>>) target(%arg27 : memref<64x128xi32, #tpu.memory_space<vmem>>) offsets(%arg17 : memref<64xi32, #tpu.memory_space<vmem>>) semaphore(%arg42 : memref<!tpu.dma_semaphore, #tpu.memory_space<semaphore_mem>>)
      } else {
      }
      %mul3A_703 = arith.constant 128 : i32
      %mul3A_704 = arith.muli %add3A_682, %mul3A_703 : i32
      %add3A_705 = arith.addi %mul3A_2, %mul3A_704 : i32
      %dma_wait3A_706 = arith.constant 0 : i32
      %dma_wait3A_707 = arith.constant 0 : i32
      %dma_wait3A_708 = tpu.memref_slice %arg4[%dma_wait3A_706, %dma_wait3A_707] : memref<100000x128xf32, #tpu.memory_space<hbm>> -> memref<100000x128xf32, #tpu.memory_space<hbm>>
      tpu.wait_indirect_dma semaphore(%arg40 : memref<!tpu.dma_semaphore, #tpu.memory_space<semaphore_mem>>) src(%dma_wait3A_708 : memref<100000x128xf32, #tpu.memory_space<hbm>>) dst(%arg25 : memref<128x128xf32, #tpu.memory_space<vmem>>)
      %dma_wait3A_709 = arith.constant 0 : i32
      %dma_wait3A_710 = arith.constant 0 : i32
      %dma_wait3A_711 = tpu.memref_slice %arg5[%dma_wait3A_709, %dma_wait3A_710] : memref<900x128xi32, #tpu.memory_space<hbm>> -> memref<900x128xi32, #tpu.memory_space<hbm>>
      tpu.wait_indirect_dma semaphore(%arg45 : memref<!tpu.dma_semaphore, #tpu.memory_space<semaphore_mem>>) src(%dma_wait3A_711 : memref<900x128xi32, #tpu.memory_space<hbm>>) dst(%arg30 : memref<64x128xi32, #tpu.memory_space<vmem>>)
      %scan3A_712 = arith.constant 0 : i32
      %scan3A_713 = arith.constant 0 : i32
      %scan3A_714 = arith.constant 64 : i32
      %scan3A_715 = arith.addi %scan3A_713, %scan3A_714 : i32
      %scan3A_716 = arith.constant 1 : i32
      scf.for %scan3A_765 = %scan3A_713 to %scan3A_715 step %scan3A_716  : i32 {
        %mul3A_766 = arith.constant 2 : i32
        %mul3A_767 = arith.muli %mul3A_766, %scan3A_765 : i32
        %add3A_768 = arith.constant 0 : i32
        %add3A_769 = arith.addi %mul3A_767, %add3A_768 : i32
        %get3A_770 = arith.index_cast %scan3A_765 : i32 to index
        %get3A_771 = arith.constant 0 : index
        %get3A_772 = tpu.vector_load %arg30[%get3A_770, %get3A_771] {strides = array<i32>} : memref<64x128xi32, #tpu.memory_space<vmem>>, vector<1x16xi32>,
        %get3A_773 = vector.shape_cast %get3A_772 : vector<1x16xi32> to vector<16xi32>
        %shift_left3A = arith.constant 16 : i32
        %shift_left3A_774 = vector.broadcast %shift_left3A : i32 to vector<16xi32>
        %shift_left3A_775 = arith.shli %get3A_773, %shift_left3A_774 : vector<16xi32>
        %bitcast_convert_type3A = tpu.bitcast %shift_left3A_775 : vector<16xi32> -> vector<16xf32>
        %and3A = arith.constant -65536 : i32
        %and3A_776 = vector.broadcast %and3A : i32 to vector<16xi32>
        %and3A_777 = arith.andi %get3A_773, %and3A_776 : vector<16xi32>
        %bitcast_convert_type3A_778 = tpu.bitcast %and3A_777 : vector<16xi32> -> vector<16xf32>
        %swap3A_779 = arith.index_cast %add3A_769 : i32 to index
        %swap3A_780 = arith.constant 0 : index
        %swap3A_781 = tpu.vector_load %arg25[%swap3A_779, %swap3A_780] {strides = array<i32>} : memref<128x128xf32, #tpu.memory_space<vmem>>, vector<1x16xf32>,
        %swap3A_782 = vector.shape_cast %swap3A_781 : vector<1x16xf32> to vector<16xf32>
        %swap3A_783 = vector.shape_cast %bitcast_convert_type3A : vector<16xf32> to vector<1x16xf32>
        tpu.vector_store %arg25[%swap3A_779, %swap3A_780], %swap3A_783 {add = true, strides = array<i32>} : memref<128x128xf32, #tpu.memory_space<vmem>>, vector<1x16xf32>,
        %swap3A_784 = arith.index_cast %add3A_769 : i32 to index
        %swap3A_785 = arith.constant 16 : index
        %swap3A_786 = tpu.vector_load %arg25[%swap3A_784, %swap3A_785] {strides = array<i32>} : memref<128x128xf32, #tpu.memory_space<vmem>>, vector<1x16xf32>,
        %swap3A_787 = vector.shape_cast %swap3A_786 : vector<1x16xf32> to vector<16xf32>
        %swap3A_788 = vector.shape_cast %bitcast_convert_type3A_778 : vector<16xf32> to vector<1x16xf32>
        tpu.vector_store %arg25[%swap3A_784, %swap3A_785], %swap3A_788 {add = true, strides = array<i32>} : memref<128x128xf32, #tpu.memory_space<vmem>>, vector<1x16xf32>,
        %get3A_789 = arith.index_cast %scan3A_765 : i32 to index
        %get3A_790 = arith.constant 16 : index
        %get3A_791 = tpu.vector_load %arg30[%get3A_789, %get3A_790] {strides = array<i32>} : memref<64x128xi32, #tpu.memory_space<vmem>>, vector<1x16xi32>,
        %get3A_792 = vector.shape_cast %get3A_791 : vector<1x16xi32> to vector<16xi32>
        %shift_left3A_793 = arith.constant 16 : i32
        %shift_left3A_794 = vector.broadcast %shift_left3A_793 : i32 to vector<16xi32>
        %shift_left3A_795 = arith.shli %get3A_792, %shift_left3A_794 : vector<16xi32>
        %bitcast_convert_type3A_796 = tpu.bitcast %shift_left3A_795 : vector<16xi32> -> vector<16xf32>
        %and3A_797 = arith.constant -65536 : i32
        %and3A_798 = vector.broadcast %and3A_797 : i32 to vector<16xi32>
        %and3A_799 = arith.andi %get3A_792, %and3A_798 : vector<16xi32>
        %bitcast_convert_type3A_800 = tpu.bitcast %and3A_799 : vector<16xi32> -> vector<16xf32>
        %swap3A_801 = arith.index_cast %add3A_769 : i32 to index
        %swap3A_802 = arith.constant 32 : index
        %swap3A_803 = tpu.vector_load %arg25[%swap3A_801, %swap3A_802] {strides = array<i32>} : memref<128x128xf32, #tpu.memory_space<vmem>>, vector<1x16xf32>,
        %swap3A_804 = vector.shape_cast %swap3A_803 : vector<1x16xf32> to vector<16xf32>
        %swap3A_805 = vector.shape_cast %bitcast_convert_type3A_796 : vector<16xf32> to vector<1x16xf32>
        tpu.vector_store %arg25[%swap3A_801, %swap3A_802], %swap3A_805 {add = true, strides = array<i32>} : memref<128x128xf32, #tpu.memory_space<vmem>>, vector<1x16xf32>,
        %swap3A_806 = arith.index_cast %add3A_769 : i32 to index
        %swap3A_807 = arith.constant 48 : index
        %swap3A_808 = tpu.vector_load %arg25[%swap3A_806, %swap3A_807] {strides = array<i32>} : memref<128x128xf32, #tpu.memory_space<vmem>>, vector<1x16xf32>,
        %swap3A_809 = vector.shape_cast %swap3A_808 : vector<1x16xf32> to vector<16xf32>
        %swap3A_810 = vector.shape_cast %bitcast_convert_type3A_800 : vector<16xf32> to vector<1x16xf32>
        tpu.vector_store %arg25[%swap3A_806, %swap3A_807], %swap3A_810 {add = true, strides = array<i32>} : memref<128x128xf32, #tpu.memory_space<vmem>>, vector<1x16xf32>,
        %get3A_811 = arith.index_cast %scan3A_765 : i32 to index
        %get3A_812 = arith.constant 32 : index
        %get3A_813 = tpu.vector_load %arg30[%get3A_811, %get3A_812] {strides = array<i32>} : memref<64x128xi32, #tpu.memory_space<vmem>>, vector<1x16xi32>,
        %get3A_814 = vector.shape_cast %get3A_813 : vector<1x16xi32> to vector<16xi32>
        %shift_left3A_815 = arith.constant 16 : i32
        %shift_left3A_816 = vector.broadcast %shift_left3A_815 : i32 to vector<16xi32>
        %shift_left3A_817 = arith.shli %get3A_814, %shift_left3A_816 : vector<16xi32>
        %bitcast_convert_type3A_818 = tpu.bitcast %shift_left3A_817 : vector<16xi32> -> vector<16xf32>
        %and3A_819 = arith.constant -65536 : i32
        %and3A_820 = vector.broadcast %and3A_819 : i32 to vector<16xi32>
        %and3A_821 = arith.andi %get3A_814, %and3A_820 : vector<16xi32>
        %bitcast_convert_type3A_822 = tpu.bitcast %and3A_821 : vector<16xi32> -> vector<16xf32>
        %swap3A_823 = arith.index_cast %add3A_769 : i32 to index
        %swap3A_824 = arith.constant 64 : index
        %swap3A_825 = tpu.vector_load %arg25[%swap3A_823, %swap3A_824] {strides = array<i32>} : memref<128x128xf32, #tpu.memory_space<vmem>>, vector<1x16xf32>,
        %swap3A_826 = vector.shape_cast %swap3A_825 : vector<1x16xf32> to vector<16xf32>
        %swap3A_827 = vector.shape_cast %bitcast_convert_type3A_818 : vector<16xf32> to vector<1x16xf32>
        tpu.vector_store %arg25[%swap3A_823, %swap3A_824], %swap3A_827 {add = true, strides = array<i32>} : memref<128x128xf32, #tpu.memory_space<vmem>>, vector<1x16xf32>,
        %swap3A_828 = arith.index_cast %add3A_769 : i32 to index
        %swap3A_829 = arith.constant 80 : index
        %swap3A_830 = tpu.vector_load %arg25[%swap3A_828, %swap3A_829] {strides = array<i32>} : memref<128x128xf32, #tpu.memory_space<vmem>>, vector<1x16xf32>,
        %swap3A_831 = vector.shape_cast %swap3A_830 : vector<1x16xf32> to vector<16xf32>
        %swap3A_832 = vector.shape_cast %bitcast_convert_type3A_822 : vector<16xf32> to vector<1x16xf32>
        tpu.vector_store %arg25[%swap3A_828, %swap3A_829], %swap3A_832 {add = true, strides = array<i32>} : memref<128x128xf32, #tpu.memory_space<vmem>>, vector<1x16xf32>,
        %get3A_833 = arith.index_cast %scan3A_765 : i32 to index
        %get3A_834 = arith.constant 48 : index
        %get3A_835 = tpu.vector_load %arg30[%get3A_833, %get3A_834] {strides = array<i32>} : memref<64x128xi32, #tpu.memory_space<vmem>>, vector<1x16xi32>,
        %get3A_836 = vector.shape_cast %get3A_835 : vector<1x16xi32> to vector<16xi32>
        %shift_left3A_837 = arith.constant 16 : i32
        %shift_left3A_838 = vector.broadcast %shift_left3A_837 : i32 to vector<16xi32>
        %shift_left3A_839 = arith.shli %get3A_836, %shift_left3A_838 : vector<16xi32>
        %bitcast_convert_type3A_840 = tpu.bitcast %shift_left3A_839 : vector<16xi32> -> vector<16xf32>
        %and3A_841 = arith.constant -65536 : i32
        %and3A_842 = vector.broadcast %and3A_841 : i32 to vector<16xi32>
        %and3A_843 = arith.andi %get3A_836, %and3A_842 : vector<16xi32>
        %bitcast_convert_type3A_844 = tpu.bitcast %and3A_843 : vector<16xi32> -> vector<16xf32>
        %swap3A_845 = arith.index_cast %add3A_769 : i32 to index
        %swap3A_846 = arith.constant 96 : index
        %swap3A_847 = tpu.vector_load %arg25[%swap3A_845, %swap3A_846] {strides = array<i32>} : memref<128x128xf32, #tpu.memory_space<vmem>>, vector<1x16xf32>,
        %swap3A_848 = vector.shape_cast %swap3A_847 : vector<1x16xf32> to vector<16xf32>
        %swap3A_849 = vector.shape_cast %bitcast_convert_type3A_840 : vector<16xf32> to vector<1x16xf32>
        tpu.vector_store %arg25[%swap3A_845, %swap3A_846], %swap3A_849 {add = true, strides = array<i32>} : memref<128x128xf32, #tpu.memory_space<vmem>>, vector<1x16xf32>,
        %swap3A_850 = arith.index_cast %add3A_769 : i32 to index
        %swap3A_851 = arith.constant 112 : index
        %swap3A_852 = tpu.vector_load %arg25[%swap3A_850, %swap3A_851] {strides = array<i32>} : memref<128x128xf32, #tpu.memory_space<vmem>>, vector<1x16xf32>,
        %swap3A_853 = vector.shape_cast %swap3A_852 : vector<1x16xf32> to vector<16xf32>
        %swap3A_854 = vector.shape_cast %bitcast_convert_type3A_844 : vector<16xf32> to vector<1x16xf32>
        tpu.vector_store %arg25[%swap3A_850, %swap3A_851], %swap3A_854 {add = true, strides = array<i32>} : memref<128x128xf32, #tpu.memory_space<vmem>>, vector<1x16xf32>,
        %mul3A_855 = arith.constant 2 : i32
        %mul3A_856 = arith.muli %mul3A_855, %scan3A_765 : i32
        %add3A_857 = arith.constant 1 : i32
        %add3A_858 = arith.addi %mul3A_856, %add3A_857 : i32
        %get3A_859 = arith.index_cast %scan3A_765 : i32 to index
        %get3A_860 = arith.constant 64 : index
        %get3A_861 = tpu.vector_load %arg30[%get3A_859, %get3A_860] {strides = array<i32>} : memref<64x128xi32, #tpu.memory_space<vmem>>, vector<1x16xi32>,
        %get3A_862 = vector.shape_cast %get3A_861 : vector<1x16xi32> to vector<16xi32>
        %shift_left3A_863 = arith.constant 16 : i32
        %shift_left3A_864 = vector.broadcast %shift_left3A_863 : i32 to vector<16xi32>
        %shift_left3A_865 = arith.shli %get3A_862, %shift_left3A_864 : vector<16xi32>
        %bitcast_convert_type3A_866 = tpu.bitcast %shift_left3A_865 : vector<16xi32> -> vector<16xf32>
        %and3A_867 = arith.constant -65536 : i32
        %and3A_868 = vector.broadcast %and3A_867 : i32 to vector<16xi32>
        %and3A_869 = arith.andi %get3A_862, %and3A_868 : vector<16xi32>
        %bitcast_convert_type3A_870 = tpu.bitcast %and3A_869 : vector<16xi32> -> vector<16xf32>
        %swap3A_871 = arith.index_cast %add3A_858 : i32 to index
        %swap3A_872 = arith.constant 0 : index
        %swap3A_873 = tpu.vector_load %arg25[%swap3A_871, %swap3A_872] {strides = array<i32>} : memref<128x128xf32, #tpu.memory_space<vmem>>, vector<1x16xf32>,
        %swap3A_874 = vector.shape_cast %swap3A_873 : vector<1x16xf32> to vector<16xf32>
        %swap3A_875 = vector.shape_cast %bitcast_convert_type3A_866 : vector<16xf32> to vector<1x16xf32>
        tpu.vector_store %arg25[%swap3A_871, %swap3A_872], %swap3A_875 {add = true, strides = array<i32>} : memref<128x128xf32, #tpu.memory_space<vmem>>, vector<1x16xf32>,
        %swap3A_876 = arith.index_cast %add3A_858 : i32 to index
        %swap3A_877 = arith.constant 16 : index
        %swap3A_878 = tpu.vector_load %arg25[%swap3A_876, %swap3A_877] {strides = array<i32>} : memref<128x128xf32, #tpu.memory_space<vmem>>, vector<1x16xf32>,
        %swap3A_879 = vector.shape_cast %swap3A_878 : vector<1x16xf32> to vector<16xf32>
        %swap3A_880 = vector.shape_cast %bitcast_convert_type3A_870 : vector<16xf32> to vector<1x16xf32>
        tpu.vector_store %arg25[%swap3A_876, %swap3A_877], %swap3A_880 {add = true, strides = array<i32>} : memref<128x128xf32, #tpu.memory_space<vmem>>, vector<1x16xf32>,
        %get3A_881 = arith.index_cast %scan3A_765 : i32 to index
        %get3A_882 = arith.constant 80 : index
        %get3A_883 = tpu.vector_load %arg30[%get3A_881, %get3A_882] {strides = array<i32>} : memref<64x128xi32, #tpu.memory_space<vmem>>, vector<1x16xi32>,
        %get3A_884 = vector.shape_cast %get3A_883 : vector<1x16xi32> to vector<16xi32>
        %shift_left3A_885 = arith.constant 16 : i32
        %shift_left3A_886 = vector.broadcast %shift_left3A_885 : i32 to vector<16xi32>
        %shift_left3A_887 = arith.shli %get3A_884, %shift_left3A_886 : vector<16xi32>
        %bitcast_convert_type3A_888 = tpu.bitcast %shift_left3A_887 : vector<16xi32> -> vector<16xf32>
        %and3A_889 = arith.constant -65536 : i32
        %and3A_890 = vector.broadcast %and3A_889 : i32 to vector<16xi32>
        %and3A_891 = arith.andi %get3A_884, %and3A_890 : vector<16xi32>
        %bitcast_convert_type3A_892 = tpu.bitcast %and3A_891 : vector<16xi32> -> vector<16xf32>
        %swap3A_893 = arith.index_cast %add3A_858 : i32 to index
        %swap3A_894 = arith.constant 32 : index
        %swap3A_895 = tpu.vector_load %arg25[%swap3A_893, %swap3A_894] {strides = array<i32>} : memref<128x128xf32, #tpu.memory_space<vmem>>, vector<1x16xf32>,
        %swap3A_896 = vector.shape_cast %swap3A_895 : vector<1x16xf32> to vector<16xf32>
        %swap3A_897 = vector.shape_cast %bitcast_convert_type3A_888 : vector<16xf32> to vector<1x16xf32>
        tpu.vector_store %arg25[%swap3A_893, %swap3A_894], %swap3A_897 {add = true, strides = array<i32>} : memref<128x128xf32, #tpu.memory_space<vmem>>, vector<1x16xf32>,
        %swap3A_898 = arith.index_cast %add3A_858 : i32 to index
        %swap3A_899 = arith.constant 48 : index
        %swap3A_900 = tpu.vector_load %arg25[%swap3A_898, %swap3A_899] {strides = array<i32>} : memref<128x128xf32, #tpu.memory_space<vmem>>, vector<1x16xf32>,
        %swap3A_901 = vector.shape_cast %swap3A_900 : vector<1x16xf32> to vector<16xf32>
        %swap3A_902 = vector.shape_cast %bitcast_convert_type3A_892 : vector<16xf32> to vector<1x16xf32>
        tpu.vector_store %arg25[%swap3A_898, %swap3A_899], %swap3A_902 {add = true, strides = array<i32>} : memref<128x128xf32, #tpu.memory_space<vmem>>, vector<1x16xf32>,
        %get3A_903 = arith.index_cast %scan3A_765 : i32 to index
        %get3A_904 = arith.constant 96 : index
        %get3A_905 = tpu.vector_load %arg30[%get3A_903, %get3A_904] {strides = array<i32>} : memref<64x128xi32, #tpu.memory_space<vmem>>, vector<1x16xi32>,
        %get3A_906 = vector.shape_cast %get3A_905 : vector<1x16xi32> to vector<16xi32>
        %shift_left3A_907 = arith.constant 16 : i32
        %shift_left3A_908 = vector.broadcast %shift_left3A_907 : i32 to vector<16xi32>
        %shift_left3A_909 = arith.shli %get3A_906, %shift_left3A_908 : vector<16xi32>
        %bitcast_convert_type3A_910 = tpu.bitcast %shift_left3A_909 : vector<16xi32> -> vector<16xf32>
        %and3A_911 = arith.constant -65536 : i32
        %and3A_912 = vector.broadcast %and3A_911 : i32 to vector<16xi32>
        %and3A_913 = arith.andi %get3A_906, %and3A_912 : vector<16xi32>
        %bitcast_convert_type3A_914 = tpu.bitcast %and3A_913 : vector<16xi32> -> vector<16xf32>
        %swap3A_915 = arith.index_cast %add3A_858 : i32 to index
        %swap3A_916 = arith.constant 64 : index
        %swap3A_917 = tpu.vector_load %arg25[%swap3A_915, %swap3A_916] {strides = array<i32>} : memref<128x128xf32, #tpu.memory_space<vmem>>, vector<1x16xf32>,
        %swap3A_918 = vector.shape_cast %swap3A_917 : vector<1x16xf32> to vector<16xf32>
        %swap3A_919 = vector.shape_cast %bitcast_convert_type3A_910 : vector<16xf32> to vector<1x16xf32>
        tpu.vector_store %arg25[%swap3A_915, %swap3A_916], %swap3A_919 {add = true, strides = array<i32>} : memref<128x128xf32, #tpu.memory_space<vmem>>, vector<1x16xf32>,
        %swap3A_920 = arith.index_cast %add3A_858 : i32 to index
        %swap3A_921 = arith.constant 80 : index
        %swap3A_922 = tpu.vector_load %arg25[%swap3A_920, %swap3A_921] {strides = array<i32>} : memref<128x128xf32, #tpu.memory_space<vmem>>, vector<1x16xf32>,
        %swap3A_923 = vector.shape_cast %swap3A_922 : vector<1x16xf32> to vector<16xf32>
        %swap3A_924 = vector.shape_cast %bitcast_convert_type3A_914 : vector<16xf32> to vector<1x16xf32>
        tpu.vector_store %arg25[%swap3A_920, %swap3A_921], %swap3A_924 {add = true, strides = array<i32>} : memref<128x128xf32, #tpu.memory_space<vmem>>, vector<1x16xf32>,
        %get3A_925 = arith.index_cast %scan3A_765 : i32 to index
        %get3A_926 = arith.constant 112 : index
        %get3A_927 = tpu.vector_load %arg30[%get3A_925, %get3A_926] {strides = array<i32>} : memref<64x128xi32, #tpu.memory_space<vmem>>, vector<1x16xi32>,
        %get3A_928 = vector.shape_cast %get3A_927 : vector<1x16xi32> to vector<16xi32>
        %shift_left3A_929 = arith.constant 16 : i32
        %shift_left3A_930 = vector.broadcast %shift_left3A_929 : i32 to vector<16xi32>
        %shift_left3A_931 = arith.shli %get3A_928, %shift_left3A_930 : vector<16xi32>
        %bitcast_convert_type3A_932 = tpu.bitcast %shift_left3A_931 : vector<16xi32> -> vector<16xf32>
        %and3A_933 = arith.constant -65536 : i32
        %and3A_934 = vector.broadcast %and3A_933 : i32 to vector<16xi32>
        %and3A_935 = arith.andi %get3A_928, %and3A_934 : vector<16xi32>
        %bitcast_convert_type3A_936 = tpu.bitcast %and3A_935 : vector<16xi32> -> vector<16xf32>
        %swap3A_937 = arith.index_cast %add3A_858 : i32 to index
        %swap3A_938 = arith.constant 96 : index
        %swap3A_939 = tpu.vector_load %arg25[%swap3A_937, %swap3A_938] {strides = array<i32>} : memref<128x128xf32, #tpu.memory_space<vmem>>, vector<1x16xf32>,
        %swap3A_940 = vector.shape_cast %swap3A_939 : vector<1x16xf32> to vector<16xf32>
        %swap3A_941 = vector.shape_cast %bitcast_convert_type3A_932 : vector<16xf32> to vector<1x16xf32>
        tpu.vector_store %arg25[%swap3A_937, %swap3A_938], %swap3A_941 {add = true, strides = array<i32>} : memref<128x128xf32, #tpu.memory_space<vmem>>, vector<1x16xf32>,
        %swap3A_942 = arith.index_cast %add3A_858 : i32 to index
        %swap3A_943 = arith.constant 112 : index
        %swap3A_944 = tpu.vector_load %arg25[%swap3A_942, %swap3A_943] {strides = array<i32>} : memref<128x128xf32, #tpu.memory_space<vmem>>, vector<1x16xf32>,
        %swap3A_945 = vector.shape_cast %swap3A_944 : vector<1x16xf32> to vector<16xf32>
        %swap3A_946 = vector.shape_cast %bitcast_convert_type3A_936 : vector<16xf32> to vector<1x16xf32>
        tpu.vector_store %arg25[%swap3A_942, %swap3A_943], %swap3A_946 {add = true, strides = array<i32>} : memref<128x128xf32, #tpu.memory_space<vmem>>, vector<1x16xf32>,
      }
      %scan3A_717 = arith.constant 64 : i32
      %dma_start3A_718 = arith.constant 0 : i32
      %dma_start3A_719 = tpu.memref_slice %arg6[%add3A_705, %dma_start3A_718] : memref<204800x128xf32, #tpu.memory_space<hbm>> -> memref<128x128xf32, #tpu.memory_space<hbm>>
      %dma_start3A_720 = arith.constant 0 : i32
      %dma_start3A_721 = tpu.memref_slice %arg6[%add3A_705, %dma_start3A_720] : memref<204800x128xf32, #tpu.memory_space<hbm>> -> memref<128x128xf32, #tpu.memory_space<hbm>>
      tpu.enqueue_dma source(%arg25 : memref<128x128xf32, #tpu.memory_space<vmem>>) target(%dma_start3A_721 : memref<128x128xf32, #tpu.memory_space<hbm>>) target_semaphore(%arg50 : memref<!tpu.dma_semaphore, #tpu.memory_space<semaphore_mem>>)
      %mul3A_722 = arith.constant 5 : i32
      %mul3A_723 = arith.muli %scan3A_246, %mul3A_722 : i32
      %add3A_724 = arith.constant 4 : i32
      %add3A_725 = arith.addi %mul3A_723, %add3A_724 : i32
      %dma_wait3A_726 = arith.constant 0 : i32
      %dma_wait3A_727 = arith.constant 0 : i32
      %dma_wait3A_728 = tpu.memref_slice %arg6[%dma_wait3A_726, %dma_wait3A_727] : memref<204800x128xf32, #tpu.memory_space<hbm>> -> memref<128x128xf32, #tpu.memory_space<hbm>>
      %dma_wait3A_729 = arith.constant 0 : i32
      %dma_wait3A_730 = arith.constant 0 : i32
      %dma_wait3A_731 = tpu.memref_slice %arg6[%dma_wait3A_729, %dma_wait3A_730] : memref<204800x128xf32, #tpu.memory_space<hbm>> -> memref<128x128xf32, #tpu.memory_space<hbm>>
      tpu.wait_dma2 semaphore(%arg48 : memref<!tpu.dma_semaphore, #tpu.memory_space<semaphore_mem>>) src(%arg23 : memref<128x128xf32, #tpu.memory_space<vmem>>) dst(%dma_wait3A_731 : memref<128x128xf32, #tpu.memory_space<hbm>>)
      %lt3A_732 = arith.constant 9 : i32
      %lt3A_733 = arith.cmpi slt, %scan3A_246, %lt3A_732 : i32
      %add3A_734 = arith.constant 3 : i32
      %add3A_735 = arith.addi %add3A_725, %add3A_734 : i32
      %convert_element_type3A_736 = arith.extui %lt3A_733 : i1 to i32
      %cond3A_737 = arith.constant 0 : i32
      %cond3A_738 = arith.cmpi ne, %convert_element_type3A_736, %cond3A_737 : i32
      scf.if %cond3A_738 {
        %mul3A_765 = arith.constant 128 : i32
        %mul3A_766 = arith.muli %add3A_735, %mul3A_765 : i32
        %add3A_767 = arith.addi %mul3A_2, %mul3A_766 : i32
        %mul3A_768 = arith.constant 64 : i32
        %mul3A_769 = arith.muli %add3A_735, %mul3A_768 : i32
        %add3A_770 = arith.addi %mul3A_4, %mul3A_769 : i32
        %dma_start3A_771 = tpu.memref_slice %arg2[%add3A_767] : memref<204800xi32, #tpu.memory_space<hbm>> -> memref<128xi32, #tpu.memory_space<hbm>>
        %dma_start3A_772 = tpu.memref_slice %arg2[%add3A_767] : memref<204800xi32, #tpu.memory_space<hbm>> -> memref<128xi32, #tpu.memory_space<hbm>>
        tpu.enqueue_dma source(%dma_start3A_772 : memref<128xi32, #tpu.memory_space<hbm>>) target(%arg9 : memref<128xi32, #tpu.memory_space<vmem>>) target_semaphore(%arg34 : memref<!tpu.dma_semaphore, #tpu.memory_space<semaphore_mem>>)
        %dma_start3A_773 = tpu.memref_slice %arg3[%add3A_770] : memref<102400xi32, #tpu.memory_space<hbm>> -> memref<64xi32, #tpu.memory_space<hbm>>
        %dma_start3A_774 = tpu.memref_slice %arg3[%add3A_770] : memref<102400xi32, #tpu.memory_space<hbm>> -> memref<64xi32, #tpu.memory_space<hbm>>
        tpu.enqueue_dma source(%dma_start3A_774 : memref<64xi32, #tpu.memory_space<hbm>>) target(%arg14 : memref<64xi32, #tpu.memory_space<vmem>>) target_semaphore(%arg34 : memref<!tpu.dma_semaphore, #tpu.memory_space<semaphore_mem>>)
      } else {
      }
      %lt3A_739 = arith.constant 9 : i32
      %lt3A_740 = arith.cmpi slt, %scan3A_246, %lt3A_739 : i32
      %add3A_741 = arith.constant 2 : i32
      %add3A_742 = arith.addi %add3A_725, %add3A_741 : i32
      %convert_element_type3A_743 = arith.extui %lt3A_740 : i1 to i32
      %cond3A_744 = arith.constant 0 : i32
      %cond3A_745 = arith.cmpi ne, %convert_element_type3A_743, %cond3A_744 : i32
      scf.if %cond3A_745 {
        %mul3A_765 = arith.constant 128 : i32
        %mul3A_766 = arith.muli %add3A_742, %mul3A_765 : i32
        %add3A_767 = arith.addi %mul3A_2, %mul3A_766 : i32
        %dma_wait3A_768 = arith.constant 0 : i32
        %dma_wait3A_769 = tpu.memref_slice %arg2[%dma_wait3A_768] : memref<204800xi32, #tpu.memory_space<hbm>> -> memref<128xi32, #tpu.memory_space<hbm>>
        %dma_wait3A_770 = arith.constant 0 : i32
        %dma_wait3A_771 = tpu.memref_slice %arg2[%dma_wait3A_770] : memref<204800xi32, #tpu.memory_space<hbm>> -> memref<128xi32, #tpu.memory_space<hbm>>
        tpu.wait_dma2 semaphore(%arg33 : memref<!tpu.dma_semaphore, #tpu.memory_space<semaphore_mem>>) src(%dma_wait3A_771 : memref<128xi32, #tpu.memory_space<hbm>>) dst(%arg8 : memref<128xi32, #tpu.memory_space<vmem>>)
        %dma_wait3A_772 = arith.constant 0 : i32
        %dma_wait3A_773 = tpu.memref_slice %arg3[%dma_wait3A_772] : memref<102400xi32, #tpu.memory_space<hbm>> -> memref<64xi32, #tpu.memory_space<hbm>>
        %dma_wait3A_774 = arith.constant 0 : i32
        %dma_wait3A_775 = tpu.memref_slice %arg3[%dma_wait3A_774] : memref<102400xi32, #tpu.memory_space<hbm>> -> memref<64xi32, #tpu.memory_space<hbm>>
        tpu.wait_dma2 semaphore(%arg33 : memref<!tpu.dma_semaphore, #tpu.memory_space<semaphore_mem>>) src(%dma_wait3A_775 : memref<64xi32, #tpu.memory_space<hbm>>) dst(%arg13 : memref<64xi32, #tpu.memory_space<vmem>>)
        %mul3A_776 = arith.constant 64 : i32
        %mul3A_777 = arith.muli %add3A_742, %mul3A_776 : i32
        %add3A_778 = arith.addi %mul3A_4, %mul3A_777 : i32
        %add3A_779 = arith.constant 0 : i32
        %add3A_780 = arith.addi %add3A_778, %add3A_779 : i32
        %iota3A_781 = tpu.iota {dimensions = array<i32: 0>} : vector<16xi32>
        %add3A_782 = vector.broadcast %add3A_780 : i32 to vector<16xi32>
        %add3A_783 = arith.addi %add3A_782, %iota3A_781 : vector<16xi32>
        %rem3A_784 = arith.constant 100 : i32
        %rem3A_785 = vector.broadcast %rem3A_784 : i32 to vector<16xi32>
        %rem3A_786 = arith.remsi %add3A_783, %rem3A_785 : vector<16xi32>
        %get3A_787 = arith.constant 0 : index
        %get3A_788 = tpu.vector_load %arg13[%get3A_787] {strides = array<i32>} : memref<64xi32, #tpu.memory_space<vmem>>, vector<16xi32>,
        %get3A_789 = vector.shape_cast %get3A_788 : vector<16xi32> to vector<16xi32>
        %mul3A_790 = arith.constant 100 : i32
        %mul3A_791 = vector.broadcast %mul3A_790 : i32 to vector<16xi32>
        %mul3A_792 = arith.muli %get3A_789, %mul3A_791 : vector<16xi32>
        %add3A_793 = arith.addi %mul3A_792, %rem3A_786 : vector<16xi32>
        %swap3A_794 = arith.constant 0 : index
        %swap3A_795 = tpu.vector_load %arg18[%swap3A_794] {strides = array<i32>} : memref<64xi32, #tpu.memory_space<vmem>>, vector<16xi32>,
        %swap3A_796 = vector.shape_cast %swap3A_795 : vector<16xi32> to vector<16xi32>
        %swap3A_797 = vector.shape_cast %add3A_793 : vector<16xi32> to vector<16xi32>
        tpu.vector_store %arg18[%swap3A_794], %swap3A_797 {strides = array<i32>} : memref<64xi32, #tpu.memory_space<vmem>>, vector<16xi32>,
        %mul3A_798 = arith.constant 64 : i32
        %mul3A_799 = arith.muli %add3A_742, %mul3A_798 : i32
        %add3A_800 = arith.addi %mul3A_4, %mul3A_799 : i32
        %add3A_801 = arith.constant 16 : i32
        %add3A_802 = arith.addi %add3A_800, %add3A_801 : i32
        %iota3A_803 = tpu.iota {dimensions = array<i32: 0>} : vector<16xi32>
        %add3A_804 = vector.broadcast %add3A_802 : i32 to vector<16xi32>
        %add3A_805 = arith.addi %add3A_804, %iota3A_803 : vector<16xi32>
        %rem3A_806 = arith.constant 100 : i32
        %rem3A_807 = vector.broadcast %rem3A_806 : i32 to vector<16xi32>
        %rem3A_808 = arith.remsi %add3A_805, %rem3A_807 : vector<16xi32>
        %get3A_809 = arith.constant 16 : index
        %get3A_810 = tpu.vector_load %arg13[%get3A_809] {strides = array<i32>} : memref<64xi32, #tpu.memory_space<vmem>>, vector<16xi32>,
        %get3A_811 = vector.shape_cast %get3A_810 : vector<16xi32> to vector<16xi32>
        %mul3A_812 = arith.constant 100 : i32
        %mul3A_813 = vector.broadcast %mul3A_812 : i32 to vector<16xi32>
        %mul3A_814 = arith.muli %get3A_811, %mul3A_813 : vector<16xi32>
        %add3A_815 = arith.addi %mul3A_814, %rem3A_808 : vector<16xi32>
        %swap3A_816 = arith.constant 16 : index
        %swap3A_817 = tpu.vector_load %arg18[%swap3A_816] {strides = array<i32>} : memref<64xi32, #tpu.memory_space<vmem>>, vector<16xi32>,
        %swap3A_818 = vector.shape_cast %swap3A_817 : vector<16xi32> to vector<16xi32>
        %swap3A_819 = vector.shape_cast %add3A_815 : vector<16xi32> to vector<16xi32>
        tpu.vector_store %arg18[%swap3A_816], %swap3A_819 {strides = array<i32>} : memref<64xi32, #tpu.memory_space<vmem>>, vector<16xi32>,
        %mul3A_820 = arith.constant 64 : i32
        %mul3A_821 = arith.muli %add3A_742, %mul3A_820 : i32
        %add3A_822 = arith.addi %mul3A_4, %mul3A_821 : i32
        %add3A_823 = arith.constant 32 : i32
        %add3A_824 = arith.addi %add3A_822, %add3A_823 : i32
        %iota3A_825 = tpu.iota {dimensions = array<i32: 0>} : vector<16xi32>
        %add3A_826 = vector.broadcast %add3A_824 : i32 to vector<16xi32>
        %add3A_827 = arith.addi %add3A_826, %iota3A_825 : vector<16xi32>
        %rem3A_828 = arith.constant 100 : i32
        %rem3A_829 = vector.broadcast %rem3A_828 : i32 to vector<16xi32>
        %rem3A_830 = arith.remsi %add3A_827, %rem3A_829 : vector<16xi32>
        %get3A_831 = arith.constant 32 : index
        %get3A_832 = tpu.vector_load %arg13[%get3A_831] {strides = array<i32>} : memref<64xi32, #tpu.memory_space<vmem>>, vector<16xi32>,
        %get3A_833 = vector.shape_cast %get3A_832 : vector<16xi32> to vector<16xi32>
        %mul3A_834 = arith.constant 100 : i32
        %mul3A_835 = vector.broadcast %mul3A_834 : i32 to vector<16xi32>
        %mul3A_836 = arith.muli %get3A_833, %mul3A_835 : vector<16xi32>
        %add3A_837 = arith.addi %mul3A_836, %rem3A_830 : vector<16xi32>
        %swap3A_838 = arith.constant 32 : index
        %swap3A_839 = tpu.vector_load %arg18[%swap3A_838] {strides = array<i32>} : memref<64xi32, #tpu.memory_space<vmem>>, vector<16xi32>,
        %swap3A_840 = vector.shape_cast %swap3A_839 : vector<16xi32> to vector<16xi32>
        %swap3A_841 = vector.shape_cast %add3A_837 : vector<16xi32> to vector<16xi32>
        tpu.vector_store %arg18[%swap3A_838], %swap3A_841 {strides = array<i32>} : memref<64xi32, #tpu.memory_space<vmem>>, vector<16xi32>,
        %mul3A_842 = arith.constant 64 : i32
        %mul3A_843 = arith.muli %add3A_742, %mul3A_842 : i32
        %add3A_844 = arith.addi %mul3A_4, %mul3A_843 : i32
        %add3A_845 = arith.constant 48 : i32
        %add3A_846 = arith.addi %add3A_844, %add3A_845 : i32
        %iota3A_847 = tpu.iota {dimensions = array<i32: 0>} : vector<16xi32>
        %add3A_848 = vector.broadcast %add3A_846 : i32 to vector<16xi32>
        %add3A_849 = arith.addi %add3A_848, %iota3A_847 : vector<16xi32>
        %rem3A_850 = arith.constant 100 : i32
        %rem3A_851 = vector.broadcast %rem3A_850 : i32 to vector<16xi32>
        %rem3A_852 = arith.remsi %add3A_849, %rem3A_851 : vector<16xi32>
        %get3A_853 = arith.constant 48 : index
        %get3A_854 = tpu.vector_load %arg13[%get3A_853] {strides = array<i32>} : memref<64xi32, #tpu.memory_space<vmem>>, vector<16xi32>,
        %get3A_855 = vector.shape_cast %get3A_854 : vector<16xi32> to vector<16xi32>
        %mul3A_856 = arith.constant 100 : i32
        %mul3A_857 = vector.broadcast %mul3A_856 : i32 to vector<16xi32>
        %mul3A_858 = arith.muli %get3A_855, %mul3A_857 : vector<16xi32>
        %add3A_859 = arith.addi %mul3A_858, %rem3A_852 : vector<16xi32>
        %swap3A_860 = arith.constant 48 : index
        %swap3A_861 = tpu.vector_load %arg18[%swap3A_860] {strides = array<i32>} : memref<64xi32, #tpu.memory_space<vmem>>, vector<16xi32>,
        %swap3A_862 = vector.shape_cast %swap3A_861 : vector<16xi32> to vector<16xi32>
        %swap3A_863 = vector.shape_cast %add3A_859 : vector<16xi32> to vector<16xi32>
        tpu.vector_store %arg18[%swap3A_860], %swap3A_863 {strides = array<i32>} : memref<64xi32, #tpu.memory_space<vmem>>, vector<16xi32>,
        %dma_start3A_864 = arith.constant 0 : i32
        %dma_start3A_865 = arith.constant 0 : i32
        %dma_start3A_866 = tpu.memref_slice %arg4[%dma_start3A_864, %dma_start3A_865] : memref<100000x128xf32, #tpu.memory_space<hbm>> -> memref<100000x128xf32, #tpu.memory_space<hbm>>
        tpu.enqueue_indirect_dma source(%dma_start3A_866 : memref<100000x128xf32, #tpu.memory_space<hbm>>) target(%arg23 : memref<128x128xf32, #tpu.memory_space<vmem>>) offsets(%arg8 : memref<128xi32, #tpu.memory_space<vmem>>) semaphore(%arg38 : memref<!tpu.dma_semaphore, #tpu.memory_space<semaphore_mem>>)
        %dma_start3A_867 = arith.constant 0 : i32
        %dma_start3A_868 = arith.constant 0 : i32
        %dma_start3A_869 = tpu.memref_slice %arg5[%dma_start3A_867, %dma_start3A_868] : memref<900x128xi32, #tpu.memory_space<hbm>> -> memref<900x128xi32, #tpu.memory_space<hbm>>
        tpu.enqueue_indirect_dma source(%dma_start3A_869 : memref<900x128xi32, #tpu.memory_space<hbm>>) target(%arg28 : memref<64x128xi32, #tpu.memory_space<vmem>>) offsets(%arg18 : memref<64xi32, #tpu.memory_space<vmem>>) semaphore(%arg43 : memref<!tpu.dma_semaphore, #tpu.memory_space<semaphore_mem>>)
      } else {
      }
      %mul3A_746 = arith.constant 128 : i32
      %mul3A_747 = arith.muli %add3A_725, %mul3A_746 : i32
      %add3A_748 = arith.addi %mul3A_2, %mul3A_747 : i32
      %dma_wait3A_749 = arith.constant 0 : i32
      %dma_wait3A_750 = arith.constant 0 : i32
      %dma_wait3A_751 = tpu.memref_slice %arg4[%dma_wait3A_749, %dma_wait3A_750] : memref<100000x128xf32, #tpu.memory_space<hbm>> -> memref<100000x128xf32, #tpu.memory_space<hbm>>
      tpu.wait_indirect_dma semaphore(%arg41 : memref<!tpu.dma_semaphore, #tpu.memory_space<semaphore_mem>>) src(%dma_wait3A_751 : memref<100000x128xf32, #tpu.memory_space<hbm>>) dst(%arg26 : memref<128x128xf32, #tpu.memory_space<vmem>>)
      %dma_wait3A_752 = arith.constant 0 : i32
      %dma_wait3A_753 = arith.constant 0 : i32
      %dma_wait3A_754 = tpu.memref_slice %arg5[%dma_wait3A_752, %dma_wait3A_753] : memref<900x128xi32, #tpu.memory_space<hbm>> -> memref<900x128xi32, #tpu.memory_space<hbm>>
      tpu.wait_indirect_dma semaphore(%arg46 : memref<!tpu.dma_semaphore, #tpu.memory_space<semaphore_mem>>) src(%dma_wait3A_754 : memref<900x128xi32, #tpu.memory_space<hbm>>) dst(%arg31 : memref<64x128xi32, #tpu.memory_space<vmem>>)
      %scan3A_755 = arith.constant 0 : i32
      %scan3A_756 = arith.constant 0 : i32
      %scan3A_757 = arith.constant 64 : i32
      %scan3A_758 = arith.addi %scan3A_756, %scan3A_757 : i32
      %scan3A_759 = arith.constant 1 : i32
      scf.for %scan3A_765 = %scan3A_756 to %scan3A_758 step %scan3A_759  : i32 {
        %mul3A_766 = arith.constant 2 : i32
        %mul3A_767 = arith.muli %mul3A_766, %scan3A_765 : i32
        %add3A_768 = arith.constant 0 : i32
        %add3A_769 = arith.addi %mul3A_767, %add3A_768 : i32
        %get3A_770 = arith.index_cast %scan3A_765 : i32 to index
        %get3A_771 = arith.constant 0 : index
        %get3A_772 = tpu.vector_load %arg31[%get3A_770, %get3A_771] {strides = array<i32>} : memref<64x128xi32, #tpu.memory_space<vmem>>, vector<1x16xi32>,
        %get3A_773 = vector.shape_cast %get3A_772 : vector<1x16xi32> to vector<16xi32>
        %shift_left3A = arith.constant 16 : i32
        %shift_left3A_774 = vector.broadcast %shift_left3A : i32 to vector<16xi32>
        %shift_left3A_775 = arith.shli %get3A_773, %shift_left3A_774 : vector<16xi32>
        %bitcast_convert_type3A = tpu.bitcast %shift_left3A_775 : vector<16xi32> -> vector<16xf32>
        %and3A = arith.constant -65536 : i32
        %and3A_776 = vector.broadcast %and3A : i32 to vector<16xi32>
        %and3A_777 = arith.andi %get3A_773, %and3A_776 : vector<16xi32>
        %bitcast_convert_type3A_778 = tpu.bitcast %and3A_777 : vector<16xi32> -> vector<16xf32>
        %swap3A_779 = arith.index_cast %add3A_769 : i32 to index
        %swap3A_780 = arith.constant 0 : index
        %swap3A_781 = tpu.vector_load %arg26[%swap3A_779, %swap3A_780] {strides = array<i32>} : memref<128x128xf32, #tpu.memory_space<vmem>>, vector<1x16xf32>,
        %swap3A_782 = vector.shape_cast %swap3A_781 : vector<1x16xf32> to vector<16xf32>
        %swap3A_783 = vector.shape_cast %bitcast_convert_type3A : vector<16xf32> to vector<1x16xf32>
        tpu.vector_store %arg26[%swap3A_779, %swap3A_780], %swap3A_783 {add = true, strides = array<i32>} : memref<128x128xf32, #tpu.memory_space<vmem>>, vector<1x16xf32>,
        %swap3A_784 = arith.index_cast %add3A_769 : i32 to index
        %swap3A_785 = arith.constant 16 : index
        %swap3A_786 = tpu.vector_load %arg26[%swap3A_784, %swap3A_785] {strides = array<i32>} : memref<128x128xf32, #tpu.memory_space<vmem>>, vector<1x16xf32>,
        %swap3A_787 = vector.shape_cast %swap3A_786 : vector<1x16xf32> to vector<16xf32>
        %swap3A_788 = vector.shape_cast %bitcast_convert_type3A_778 : vector<16xf32> to vector<1x16xf32>
        tpu.vector_store %arg26[%swap3A_784, %swap3A_785], %swap3A_788 {add = true, strides = array<i32>} : memref<128x128xf32, #tpu.memory_space<vmem>>, vector<1x16xf32>,
        %get3A_789 = arith.index_cast %scan3A_765 : i32 to index
        %get3A_790 = arith.constant 16 : index
        %get3A_791 = tpu.vector_load %arg31[%get3A_789, %get3A_790] {strides = array<i32>} : memref<64x128xi32, #tpu.memory_space<vmem>>, vector<1x16xi32>,
        %get3A_792 = vector.shape_cast %get3A_791 : vector<1x16xi32> to vector<16xi32>
        %shift_left3A_793 = arith.constant 16 : i32
        %shift_left3A_794 = vector.broadcast %shift_left3A_793 : i32 to vector<16xi32>
        %shift_left3A_795 = arith.shli %get3A_792, %shift_left3A_794 : vector<16xi32>
        %bitcast_convert_type3A_796 = tpu.bitcast %shift_left3A_795 : vector<16xi32> -> vector<16xf32>
        %and3A_797 = arith.constant -65536 : i32
        %and3A_798 = vector.broadcast %and3A_797 : i32 to vector<16xi32>
        %and3A_799 = arith.andi %get3A_792, %and3A_798 : vector<16xi32>
        %bitcast_convert_type3A_800 = tpu.bitcast %and3A_799 : vector<16xi32> -> vector<16xf32>
        %swap3A_801 = arith.index_cast %add3A_769 : i32 to index
        %swap3A_802 = arith.constant 32 : index
        %swap3A_803 = tpu.vector_load %arg26[%swap3A_801, %swap3A_802] {strides = array<i32>} : memref<128x128xf32, #tpu.memory_space<vmem>>, vector<1x16xf32>,
        %swap3A_804 = vector.shape_cast %swap3A_803 : vector<1x16xf32> to vector<16xf32>
        %swap3A_805 = vector.shape_cast %bitcast_convert_type3A_796 : vector<16xf32> to vector<1x16xf32>
        tpu.vector_store %arg26[%swap3A_801, %swap3A_802], %swap3A_805 {add = true, strides = array<i32>} : memref<128x128xf32, #tpu.memory_space<vmem>>, vector<1x16xf32>,
        %swap3A_806 = arith.index_cast %add3A_769 : i32 to index
        %swap3A_807 = arith.constant 48 : index
        %swap3A_808 = tpu.vector_load %arg26[%swap3A_806, %swap3A_807] {strides = array<i32>} : memref<128x128xf32, #tpu.memory_space<vmem>>, vector<1x16xf32>,
        %swap3A_809 = vector.shape_cast %swap3A_808 : vector<1x16xf32> to vector<16xf32>
        %swap3A_810 = vector.shape_cast %bitcast_convert_type3A_800 : vector<16xf32> to vector<1x16xf32>
        tpu.vector_store %arg26[%swap3A_806, %swap3A_807], %swap3A_810 {add = true, strides = array<i32>} : memref<128x128xf32, #tpu.memory_space<vmem>>, vector<1x16xf32>,
        %get3A_811 = arith.index_cast %scan3A_765 : i32 to index
        %get3A_812 = arith.constant 32 : index
        %get3A_813 = tpu.vector_load %arg31[%get3A_811, %get3A_812] {strides = array<i32>} : memref<64x128xi32, #tpu.memory_space<vmem>>, vector<1x16xi32>,
        %get3A_814 = vector.shape_cast %get3A_813 : vector<1x16xi32> to vector<16xi32>
        %shift_left3A_815 = arith.constant 16 : i32
        %shift_left3A_816 = vector.broadcast %shift_left3A_815 : i32 to vector<16xi32>
        %shift_left3A_817 = arith.shli %get3A_814, %shift_left3A_816 : vector<16xi32>
        %bitcast_convert_type3A_818 = tpu.bitcast %shift_left3A_817 : vector<16xi32> -> vector<16xf32>
        %and3A_819 = arith.constant -65536 : i32
        %and3A_820 = vector.broadcast %and3A_819 : i32 to vector<16xi32>
        %and3A_821 = arith.andi %get3A_814, %and3A_820 : vector<16xi32>
        %bitcast_convert_type3A_822 = tpu.bitcast %and3A_821 : vector<16xi32> -> vector<16xf32>
        %swap3A_823 = arith.index_cast %add3A_769 : i32 to index
        %swap3A_824 = arith.constant 64 : index
        %swap3A_825 = tpu.vector_load %arg26[%swap3A_823, %swap3A_824] {strides = array<i32>} : memref<128x128xf32, #tpu.memory_space<vmem>>, vector<1x16xf32>,
        %swap3A_826 = vector.shape_cast %swap3A_825 : vector<1x16xf32> to vector<16xf32>
        %swap3A_827 = vector.shape_cast %bitcast_convert_type3A_818 : vector<16xf32> to vector<1x16xf32>
        tpu.vector_store %arg26[%swap3A_823, %swap3A_824], %swap3A_827 {add = true, strides = array<i32>} : memref<128x128xf32, #tpu.memory_space<vmem>>, vector<1x16xf32>,
        %swap3A_828 = arith.index_cast %add3A_769 : i32 to index
        %swap3A_829 = arith.constant 80 : index
        %swap3A_830 = tpu.vector_load %arg26[%swap3A_828, %swap3A_829] {strides = array<i32>} : memref<128x128xf32, #tpu.memory_space<vmem>>, vector<1x16xf32>,
        %swap3A_831 = vector.shape_cast %swap3A_830 : vector<1x16xf32> to vector<16xf32>
        %swap3A_832 = vector.shape_cast %bitcast_convert_type3A_822 : vector<16xf32> to vector<1x16xf32>
        tpu.vector_store %arg26[%swap3A_828, %swap3A_829], %swap3A_832 {add = true, strides = array<i32>} : memref<128x128xf32, #tpu.memory_space<vmem>>, vector<1x16xf32>,
        %get3A_833 = arith.index_cast %scan3A_765 : i32 to index
        %get3A_834 = arith.constant 48 : index
        %get3A_835 = tpu.vector_load %arg31[%get3A_833, %get3A_834] {strides = array<i32>} : memref<64x128xi32, #tpu.memory_space<vmem>>, vector<1x16xi32>,
        %get3A_836 = vector.shape_cast %get3A_835 : vector<1x16xi32> to vector<16xi32>
        %shift_left3A_837 = arith.constant 16 : i32
        %shift_left3A_838 = vector.broadcast %shift_left3A_837 : i32 to vector<16xi32>
        %shift_left3A_839 = arith.shli %get3A_836, %shift_left3A_838 : vector<16xi32>
        %bitcast_convert_type3A_840 = tpu.bitcast %shift_left3A_839 : vector<16xi32> -> vector<16xf32>
        %and3A_841 = arith.constant -65536 : i32
        %and3A_842 = vector.broadcast %and3A_841 : i32 to vector<16xi32>
        %and3A_843 = arith.andi %get3A_836, %and3A_842 : vector<16xi32>
        %bitcast_convert_type3A_844 = tpu.bitcast %and3A_843 : vector<16xi32> -> vector<16xf32>
        %swap3A_845 = arith.index_cast %add3A_769 : i32 to index
        %swap3A_846 = arith.constant 96 : index
        %swap3A_847 = tpu.vector_load %arg26[%swap3A_845, %swap3A_846] {strides = array<i32>} : memref<128x128xf32, #tpu.memory_space<vmem>>, vector<1x16xf32>,
        %swap3A_848 = vector.shape_cast %swap3A_847 : vector<1x16xf32> to vector<16xf32>
        %swap3A_849 = vector.shape_cast %bitcast_convert_type3A_840 : vector<16xf32> to vector<1x16xf32>
        tpu.vector_store %arg26[%swap3A_845, %swap3A_846], %swap3A_849 {add = true, strides = array<i32>} : memref<128x128xf32, #tpu.memory_space<vmem>>, vector<1x16xf32>,
        %swap3A_850 = arith.index_cast %add3A_769 : i32 to index
        %swap3A_851 = arith.constant 112 : index
        %swap3A_852 = tpu.vector_load %arg26[%swap3A_850, %swap3A_851] {strides = array<i32>} : memref<128x128xf32, #tpu.memory_space<vmem>>, vector<1x16xf32>,
        %swap3A_853 = vector.shape_cast %swap3A_852 : vector<1x16xf32> to vector<16xf32>
        %swap3A_854 = vector.shape_cast %bitcast_convert_type3A_844 : vector<16xf32> to vector<1x16xf32>
        tpu.vector_store %arg26[%swap3A_850, %swap3A_851], %swap3A_854 {add = true, strides = array<i32>} : memref<128x128xf32, #tpu.memory_space<vmem>>, vector<1x16xf32>,
        %mul3A_855 = arith.constant 2 : i32
        %mul3A_856 = arith.muli %mul3A_855, %scan3A_765 : i32
        %add3A_857 = arith.constant 1 : i32
        %add3A_858 = arith.addi %mul3A_856, %add3A_857 : i32
        %get3A_859 = arith.index_cast %scan3A_765 : i32 to index
        %get3A_860 = arith.constant 64 : index
        %get3A_861 = tpu.vector_load %arg31[%get3A_859, %get3A_860] {strides = array<i32>} : memref<64x128xi32, #tpu.memory_space<vmem>>, vector<1x16xi32>,
        %get3A_862 = vector.shape_cast %get3A_861 : vector<1x16xi32> to vector<16xi32>
        %shift_left3A_863 = arith.constant 16 : i32
        %shift_left3A_864 = vector.broadcast %shift_left3A_863 : i32 to vector<16xi32>
        %shift_left3A_865 = arith.shli %get3A_862, %shift_left3A_864 : vector<16xi32>
        %bitcast_convert_type3A_866 = tpu.bitcast %shift_left3A_865 : vector<16xi32> -> vector<16xf32>
        %and3A_867 = arith.constant -65536 : i32
        %and3A_868 = vector.broadcast %and3A_867 : i32 to vector<16xi32>
        %and3A_869 = arith.andi %get3A_862, %and3A_868 : vector<16xi32>
        %bitcast_convert_type3A_870 = tpu.bitcast %and3A_869 : vector<16xi32> -> vector<16xf32>
        %swap3A_871 = arith.index_cast %add3A_858 : i32 to index
        %swap3A_872 = arith.constant 0 : index
        %swap3A_873 = tpu.vector_load %arg26[%swap3A_871, %swap3A_872] {strides = array<i32>} : memref<128x128xf32, #tpu.memory_space<vmem>>, vector<1x16xf32>,
        %swap3A_874 = vector.shape_cast %swap3A_873 : vector<1x16xf32> to vector<16xf32>
        %swap3A_875 = vector.shape_cast %bitcast_convert_type3A_866 : vector<16xf32> to vector<1x16xf32>
        tpu.vector_store %arg26[%swap3A_871, %swap3A_872], %swap3A_875 {add = true, strides = array<i32>} : memref<128x128xf32, #tpu.memory_space<vmem>>, vector<1x16xf32>,
        %swap3A_876 = arith.index_cast %add3A_858 : i32 to index
        %swap3A_877 = arith.constant 16 : index
        %swap3A_878 = tpu.vector_load %arg26[%swap3A_876, %swap3A_877] {strides = array<i32>} : memref<128x128xf32, #tpu.memory_space<vmem>>, vector<1x16xf32>,
        %swap3A_879 = vector.shape_cast %swap3A_878 : vector<1x16xf32> to vector<16xf32>
        %swap3A_880 = vector.shape_cast %bitcast_convert_type3A_870 : vector<16xf32> to vector<1x16xf32>
        tpu.vector_store %arg26[%swap3A_876, %swap3A_877], %swap3A_880 {add = true, strides = array<i32>} : memref<128x128xf32, #tpu.memory_space<vmem>>, vector<1x16xf32>,
        %get3A_881 = arith.index_cast %scan3A_765 : i32 to index
        %get3A_882 = arith.constant 80 : index
        %get3A_883 = tpu.vector_load %arg31[%get3A_881, %get3A_882] {strides = array<i32>} : memref<64x128xi32, #tpu.memory_space<vmem>>, vector<1x16xi32>,
        %get3A_884 = vector.shape_cast %get3A_883 : vector<1x16xi32> to vector<16xi32>
        %shift_left3A_885 = arith.constant 16 : i32
        %shift_left3A_886 = vector.broadcast %shift_left3A_885 : i32 to vector<16xi32>
        %shift_left3A_887 = arith.shli %get3A_884, %shift_left3A_886 : vector<16xi32>
        %bitcast_convert_type3A_888 = tpu.bitcast %shift_left3A_887 : vector<16xi32> -> vector<16xf32>
        %and3A_889 = arith.constant -65536 : i32
        %and3A_890 = vector.broadcast %and3A_889 : i32 to vector<16xi32>
        %and3A_891 = arith.andi %get3A_884, %and3A_890 : vector<16xi32>
        %bitcast_convert_type3A_892 = tpu.bitcast %and3A_891 : vector<16xi32> -> vector<16xf32>
        %swap3A_893 = arith.index_cast %add3A_858 : i32 to index
        %swap3A_894 = arith.constant 32 : index
        %swap3A_895 = tpu.vector_load %arg26[%swap3A_893, %swap3A_894] {strides = array<i32>} : memref<128x128xf32, #tpu.memory_space<vmem>>, vector<1x16xf32>,
        %swap3A_896 = vector.shape_cast %swap3A_895 : vector<1x16xf32> to vector<16xf32>
        %swap3A_897 = vector.shape_cast %bitcast_convert_type3A_888 : vector<16xf32> to vector<1x16xf32>
        tpu.vector_store %arg26[%swap3A_893, %swap3A_894], %swap3A_897 {add = true, strides = array<i32>} : memref<128x128xf32, #tpu.memory_space<vmem>>, vector<1x16xf32>,
        %swap3A_898 = arith.index_cast %add3A_858 : i32 to index
        %swap3A_899 = arith.constant 48 : index
        %swap3A_900 = tpu.vector_load %arg26[%swap3A_898, %swap3A_899] {strides = array<i32>} : memref<128x128xf32, #tpu.memory_space<vmem>>, vector<1x16xf32>,
        %swap3A_901 = vector.shape_cast %swap3A_900 : vector<1x16xf32> to vector<16xf32>
        %swap3A_902 = vector.shape_cast %bitcast_convert_type3A_892 : vector<16xf32> to vector<1x16xf32>
        tpu.vector_store %arg26[%swap3A_898, %swap3A_899], %swap3A_902 {add = true, strides = array<i32>} : memref<128x128xf32, #tpu.memory_space<vmem>>, vector<1x16xf32>,
        %get3A_903 = arith.index_cast %scan3A_765 : i32 to index
        %get3A_904 = arith.constant 96 : index
        %get3A_905 = tpu.vector_load %arg31[%get3A_903, %get3A_904] {strides = array<i32>} : memref<64x128xi32, #tpu.memory_space<vmem>>, vector<1x16xi32>,
        %get3A_906 = vector.shape_cast %get3A_905 : vector<1x16xi32> to vector<16xi32>
        %shift_left3A_907 = arith.constant 16 : i32
        %shift_left3A_908 = vector.broadcast %shift_left3A_907 : i32 to vector<16xi32>
        %shift_left3A_909 = arith.shli %get3A_906, %shift_left3A_908 : vector<16xi32>
        %bitcast_convert_type3A_910 = tpu.bitcast %shift_left3A_909 : vector<16xi32> -> vector<16xf32>
        %and3A_911 = arith.constant -65536 : i32
        %and3A_912 = vector.broadcast %and3A_911 : i32 to vector<16xi32>
        %and3A_913 = arith.andi %get3A_906, %and3A_912 : vector<16xi32>
        %bitcast_convert_type3A_914 = tpu.bitcast %and3A_913 : vector<16xi32> -> vector<16xf32>
        %swap3A_915 = arith.index_cast %add3A_858 : i32 to index
        %swap3A_916 = arith.constant 64 : index
        %swap3A_917 = tpu.vector_load %arg26[%swap3A_915, %swap3A_916] {strides = array<i32>} : memref<128x128xf32, #tpu.memory_space<vmem>>, vector<1x16xf32>,
        %swap3A_918 = vector.shape_cast %swap3A_917 : vector<1x16xf32> to vector<16xf32>
        %swap3A_919 = vector.shape_cast %bitcast_convert_type3A_910 : vector<16xf32> to vector<1x16xf32>
        tpu.vector_store %arg26[%swap3A_915, %swap3A_916], %swap3A_919 {add = true, strides = array<i32>} : memref<128x128xf32, #tpu.memory_space<vmem>>, vector<1x16xf32>,
        %swap3A_920 = arith.index_cast %add3A_858 : i32 to index
        %swap3A_921 = arith.constant 80 : index
        %swap3A_922 = tpu.vector_load %arg26[%swap3A_920, %swap3A_921] {strides = array<i32>} : memref<128x128xf32, #tpu.memory_space<vmem>>, vector<1x16xf32>,
        %swap3A_923 = vector.shape_cast %swap3A_922 : vector<1x16xf32> to vector<16xf32>
        %swap3A_924 = vector.shape_cast %bitcast_convert_type3A_914 : vector<16xf32> to vector<1x16xf32>
        tpu.vector_store %arg26[%swap3A_920, %swap3A_921], %swap3A_924 {add = true, strides = array<i32>} : memref<128x128xf32, #tpu.memory_space<vmem>>, vector<1x16xf32>,
        %get3A_925 = arith.index_cast %scan3A_765 : i32 to index
        %get3A_926 = arith.constant 112 : index
        %get3A_927 = tpu.vector_load %arg31[%get3A_925, %get3A_926] {strides = array<i32>} : memref<64x128xi32, #tpu.memory_space<vmem>>, vector<1x16xi32>,
        %get3A_928 = vector.shape_cast %get3A_927 : vector<1x16xi32> to vector<16xi32>
        %shift_left3A_929 = arith.constant 16 : i32
        %shift_left3A_930 = vector.broadcast %shift_left3A_929 : i32 to vector<16xi32>
        %shift_left3A_931 = arith.shli %get3A_928, %shift_left3A_930 : vector<16xi32>
        %bitcast_convert_type3A_932 = tpu.bitcast %shift_left3A_931 : vector<16xi32> -> vector<16xf32>
        %and3A_933 = arith.constant -65536 : i32
        %and3A_934 = vector.broadcast %and3A_933 : i32 to vector<16xi32>
        %and3A_935 = arith.andi %get3A_928, %and3A_934 : vector<16xi32>
        %bitcast_convert_type3A_936 = tpu.bitcast %and3A_935 : vector<16xi32> -> vector<16xf32>
        %swap3A_937 = arith.index_cast %add3A_858 : i32 to index
        %swap3A_938 = arith.constant 96 : index
        %swap3A_939 = tpu.vector_load %arg26[%swap3A_937, %swap3A_938] {strides = array<i32>} : memref<128x128xf32, #tpu.memory_space<vmem>>, vector<1x16xf32>,
        %swap3A_940 = vector.shape_cast %swap3A_939 : vector<1x16xf32> to vector<16xf32>
        %swap3A_941 = vector.shape_cast %bitcast_convert_type3A_932 : vector<16xf32> to vector<1x16xf32>
        tpu.vector_store %arg26[%swap3A_937, %swap3A_938], %swap3A_941 {add = true, strides = array<i32>} : memref<128x128xf32, #tpu.memory_space<vmem>>, vector<1x16xf32>,
        %swap3A_942 = arith.index_cast %add3A_858 : i32 to index
        %swap3A_943 = arith.constant 112 : index
        %swap3A_944 = tpu.vector_load %arg26[%swap3A_942, %swap3A_943] {strides = array<i32>} : memref<128x128xf32, #tpu.memory_space<vmem>>, vector<1x16xf32>,
        %swap3A_945 = vector.shape_cast %swap3A_944 : vector<1x16xf32> to vector<16xf32>
        %swap3A_946 = vector.shape_cast %bitcast_convert_type3A_936 : vector<16xf32> to vector<1x16xf32>
        tpu.vector_store %arg26[%swap3A_942, %swap3A_943], %swap3A_946 {add = true, strides = array<i32>} : memref<128x128xf32, #tpu.memory_space<vmem>>, vector<1x16xf32>,
      }
      %scan3A_760 = arith.constant 64 : i32
      %dma_start3A_761 = arith.constant 0 : i32
      %dma_start3A_762 = tpu.memref_slice %arg6[%add3A_748, %dma_start3A_761] : memref<204800x128xf32, #tpu.memory_space<hbm>> -> memref<128x128xf32, #tpu.memory_space<hbm>>
      %dma_start3A_763 = arith.constant 0 : i32
      %dma_start3A_764 = tpu.memref_slice %arg6[%add3A_748, %dma_start3A_763] : memref<204800x128xf32, #tpu.memory_space<hbm>> -> memref<128x128xf32, #tpu.memory_space<hbm>>
      tpu.enqueue_dma source(%arg26 : memref<128x128xf32, #tpu.memory_space<vmem>>) target(%dma_start3A_764 : memref<128x128xf32, #tpu.memory_space<hbm>>) target_semaphore(%arg51 : memref<!tpu.dma_semaphore, #tpu.memory_space<semaphore_mem>>)
    }
    %scan3A_227 = arith.constant 10 : i32
    %dma_wait3A_228 = arith.constant 0 : i32
    %dma_wait3A_229 = arith.constant 0 : i32
    %dma_wait3A_230 = tpu.memref_slice %arg6[%dma_wait3A_228, %dma_wait3A_229] : memref<204800x128xf32, #tpu.memory_space<hbm>> -> memref<128x128xf32, #tpu.memory_space<hbm>>
    %dma_wait3A_231 = arith.constant 0 : i32
    %dma_wait3A_232 = arith.constant 0 : i32
    %dma_wait3A_233 = tpu.memref_slice %arg6[%dma_wait3A_231, %dma_wait3A_232] : memref<204800x128xf32, #tpu.memory_space<hbm>> -> memref<128x128xf32, #tpu.memory_space<hbm>>
    tpu.wait_dma2 semaphore(%arg49 : memref<!tpu.dma_semaphore, #tpu.memory_space<semaphore_mem>>) src(%arg24 : memref<128x128xf32, #tpu.memory_space<vmem>>) dst(%dma_wait3A_233 : memref<128x128xf32, #tpu.memory_space<hbm>>)
    %dma_wait3A_234 = arith.constant 0 : i32
    %dma_wait3A_235 = arith.constant 0 : i32
    %dma_wait3A_236 = tpu.memref_slice %arg6[%dma_wait3A_234, %dma_wait3A_235] : memref<204800x128xf32, #tpu.memory_space<hbm>> -> memref<128x128xf32, #tpu.memory_space<hbm>>
    %dma_wait3A_237 = arith.constant 0 : i32
    %dma_wait3A_238 = arith.constant 0 : i32
    %dma_wait3A_239 = tpu.memref_slice %arg6[%dma_wait3A_237, %dma_wait3A_238] : memref<204800x128xf32, #tpu.memory_space<hbm>> -> memref<128x128xf32, #tpu.memory_space<hbm>>
    tpu.wait_dma2 semaphore(%arg50 : memref<!tpu.dma_semaphore, #tpu.memory_space<semaphore_mem>>) src(%arg25 : memref<128x128xf32, #tpu.memory_space<vmem>>) dst(%dma_wait3A_239 : memref<128x128xf32, #tpu.memory_space<hbm>>)
    %dma_wait3A_240 = arith.constant 0 : i32
    %dma_wait3A_241 = arith.constant 0 : i32
    %dma_wait3A_242 = tpu.memref_slice %arg6[%dma_wait3A_240, %dma_wait3A_241] : memref<204800x128xf32, #tpu.memory_space<hbm>> -> memref<128x128xf32, #tpu.memory_space<hbm>>
    %dma_wait3A_243 = arith.constant 0 : i32
    %dma_wait3A_244 = arith.constant 0 : i32
    %dma_wait3A_245 = tpu.memref_slice %arg6[%dma_wait3A_243, %dma_wait3A_244] : memref<204800x128xf32, #tpu.memory_space<hbm>> -> memref<128x128xf32, #tpu.memory_space<hbm>>
    tpu.wait_dma2 semaphore(%arg51 : memref<!tpu.dma_semaphore, #tpu.memory_space<semaphore_mem>>) src(%arg26 : memref<128x128xf32, #tpu.memory_space<vmem>>) dst(%dma_wait3A_245 : memref<128x128xf32, #tpu.memory_space<hbm>>)
    return
  }
}

</mosaic_0001>

<sc_bundles>
// kernel: kernel.3.cloned.1.call-start
scs
__scs_entry_jumppad:
0x0: {  	(pc) =	sbr.rel $0x88, $3  }
0x1: {  	(tag) =	ssettag $0x0;
	lr =	simm.s32 $0x1  }
0x2: {  	[smem:$0x3F9C] =	sst lr;
	_ =	strace $0xD0000000  }
0x3: {  	_ = 	snop  }
0x4: {  	_ = 	snop  }
0x5: {  	_ = 	snop  }
0x6: {  	_ = 	snop  }
0x7: {  	_ = 	snop  }
__scs_overlays_trampoline_lowered:
0x8: {  	[smem:$0x3FAB] =	sst s0  }
0x9: {  	[smem:$0x3FAC] =	sst s1  }
0xa: {  	[smem:$0x3FAD] =	sst s2  }
0xb: {  	[smem:$0x3FAE] =	sst s3  }
0xc: {  	[smem:$0x3FAF] =	sst s4  }
0xd: {  	[smem:$0x3FB0] =	sst s5  }
0xe: {  	[smem:$0x3FB1] =	sst s6  }
0xf: {  	[smem:$0x3FB2] =	sst s7  }
0x10: {  	[smem:$0x3FB3] =	sst s8  }
0x11: {  	[smem:$0x3FB4] =	sst s9;
	s0 =	simm.s32 @!p0 $0x0  }
0x12: {  	s1 =	sld [smem:$0x3F9A];
	s0 =	simm.s32 @p0 $0x1  }
0x13: {  	[smem:$0x3FB5] =	sst s0;
	s0 =	simm.s32 @!p1 $0x0  }
0x14: {  	s2 =	sld [smem:$0x3F99];
	s0 =	simm.s32 @p1 $0x1  }
0x15: {  	[smem:$0x3FB6] =	sst s0;
	s0 =	simm.s32 @!p2 $0x0  }
0x16: {  	s3 =	sld [smem:$0x3FDB];
	s0 =	simm.s32 @p2 $0x1  }
0x17: {  	s4 =	simm.s32 $0x1BF5;
	[smem:$0x3FB8] =	sst s0  }
0x18: {  	s0 =	sld [smem:$0x3F9B];
	_ =	swait.ge [sflag:s4], $0x0  }
0x19: {  	s7 =	sld [smem:$0x3F9C]  }
0x1a: {  	s8 =	sadd.s32 $0xFFFFE003, lr  }
0x1b: {  	s9 =	sadd.s32 $0xFFFFFEF7, lr;
	s5 =	simm.s32 $0xFFFFFFFF;
	p2 =	slt.u32 s8, $0xFFFFF086  }
0x1c: {  	p1 =	slt.u32 s9, $0xF7A;
	s5 =	simm.s32 @!p2 $0x0  }
0x1d: {  	s5 =	simm.s32 @p1 $0x1;
	p0 =	seq.s32 s7, s2  }
0x1e: {  	s7 =	smul.u32 @!p0 $0xF7A, s2;
	p2 =	seq.s32 @!p0 s5, $0x0  }
0x1f: {  	s9 =	smul.u32 $0xF7A, s1;
	s8 =	simm.s32 @!p0 $0x1BF5;
	p2 =	por !p2, p0  }
0x20: {  	[sflag:s8] =	ssyncset.s32 @!p0 $0xFFFFF086;
	s6 =	sadd.s32 @!p0 s3, s7;
	s7 =	simm.s32 @!p0 $0x108  }
0x21: {  	s3 =	sadd.s32 s3, s9;
	s6 =	sadd.s32 @!p0 $0x88, s6;
	s7 =	simm.s32 @p2 $0x1082  }
0x22: {  	[simem:s7], [sflag:s8] =	dma.local @!p0 [hbm:s6], $0xF7A  }
0x23: {  	s9 =	sor.u32 $0xD0000000, s2;
	s6 =	simm.s32 $0x108;
	_ =	swait.ge @!p0 [sflag:s8], $0x0  }
0x24: {  	s3 =	sadd.s32 $0x88, s3;
	s6 =	simm.s32 @!p1 $0x1082;
	[sflag:s4] =	ssyncset.s32 $0xFFFFF086  }
0x25: {  	[simem:s6], [sflag:s4] =	dma.local [hbm:s3], $0xF7A  }
0x26: {  	[smem:$0x3F9C] =	sst s1;
	(tag) =	ssettag s2;
	_ =	strace s9  }
0x27: {  	s1 =	sld [smem:$0x3FAC]  }
0x28: {  	s2 =	sld [smem:$0x3FAD]  }
0x29: {  	s4 =	sld [smem:$0x3FAF]  }
0x2a: {  	p0 =	seq.s32 s5, $0x0;
	s5 =	sld [smem:$0x3FB0]  }
0x2b: {  	s6 =	sld [smem:$0x3FB1]  }
0x2c: {  	s7 =	sld [smem:$0x3FB2]  }
0x2d: {  	s3 =	simm.s32 $0x108;
	s8 =	sld [smem:$0x3FB3]  }
0x2e: {  	s3 =	simm.s32 @!p0 $0x1082;
	s9 =	sld [smem:$0x3FB4]  }
0x2f: {  	lr =	sadd.s32 s0, s3;
	s0 =	sld [smem:$0x3FAB]  }
0x30: {  	s3 =	sld [smem:$0x3FAE]  }
0x31: {  	[smem:$0x3FB7] =	sst s10  }
0x32: {  	s10 =	sld [smem:$0x3FB5];
	_ =	sdelay $0x3  }
0x33: {  	p0 =	seq.s32 s10, $0x1;
	s10 =	sld [smem:$0x3FB7];
	_ =	sdelay $0x3  }
0x34: {  	[smem:$0x3FB7] =	sst s10  }
0x35: {  	s10 =	sld [smem:$0x3FB6];
	_ =	sdelay $0x3  }
0x36: {  	p1 =	seq.s32 s10, $0x1;
	s10 =	sld [smem:$0x3FB7];
	_ =	sdelay $0x3  }
0x37: {  	[smem:$0x3FB7] =	sst s10  }
0x38: {  	s10 =	sld [smem:$0x3FB8]  }
0x39: {  	_ = 	snop;
	(pc) =	sbr.ind lr, $3  }
0x3a: {  	_ = 	snop  }
0x3b: {  	_ = 	snop  }
0x3c: {  	p2 =	seq.s32 s10, $0x1;
	s10 =	sld [smem:$0x3FB7]  }
0x3d: {  	_ =	shalt  }
0x3e: {  	_ =	shalt  }
0x3f: {  	_ =	shalt  }
0x40: {  	_ =	shalt  }
0x41: {  	_ =	shalt  }
0x42: {  	_ =	shalt  }
0x43: {  	_ =	shalt  }
0x44: {  	_ =	shalt  }
0x45: {  	_ =	shalt  }
0x46: {  	_ =	shalt  }
0x47: {  	_ =	shalt  }
0x48: {  	_ =	shalt  }
0x49: {  	_ =	shalt  }
0x4a: {  	_ =	shalt  }
0x4b: {  	_ =	shalt  }
0x4c: {  	_ =	shalt  }
0x4d: {  	_ =	shalt  }
0x4e: {  	_ =	shalt  }
0x4f: {  	_ =	shalt  }
0x50: {  	_ =	shalt  }
0x51: {  	_ =	shalt  }
0x52: {  	_ =	shalt  }
0x53: {  	_ =	shalt  }
0x54: {  	_ =	shalt  }
0x55: {  	_ =	shalt  }
0x56: {  	_ =	shalt  }
0x57: {  	_ =	shalt  }
0x58: {  	_ =	shalt  }
0x59: {  	_ =	shalt  }
0x5a: {  	_ =	shalt  }
0x5b: {  	_ =	shalt  }
0x5c: {  	_ =	shalt  }
0x5d: {  	_ =	shalt  }
0x5e: {  	_ =	shalt  }
0x5f: {  	_ =	shalt  }
0x60: {  	_ =	shalt  }
0x61: {  	_ =	shalt  }
0x62: {  	_ =	shalt  }
0x63: {  	_ =	shalt  }
0x64: {  	_ =	shalt  }
0x65: {  	_ =	shalt  }
0x66: {  	_ =	shalt  }
0x67: {  	_ =	shalt  }
0x68: {  	_ =	shalt  }
0x69: {  	_ =	shalt  }
0x6a: {  	_ =	shalt  }
0x6b: {  	_ =	shalt  }
0x6c: {  	_ =	shalt  }
0x6d: {  	_ =	shalt  }
0x6e: {  	_ =	shalt  }
0x6f: {  	_ =	shalt  }
0x70: {  	_ =	shalt  }
0x71: {  	_ =	shalt  }
0x72: {  	_ =	shalt  }
0x73: {  	_ =	shalt  }
0x74: {  	_ =	shalt  }
0x75: {  	_ =	shalt  }
0x76: {  	_ =	shalt  }
0x77: {  	_ =	shalt  }
0x78: {  	_ =	shalt  }
0x79: {  	_ =	shalt  }
0x7a: {  	_ =	shalt  }
0x7b: {  	_ =	shalt  }
0x7c: {  	_ =	shalt  }
0x7d: {  	_ =	shalt  }
0x7e: {  	_ =	shalt  }
0x7f: {  	_ =	shalt  }
0x80: {  	_ =	shalt  }
0x81: {  	_ =	shalt  }
0x82: {  	_ =	shalt  }
0x83: {  	_ =	shalt  }
0x84: {  	_ =	shalt  }
0x85: {  	_ =	shalt  }
0x86: {  	_ =	shalt  }
0x87: {  	_ =	shalt  }
.Lfunc_end0:
.L_simem_size_0:
called_computation_lowered:
.L_overlay_start_0:
0x88: {  	s2 =	sld [smem:$0x3FD9]  }
0x89: {  	s3 =	sld [smem:$0x3FFE];
	_ =	sdelay $0x1  }
0x8a: {  	s1 =	srdreg.scid  }
0x8b: {  	s0 =	sand.u32 $0x1, s1  }
0x8c: {  	s17 =	sshll.u32 s0, $0xA;
	s2 =	sadd.s32 s3, s2  }
0x8d: {  	s2 =	sadd.s32 s2, s17  }
0x8e: {  	[smem:$0x3FC3] =	sst s2  }
0x8f: {  	_ = 	snop  }
0x90: {  	s2 =	sld [smem:$0x3FC7]  }
0x91: {  	s18 =	sld [smem:$0x3FD0];
	(tm) =	ssettm $0x1  }
0x92: {  	s4 =	sld [smem:$0x3FFB];
	_ =	sdelay $0x3  }
0x93: {  	_ =	strace s4  }
0x94: {  	s4 =	sld [smem:$0x3FFC];
	_ =	sdelay $0x3  }
0x95: {  	_ =	strace s4  }
0x96: {  	s4 =	sld [smem:$0x3FFD];
	_ =	sdelay $0x3  }
0x97: {  	_ =	strace s4  }
0x98: {  	_ =	strace $0x8FFFFFFF  }
0x99: {  	s19 =	sld [smem:$0x3FDB];
	_ =	sdelay $0x1  }
0x9a: {  	s5 =	simm.s32 $_scs_section_size  }
0x9b: {  	s6 =	simm.s32 $_size__tile_overlayer_lowered;
	s7 =	simm.s32 $_tile_overlayer_lowered  }
0x9c: {  	s22 =	simm.s32 $0x1BFF;
	s21 =	sshll.u32 s7, $0x1;
	s4 =	sadd.s32 s5, s19  }
0x9d: {  	s8 =	simm.s32 $0x0;
	s20 =	sshll.u32 s6, $0x1;
	s6 =	sadd.s32 s21, s4  }
0x9e: {  	[timem:s8], [sflag:s22] =	dma.local [hbm:s6], s20  }
0x9f: {  	_ =	swait.ge [sflag:s22], s20  }
0xa0: {  	s5 =	ssub.s32 $0x0, s20;
	[sflag:s22] =	ssyncset.done $0x0  }
0xa1: {  	[sflag:s22] =	ssyncadd.s32 s5;
	_ =	sdelay $0x1  }
0xa2: {  	s23 =	simm.s32 $0x1B8B  }
0xa3: {  	_ =	swait.ge [sflag:s23], $0x1  }
0xa4: {  	[sflag:s23] =	ssyncset.done $0x0  }
0xa5: {  	s25 =	simm.s32 $0x1B8E;
	s24 =	sld [smem:$0x3FFE];
	[sflag:s23] =	ssyncadd.s32 $0xFFFFFFFF  }
0xa6: {  	s26 =	simm.s32 $execute0_lowered;
	[smem:$0x3FD2] =	sst s25  }
0xa7: {  	s6 =	sshll.u32 s26, $0x1;
	_ =	strace $0x80000046;
	[dreg:$0x1] =	wrdreg $0xFFFFFFFF  }
0xa8: {  	s28 =	simm.s32 $_size_execute0_lowered;
	s4 =	sadd.s32 s4, s6;
	[dreg:$0x0] =	wrdreg $0x0  }
0xa9: {  	s6 =	sshll.u32 s28, $0x1;
	[dreg:$0x2] =	wrdreg s4  }
0xaa: {  	[dreg:$0x3] =	wrdreg s6  }
0xab: {  	[dreg:$0x4] =	wrdreg $0xC0  }
0xac: {  	_ =	task [dreg:s8], $0x5FFFF  }
0xad: {  	[dreg:$0x1] =	wrdreg $0xFFFFFFFF  }
0xae: {  	[dreg:$0x0] =	wrdreg $0x60  }
0xaf: {  	[dreg:$0x2] =	wrdreg s24  }
0xb0: {  	[dreg:$0x3] =	wrdreg s2  }
0xb1: {  	[dreg:$0x4] =	wrdreg s18  }
0xb2: {  	[dreg:$0x5] =	wrdreg $0x9  }
0xb3: {  	_ =	task.clear_ibuf [dreg:s8], $0x6FFFF;
	_ =	strace $0x90000046  }
0xb4: {  	s29 =	simm.s32 $0x9;
	_ =	strace $0x80000048  }
0xb5: {  	_ =	swait.ge [sflag:s29], $0x1  }
0xb6: {  	[sflag:s29] =	ssyncadd.s32 $0xFFFFFFFF  }
0xb7: {  	_ =	strace $0x90000048  }
0xb8: {  	_ =	sfence  }
0xb9: {  	s30 =	sld [smem:$0x0];
	_ =	sdelay $0x2  }
0xba: {  	s31 =	sshll.u32 s1, $0xD;
	s1 =	sshrl.u32 s1, $0x2  }
0xbb: {  	s3 =	sand.u32 $0x4000, s31;
	s1 =	sadd.s32 s1, s30  }
0xbc: {  	s0 =	sor.u32 s3, s0;
	s1 =	sshll.u32 s1, $0x11  }
0xbd: {  	s0 =	sor.u32 s1, s0  }
0xbe: {  	s0 =	sadd.s32 $0x8F2B, s0  }
0xbf: {  	[sflag:s0] =	ssyncadd.remote.s32 $0x1  }
0xc0: {  	_ =	sfence.sel $0xFFFF  }
0xc1: {  	[dreg:$0x0] =	wrdreg $0xFFFFFFFF;
	(pc) =	sbr.abs _section_cstart, $3  }
0xc2: {  	[dreg:$0x1] =	wrdreg $0xFFFFFFFF  }
0xc3: {  	_ =	task.clear_ibuf [dreg:s8], $0x2FFFF;
	_ =	strace $0x9FFFFFFF  }
0xc4: {  	(tm) =	ssettm $0x7FFFFFFF  }
0xc5: {  	_ =	shalt  }
tec
execute0_lowered:
.L_overlay_start_1:
0x0: {  	(tag) =	ssettag $0x1  }
0x1: {  	s0 =	rddreg [dreg:$0x0]  }
0x2: {  	s2 =	rddreg [dreg:$0x1]  }
0x3: {  	s3 =	rddreg [dreg:$0x2];
	s1 =	srdreg.scid  }
0x4: {  	s5 =	stileid.u32;
	s4 =	simm.s32 $0x0;
	s24 =	simm.s32 $0x1  }
0x5: {  	s26 =	simm.s32 $0x40;
	s1 =	sand.u32 $0x1, s1;
	s5 =	sshll.u32 s5, $0x1  }
0x6: {  	s30 =	simm.s32 $0x2;
	s28 =	simm.s32 $0x4;
	s10 =	sor.u32 s1, s5  }
0x7: {  	s31 =	simm.s32 $0xE;
	[smem:$0x7FF] =	sst s4;
	s7 =	smul.u32 $0xC80, s10  }
0x8: {  	v0 =	vlaneseq.u32;
	s6 =	sadd.s32 $0x6E00, s0;
	s8 =	sadd.s32 $0x3C00, s0;
	s9 =	sadd.s32 $0x200, s0  }
0x9: {  	_ =	strace $0x80000047;
	s22 =	sor.u32 $0x10, s7;
	s23 =	sor.u32 $0x20, s7;
	v1 =	vor.u32 s7, v0  }
0xa: {  	s1 =	ssub.s32 $0x2, s1;
	s11 =	sor.u32 $0x40, s7;
	s25 =	sor.u32 $0x30, s7;
	v2 =	vor.u32 s22, v0;
	v3 =	vor.u32 s23, v0;
	v4 =	vmulhi.u32 $0x51EB851F, v1  }
0xb: {  	s5 =	smul.u32 $0x1900, s10;
	s29 =	sor.u32 $0x50, s7;
	s15 =	sor.u32 $0x60, s7;
	v5 =	vor.u32 s25, v0;
	v6 =	vor.u32 s11, v0;
	v7 =	vmulhi.u32 $0x51EB851F, v2  }
0xc: {  	s18 =	sshrl.u32 s1, $0x1;
	s10 =	smul.u32 $0xC8000, s10;
	s16 =	sor.u32 $0x70, s7;
	v8 =	vor.u32 s29, v0;
	v11 =	vor.u32 s15, v0;
	v9 =	vmulhi.u32 $0x51EB851F, v3  }
0xd: {  	s0 =	ssub.s32 s1, s18;
	s19 =	sshrl.u32 s5, $0x3;
	s20 =	sshrl.u32 s7, $0x3;
	v13 =	vor.u32 s16, v0;
	v10 =	vmulhi.u32 $0x51EB851F, v5;
	v4 =	vshrl.u32 v4, $0x5  }
0xe: {  	s17 =	sor.u32 $0x80, s5;
	[dreg:$0xb] =	wrdreg s10;
	s0 =	smax.u32 s0, $0x1;
	v12 =	vmulhi.u32 $0x51EB851F, v6;
	v4 =	vmul.u32 $0x64, v4;
	v7 =	vshrl.u32 v7, $0x5  }
0xf: {  	s10 =	simm.s32 $0x0;
	s13 =	sadd.s32 s6, s19;
	[dreg:$0xa] =	wrdreg s17;
	v14 =	vmulhi.u32 $0x51EB851F, v13;
	v10 =	vshrl.u32 v10, $0x5;
	v7 =	vmul.u32 $0x64, v7  }
0x10: {  	s12 =	sshrl.u32 s11, $0x3;
	s1 =	sadd.s32 s8, s20;
	[dreg:$0xc] =	wrdreg s0;
	v12 =	vshrl.u32 v12, $0x5;
	v1 =	vsub.s32 v1, v4;
	v4 =	vmulhi.u32 $0x51EB851F, v8  }
0x11: {  	s20 =	simm.s32 $0x80;
	s25 =	simm.s32 $0x180;
	[dreg:$0x4] =	wrdreg s13;
	v2 =	vsub.s32 v2, v7;
	v7 =	vshrl.u32 v9, $0x5;
	v9 =	vmulhi.u32 $0x51EB851F, v11  }
0x12: {  	s22 =	simm.s32 $0x8780;
	s14 =	sadd.s32 $0x10, s13;
	[dreg:$0x5] =	wrdreg s1;
	v14 =	vshrl.u32 v14, $0x5;
	v10 =	vmul.u32 $0x64, v10;
	v12 =	vmul.u32 $0x64, v12  }
0x13: {  	s11 =	simm.s32 $0x5;
	s12 =	sadd.s32 s8, s12;
	[dreg:$0x6] =	wrdreg s14;
	v7 =	vmul.u32 $0x64, v7;
	v4 =	vshrl.u32 v4, $0x5;
	v9 =	vshrl.u32 v9, $0x5  }
0x14: {  	s16 =	simm.s32 $0x11;
	s21 =	sadd.s32 $0x20, s13;
	[dreg:$0x7] =	wrdreg s12;
	v14 =	vmul.u32 $0x64, v14;
	v15 =	vmul.u32 $0x64, v4;
	v9 =	vmul.u32 $0x64, v9  }
0x15: {  	s17 =	simm.s32 $0xA;
	s1 =	sadd.s32 $0x10, s1;
	[dreg:$0x8] =	wrdreg s21;
	v4 =	vsub.s32 v5, v10;
	v5 =	vsub.s32 v6, v12;
	v3 =	vsub.s32 v3, v7  }
0x16: {  	[dreg:$0x9] =	wrdreg s1;
	s14 =	simm.s32 $0x3;
	s12 =	simm.s32 $0xF;
	v6 =	vsub.s32 v8, v15;
	v8 =	vsub.s32 v13, v14;
	v7 =	vsub.s32 v11, v9  }
.LBB2_1:
0x17: {  	[dreg:$0xd] =	wrdreg s10  }
0x18: {  	s0 =	rddreg [dreg:$0x4]  }
0x19: {  	[tilespmem:s4], [sflag:$0x1] =	stream.linear.gather [hbm4b:s0+s4], $0x80, $0x38;
	[tilespmem:$0x1E780] =	vst v63  }
0x1a: {  	s15 =	rddreg [dreg:$0x5];
	s1 =	simm.s32 $0x280  }
0x1b: {  	[tilespmem:s1], [sflag:$0x1] =	stream.linear.gather [hbm4b:s15+s4], $0x40, $0x38;
	[tilespmem:$0x1E780] =	vst v63  }
0x1c: {  	s18 =	rddreg [dreg:$0x6]  }
0x1d: {  	[tilespmem:s20], [sflag:$0x2] =	stream.linear.gather [hbm4b:s18+s4], $0x80, $0x38;
	[tilespmem:$0x1E780] =	vst v63  }
0x1e: {  	s19 =	rddreg [dreg:$0x7];
	s21 =	simm.s32 $0x300  }
0x1f: {  	[tilespmem:s21], [sflag:$0x2] =	stream.linear.gather [hbm4b:s19+s4], $0x40, $0x38;
	[tilespmem:$0x1E780] =	vst v63  }
0x20: {  	s23 =	rddreg [dreg:$0x8];
	s29 =	simm.s32 $0x100  }
0x21: {  	[tilespmem:s29], [sflag:$0x3] =	stream.linear.gather [hbm4b:s23+s4], $0x80, $0x38;
	[tilespmem:$0x1E780] =	vst v63  }
0x22: {  	s10 =	rddreg [dreg:$0x9];
	s13 =	simm.s32 $0x380  }
0x23: {  	[tilespmem:s13], [sflag:$0x3] =	stream.linear.gather [hbm4b:s10+s4], $0x40, $0x38;
	[tilespmem:$0x1E780] =	vst v63  }
0x24: {  	_ =	swait.ge [sflag:s24], $0x80  }
0x25: {  	[sflag:s24] =	ssyncset.done $0x0  }
0x26: {  	[sflag:s24] =	ssyncadd.s32 $0xFFFFFF80  }
0x27: {  	_ =	swait.ge [sflag:s24], $0x40  }
0x28: {  	[sflag:s24] =	ssyncset.done $0x0  }
0x29: {  	[sflag:s24] =	ssyncadd.s32 $0xFFFFFFC0  }
0x2a: {  	v9 =	vld [tilespmem:$0x280]  }
0x2b: {  	v10 =	vld [tilespmem:$0x290]  }
0x2c: {  	v11 =	vld [tilespmem:$0x2A0]  }
0x2d: {  	v12 =	vld [tilespmem:$0x2B0];
	_ =	sdelay $0x1  }
0x2e: {  	v9 =	vmul.u32 $0x64, v9  }
0x2f: {  	v10 =	vmul.u32 $0x64, v10  }
0x30: {  	v11 =	vmul.u32 $0x64, v11;
	v9 =	vadd.s32 v1, v9  }
0x31: {  	[tilespmem:$0x500] =	vst v9;
	v9 =	vadd.s32 v2, v10;
	v10 =	vmul.u32 $0x64, v12  }
0x32: {  	[tilespmem:$0x510] =	vst v9;
	v9 =	vadd.s32 v3, v11  }
0x33: {  	[tilespmem:$0x520] =	vst v9;
	v9 =	vadd.s32 v4, v10  }
0x34: {  	s15 =	simm.s32 $0x780;
	[tilespmem:$0x530] =	vst v9  }
0x35: {  	[tilespmem:s15], [sflag:$0x6] =	stream.indirect.gather [hbm4b:s2+s20], $0x80, s4, s20, $0xb8;
	[tilespmem:$0x1E780] =	vst v63  }
0x36: {  	s18 =	simm.s32 $0x500;
	s19 =	simm.s32 $0x14780  }
0x37: {  	[tilespmem:s19], [sflag:$0xB] =	stream.indirect.gather [hbm4b:s9+s26], $0x80, s18, s26, $0xb8;
	[tilespmem:$0x1E780] =	vst v63  }
0x38: {  	_ =	swait.ge [sflag:s30], $0x80  }
0x39: {  	[sflag:s30] =	ssyncset.done $0x0  }
0x3a: {  	[sflag:s30] =	ssyncadd.s32 $0xFFFFFF80  }
0x3b: {  	_ =	swait.ge [sflag:s30], $0x40  }
0x3c: {  	[sflag:s30] =	ssyncset.done $0x0  }
0x3d: {  	[sflag:s30] =	ssyncadd.s32 $0xFFFFFFC0  }
0x3e: {  	v9 =	vld [tilespmem:$0x300]  }
0x3f: {  	v10 =	vld [tilespmem:$0x310]  }
0x40: {  	v11 =	vld [tilespmem:$0x320]  }
0x41: {  	v63 =	vld [tilespmem:$0x330];
	_ =	sdelay $0x1  }
0x42: {  	v9 =	vmul.u32 $0x64, v9  }
0x43: {  	v10 =	vmul.u32 $0x64, v10  }
0x44: {  	v11 =	vmul.u32 $0x64, v11;
	v9 =	vadd.s32 v5, v9  }
0x45: {  	[tilespmem:$0x580] =	vst v9;
	v9 =	vadd.s32 v6, v10;
	v10 =	vmul.u32 $0x64, v63  }
0x46: {  	[tilespmem:$0x590] =	vst v9;
	v9 =	vadd.s32 v7, v11  }
0x47: {  	[tilespmem:$0x5A0] =	vst v9;
	v9 =	vadd.s32 v8, v10  }
0x48: {  	s21 =	simm.s32 $0x4780;
	[tilespmem:$0x5B0] =	vst v9  }
0x49: {  	[tilespmem:s21], [sflag:$0x7] =	stream.indirect.gather [hbm4b:s2+s20], $0x80, s20, s20, $0xb8;
	[tilespmem:$0x1E780] =	vst v63  }
0x4a: {  	s23 =	simm.s32 $0x580;
	s29 =	simm.s32 $0x16780;
	s15 =	simm.s32 $0x0  }
0x4b: {  	[tilespmem:s29], [sflag:$0xC] =	stream.indirect.gather [hbm4b:s9+s26], $0x80, s23, s26, $0xb8;
	[tilespmem:$0x1E780] =	vst v63  }
.LBB2_2:
0x4c: {  	s21 =	smul.u32 $0x5, s15;
	_ =	sdelay $0x1  }
0x4d: {  	p0 =	seq.s32 s15, $0x0;
	s1 =	sadd.s32 $0x3, s21  }
0x4e: {  	s18 =	simm.s32 $0x0;
	s0 =	simm.s32 @!p0 $0x12;
	s10 =	sshll.u32 s1, $0x7  }
0x4f: {  	_ =	swait.ge @!p0 [sflag:s0], $0x4000;
	s19 =	sshll.u32 s1, $0x6;
	s29 =	sadd.s32 s5, s10  }
0x50: {  	[sflag:s0] =	ssyncset.done @!p0 $0x0;
	s13 =	sadd.s32 s7, s19;
	s23 =	sshrl.u32 s29, $0x3  }
0x51: {  	[sflag:s0] =	ssyncadd.s32 @!p0 $0xFFFFC000;
	s19 =	sshrl.u32 s13, $0x3;
	s10 =	sadd.s32 s6, s23  }
0x52: {  	[tilespmem:s25], [sflag:$0x4] =	stream.linear.gather [hbm4b:s10+s18], $0x80, $0x38;
	[tilespmem:$0x1E780] =	vst v63  }
0x53: {  	s0 =	sadd.s32 s8, s19;
	s23 =	simm.s32 $0x400  }
0x54: {  	[tilespmem:s23], [sflag:$0x4] =	stream.linear.gather [hbm4b:s0+s18], $0x40, $0x38;
	[tilespmem:$0x1E780] =	vst v63  }
0x55: {  	_ =	swait.ge [sflag:s14], $0x80  }
0x56: {  	[sflag:s14] =	ssyncset.done $0x0  }
0x57: {  	[sflag:s14] =	ssyncadd.s32 $0xFFFFFF80  }
0x58: {  	s10 =	sadd.s32 $0x2, s21;
	_ =	swait.ge [sflag:s14], $0x40  }
0x59: {  	s18 =	sshll.u32 s10, $0x6;
	[sflag:s14] =	ssyncset.done $0x0  }
0x5a: {  	s0 =	sadd.s32 s7, s18;
	[sflag:s14] =	ssyncadd.s32 $0xFFFFFFC0  }
0x5b: {  	v9 =	vor.u32 s0, v0;
	v10 =	vld [tilespmem:$0x380]  }
0x5c: {  	v11 =	vmulhi.u32 $0x51EB851F, v9  }
0x5d: {  	s19 =	sor.u32 $0x10, s0  }
0x5e: {  	s23 =	sor.u32 $0x20, s0;
	v12 =	vor.u32 s19, v0;
	v11 =	vshrl.u32 v11, $0x5;
	v13 =	vld [tilespmem:$0x390]  }
0x5f: {  	s0 =	sor.u32 $0x30, s0;
	v15 =	vor.u32 s23, v0;
	v14 =	vmulhi.u32 $0x51EB851F, v12;
	v11 =	vmul.u32 $0x64, v11;
	v16 =	vld [tilespmem:$0x3A0]  }
0x60: {  	v18 =	vor.u32 s0, v0;
	v17 =	vmulhi.u32 $0x51EB851F, v15;
	v19 =	vld [tilespmem:$0x3B0];
	v10 =	vmul.u32 $0x64, v10  }
0x61: {  	v62 =	vmulhi.u32 $0x51EB851F, v18;
	v9 =	vsub.s32 v9, v11;
	v11 =	vshrl.u32 v14, $0x5  }
0x62: {  	v9 =	vadd.s32 v9, v10;
	v10 =	vmul.u32 $0x64, v11;
	v11 =	vshrl.u32 v17, $0x5  }
0x63: {  	v14 =	vshrl.u32 v62, $0x5;
	v13 =	vmul.u32 $0x64, v13;
	v11 =	vmul.u32 $0x64, v11  }
0x64: {  	v14 =	vmul.u32 $0x64, v14;
	v63 =	vmul.u32 $0x64, v16;
	v10 =	vsub.s32 v12, v10  }
0x65: {  	[tilespmem:$0x600] =	vst v9;
	v9 =	vadd.s32 v10, v13;
	v10 =	vsub.s32 v15, v11;
	v11 =	vmul.u32 $0x64, v19  }
0x66: {  	[tilespmem:$0x610] =	vst v9;
	v9 =	vadd.s32 v10, v63;
	v10 =	vsub.s32 v18, v14  }
0x67: {  	[tilespmem:$0x620] =	vst v9;
	v9 =	vadd.s32 v10, v11  }
0x68: {  	s1 =	simm.s32 $0x100;
	[tilespmem:$0x630] =	vst v9  }
0x69: {  	[tilespmem:s22], [sflag:$0x8] =	stream.indirect.gather [hbm4b:s2+s20], $0x80, s1, s20, $0xb8;
	[tilespmem:$0x1E780] =	vst v63  }
0x6a: {  	s18 =	simm.s32 $0x600;
	s19 =	simm.s32 $0x18780;
	s22 =	simm.s32 $0x6  }
0x6b: {  	[tilespmem:s19], [sflag:$0xD] =	stream.indirect.gather [hbm4b:s9+s26], $0x80, s18, s26, $0xb8;
	[tilespmem:$0x1E780] =	vst v63  }
0x6c: {  	_ =	swait.ge [sflag:s22], $0x4000  }
0x6d: {  	[sflag:s22] =	ssyncset.done $0x0  }
0x6e: {  	s23 =	simm.s32 $0xB;
	[sflag:s22] =	ssyncadd.s32 $0xFFFFC000  }
0x6f: {  	_ =	swait.ge [sflag:s23], $0x2000  }
0x70: {  	[sflag:s23] =	ssyncset.done $0x0  }
0x71: {  	s18 =	simm.s32 $0x147C0;
	[sflag:s23] =	ssyncadd.s32 $0xFFFFE000  }
0x72: {  	v9 =	vld [tilespmem:s18+$0xFFFFFFC0];
	_ =	sdelay $0x4  }
0x73: {  	s19 =	simm.s32 $0x0;
	v10 =	vshll.u32 v9, $0x10  }
0x74: {  	v9 =	vand.u32 $0xFFFF0000, v9;
	[tilespmem:s19+$0x780] =	vst.add.f32.msk $0xffff, v10  }
0x75: {  	[tilespmem:s19+$0x790] =	vst.add.f32.msk $0xffff, v9  }
0x76: {  	v9 =	vld [tilespmem:s18+$0xFFFFFFD0];
	_ =	sdelay $0x4  }
0x77: {  	v10 =	vshll.u32 v9, $0x10  }
0x78: {  	v9 =	vand.u32 $0xFFFF0000, v9;
	[tilespmem:s19+$0x7A0] =	vst.add.f32.msk $0xffff, v10  }
0x79: {  	[tilespmem:s19+$0x7B0] =	vst.add.f32.msk $0xffff, v9  }
0x7a: {  	v9 =	vld [tilespmem:s18+$0xFFFFFFE0];
	_ =	sdelay $0x4  }
0x7b: {  	v10 =	vshll.u32 v9, $0x10  }
0x7c: {  	v9 =	vand.u32 $0xFFFF0000, v9;
	[tilespmem:s19+$0x7C0] =	vst.add.f32.msk $0xffff, v10  }
0x7d: {  	[tilespmem:s19+$0x7D0] =	vst.add.f32.msk $0xffff, v9  }
0x7e: {  	v9 =	vld [tilespmem:s18+$0xFFFFFFF0];
	_ =	sdelay $0x4  }
0x7f: {  	v10 =	vshll.u32 v9, $0x10  }
0x80: {  	v9 =	vand.u32 $0xFFFF0000, v9;
	[tilespmem:s19+$0x7E0] =	vst.add.f32.msk $0xffff, v10  }
0x81: {  	[tilespmem:s19+$0x7F0] =	vst.add.f32.msk $0xffff, v9  }
0x82: {  	v9 =	vld [tilespmem:s18+$0x0];
	_ =	sdelay $0x4  }
0x83: {  	v10 =	vshll.u32 v9, $0x10  }
0x84: {  	v9 =	vand.u32 $0xFFFF0000, v9;
	[tilespmem:s19+$0x800] =	vst.add.f32.msk $0xffff, v10  }
0x85: {  	[tilespmem:s19+$0x810] =	vst.add.f32.msk $0xffff, v9  }
0x86: {  	v9 =	vld [tilespmem:s18+$0x10];
	_ =	sdelay $0x4  }
0x87: {  	v10 =	vshll.u32 v9, $0x10  }
0x88: {  	v9 =	vand.u32 $0xFFFF0000, v9;
	[tilespmem:s19+$0x820] =	vst.add.f32.msk $0xffff, v10  }
0x89: {  	[tilespmem:s19+$0x830] =	vst.add.f32.msk $0xffff, v9  }
0x8a: {  	v9 =	vld [tilespmem:s18+$0x20];
	_ =	sdelay $0x4  }
0x8b: {  	v10 =	vshll.u32 v9, $0x10  }
0x8c: {  	s0 =	simm.s32 $0x400;
	s1 =	simm.s32 $0x147C0;
	v9 =	vand.u32 $0xFFFF0000, v9;
	[tilespmem:s19+$0x840] =	vst.add.f32.msk $0xffff, v10  }
.LBB2_3:
0x8d: {  	p1 =	sne.s32 s0, $0xFC00  }
0x8e: {  	[tilespmem:s19+$0x850] =	vst.add.f32.msk $0xffff, v9;
	s18 =	sadd.s32 $0x80, s18;
	s22 =	smov.u32 s0;
	s0 =	sadd.s32 $0x400, s0  }
0x8f: {  	v9 =	vld [tilespmem:s1+$0x30];
	s1 =	smov.u32 s18;
	_ =	sdelay $0x4  }
0x90: {  	v10 =	vshll.u32 v9, $0x10;
	v9 =	vand.u32 $0xFFFF0000, v9  }
0x91: {  	[tilespmem:s19+$0x860] =	vst.add.f32.msk $0xffff, v10  }
0x92: {  	[tilespmem:s19+$0x870] =	vst.add.f32.msk $0xffff, v9  }
0x93: {  	v9 =	vld [tilespmem:s18+$0xFFFFFFC0];
	_ =	sdelay $0x4  }
0x94: {  	s19 =	sshra.s32 s22, $0x2;
	v10 =	vshll.u32 v9, $0x10;
	v9 =	vand.u32 $0xFFFF0000, v9  }
0x95: {  	[tilespmem:s19+$0x780] =	vst.add.f32.msk $0xffff, v10  }
0x96: {  	[tilespmem:s19+$0x790] =	vst.add.f32.msk $0xffff, v9  }
0x97: {  	v9 =	vld [tilespmem:s18+$0xFFFFFFD0];
	_ =	sdelay $0x4  }
0x98: {  	v10 =	vshll.u32 v9, $0x10;
	v9 =	vand.u32 $0xFFFF0000, v9  }
0x99: {  	[tilespmem:s19+$0x7A0] =	vst.add.f32.msk $0xffff, v10  }
0x9a: {  	[tilespmem:s19+$0x7B0] =	vst.add.f32.msk $0xffff, v9  }
0x9b: {  	v9 =	vld [tilespmem:s18+$0xFFFFFFE0];
	_ =	sdelay $0x4  }
0x9c: {  	v10 =	vshll.u32 v9, $0x10;
	v9 =	vand.u32 $0xFFFF0000, v9  }
0x9d: {  	[tilespmem:s19+$0x7C0] =	vst.add.f32.msk $0xffff, v10  }
0x9e: {  	[tilespmem:s19+$0x7D0] =	vst.add.f32.msk $0xffff, v9  }
0x9f: {  	v9 =	vld [tilespmem:s18+$0xFFFFFFF0];
	_ =	sdelay $0x4  }
0xa0: {  	v10 =	vshll.u32 v9, $0x10;
	v9 =	vand.u32 $0xFFFF0000, v9  }
0xa1: {  	[tilespmem:s19+$0x7E0] =	vst.add.f32.msk $0xffff, v10  }
0xa2: {  	[tilespmem:s19+$0x7F0] =	vst.add.f32.msk $0xffff, v9  }
0xa3: {  	v9 =	vld [tilespmem:s18+$0x0];
	_ =	sdelay $0x4  }
0xa4: {  	v10 =	vshll.u32 v9, $0x10;
	v9 =	vand.u32 $0xFFFF0000, v9  }
0xa5: {  	[tilespmem:s19+$0x800] =	vst.add.f32.msk $0xffff, v10  }
0xa6: {  	[tilespmem:s19+$0x810] =	vst.add.f32.msk $0xffff, v9  }
0xa7: {  	v9 =	vld [tilespmem:s18+$0x10];
	_ =	sdelay $0x4  }
0xa8: {  	v10 =	vshll.u32 v9, $0x10;
	v9 =	vand.u32 $0xFFFF0000, v9  }
0xa9: {  	[tilespmem:s19+$0x820] =	vst.add.f32.msk $0xffff, v10  }
0xaa: {  	[tilespmem:s19+$0x830] =	vst.add.f32.msk $0xffff, v9  }
0xab: {  	v9 =	vld [tilespmem:s18+$0x20];
	_ =	sdelay $0x1  }
.Ltmp0:
0xac: {  	(pc) =	sbr.rel @p1 .LBB2_3-.Ltmp0, $3  }
0xad: {  	_ =	sdelay $0x1  }
0xae: {  	v10 =	vshll.u32 v9, $0x10;
	v9 =	vand.u32 $0xFFFF0000, v9  }
0xaf: {  	[tilespmem:s19+$0x840] =	vst.add.f32.msk $0xffff, v10  }
0xb0: {  	[tilespmem:s19+$0x850] =	vst.add.f32.msk $0xffff, v9  }
0xb1: {  	v9 =	vld [tilespmem:s1+$0x30];
	_ =	sdelay $0x2  }
0xb2: {  	s18 =	smul.u32 $0x280, s15;
	_ =	sdelay $0x1  }
0xb3: {  	s0 =	sadd.s32 s5, s18;
	v10 =	vshll.u32 v9, $0x10  }
0xb4: {  	s0 =	sshll.u32 s0, $0x4;
	v9 =	vand.u32 $0xFFFF0000, v9;
	[tilespmem:s19+$0x860] =	vst.add.f32.msk $0xffff, v10  }
0xb5: {  	s22 =	sadd.s32 $0x4, s21;
	s0 =	sadd.s32 s3, s0;
	[tilespmem:s19+$0x870] =	vst.add.f32.msk $0xffff, v9;
	s19 =	simm.s32 $0x780  }
0xb6: {  	[hbm4b:s0+s4] =	stream.linear.scatter [tilespmem:s19], [sflag:$0x10], $0x4000, $0x38;
	[tilespmem:$0x1E780] =	vst v63  }
0xb7: {  	s23 =	sshll.u32 s22, $0x7;
	s1 =	simm.s32 $0x0;
	s0 =	simm.s32 @!p0 $0x13  }
0xb8: {  	s23 =	sadd.s32 s5, s23;
	s19 =	sshll.u32 s22, $0x6;
	_ =	swait.ge @!p0 [sflag:s0], $0x4000  }
0xb9: {  	s22 =	sshrl.u32 s23, $0x3;
	s19 =	sadd.s32 s7, s19;
	[sflag:s0] =	ssyncset.done @!p0 $0x0  }
0xba: {  	[sflag:s0] =	ssyncadd.s32 @!p0 $0xFFFFC000;
	s0 =	sadd.s32 s6, s22;
	s22 =	simm.s32 $0x200  }
0xbb: {  	[tilespmem:s22], [sflag:$0x5] =	stream.linear.gather [hbm4b:s0+s1], $0x80, $0x38;
	[tilespmem:$0x1E780] =	vst v63  }
0xbc: {  	s22 =	sshrl.u32 s19, $0x3  }
0xbd: {  	s0 =	sadd.s32 s8, s22;
	s22 =	simm.s32 $0x480  }
0xbe: {  	[tilespmem:s22], [sflag:$0x5] =	stream.linear.gather [hbm4b:s0+s1], $0x40, $0x38;
	[tilespmem:$0x1E780] =	vst v63  }
0xbf: {  	_ =	swait.ge [sflag:s28], $0x80  }
0xc0: {  	[sflag:s28] =	ssyncset.done $0x0  }
0xc1: {  	[sflag:s28] =	ssyncadd.s32 $0xFFFFFF80  }
0xc2: {  	_ =	swait.ge [sflag:s28], $0x40  }
0xc3: {  	[sflag:s28] =	ssyncset.done $0x0  }
0xc4: {  	[sflag:s28] =	ssyncadd.s32 $0xFFFFFFC0  }
0xc5: {  	v9 =	vor.u32 s13, v0;
	v10 =	vld [tilespmem:$0x400]  }
0xc6: {  	v11 =	vmulhi.u32 $0x51EB851F, v9  }
0xc7: {  	s22 =	sor.u32 $0x10, s13  }
0xc8: {  	v11 =	vshrl.u32 v11, $0x5;
	s1 =	sor.u32 $0x20, s13;
	v12 =	vor.u32 s22, v0;
	v13 =	vld [tilespmem:$0x410]  }
0xc9: {  	v11 =	vmul.u32 $0x64, v11;
	s13 =	sor.u32 $0x30, s13;
	v15 =	vor.u32 s1, v0;
	v14 =	vmulhi.u32 $0x51EB851F, v12;
	v16 =	vld [tilespmem:$0x420]  }
0xca: {  	v18 =	vor.u32 s13, v0;
	v17 =	vmulhi.u32 $0x51EB851F, v15;
	v19 =	vld [tilespmem:$0x430];
	v10 =	vmul.u32 $0x64, v10  }
0xcb: {  	v9 =	vsub.s32 v9, v11;
	v62 =	vmulhi.u32 $0x51EB851F, v18;
	v11 =	vshrl.u32 v14, $0x5  }
0xcc: {  	v9 =	vadd.s32 v9, v10;
	v10 =	vmul.u32 $0x64, v11;
	v11 =	vshrl.u32 v17, $0x5  }
0xcd: {  	v14 =	vshrl.u32 v62, $0x5;
	v13 =	vmul.u32 $0x64, v13;
	v11 =	vmul.u32 $0x64, v11  }
0xce: {  	v14 =	vmul.u32 $0x64, v14;
	v63 =	vmul.u32 $0x64, v16;
	v10 =	vsub.s32 v12, v10  }
0xcf: {  	[tilespmem:$0x680] =	vst v9;
	v9 =	vadd.s32 v10, v13;
	v10 =	vsub.s32 v15, v11;
	v11 =	vmul.u32 $0x64, v19  }
0xd0: {  	[tilespmem:$0x690] =	vst v9;
	v9 =	vadd.s32 v10, v63;
	v10 =	vsub.s32 v18, v14  }
0xd1: {  	[tilespmem:$0x6A0] =	vst v9;
	v9 =	vadd.s32 v10, v11  }
0xd2: {  	s22 =	simm.s32 $0xC780;
	[tilespmem:$0x6B0] =	vst v9  }
0xd3: {  	[tilespmem:s22], [sflag:$0x9] =	stream.indirect.gather [hbm4b:s2+s20], $0x80, s25, s20, $0xb8;
	[tilespmem:$0x1E780] =	vst v63  }
0xd4: {  	s1 =	simm.s32 $0x680;
	s13 =	simm.s32 $0x1A780;
	s22 =	simm.s32 $0x7  }
0xd5: {  	[tilespmem:s13], [sflag:$0xE] =	stream.indirect.gather [hbm4b:s9+s26], $0x80, s1, s26, $0xb8;
	[tilespmem:$0x1E780] =	vst v63  }
0xd6: {  	_ =	swait.ge [sflag:s22], $0x4000  }
0xd7: {  	[sflag:s22] =	ssyncset.done $0x0  }
0xd8: {  	s25 =	simm.s32 $0xC;
	[sflag:s22] =	ssyncadd.s32 $0xFFFFC000  }
0xd9: {  	_ =	swait.ge [sflag:s25], $0x2000  }
0xda: {  	[sflag:s25] =	ssyncset.done $0x0  }
0xdb: {  	s13 =	simm.s32 $0x167C0;
	[sflag:s25] =	ssyncadd.s32 $0xFFFFE000  }
0xdc: {  	v9 =	vld [tilespmem:s13+$0xFFFFFFC0];
	_ =	sdelay $0x4  }
0xdd: {  	s0 =	simm.s32 $0x0;
	v10 =	vshll.u32 v9, $0x10  }
0xde: {  	v9 =	vand.u32 $0xFFFF0000, v9;
	[tilespmem:s0+$0x4780] =	vst.add.f32.msk $0xffff, v10  }
0xdf: {  	[tilespmem:s0+$0x4790] =	vst.add.f32.msk $0xffff, v9  }
0xe0: {  	v9 =	vld [tilespmem:s13+$0xFFFFFFD0];
	_ =	sdelay $0x4  }
0xe1: {  	v10 =	vshll.u32 v9, $0x10  }
0xe2: {  	v9 =	vand.u32 $0xFFFF0000, v9;
	[tilespmem:s0+$0x47A0] =	vst.add.f32.msk $0xffff, v10  }
0xe3: {  	[tilespmem:s0+$0x47B0] =	vst.add.f32.msk $0xffff, v9  }
0xe4: {  	v9 =	vld [tilespmem:s13+$0xFFFFFFE0];
	_ =	sdelay $0x4  }
0xe5: {  	v10 =	vshll.u32 v9, $0x10  }
0xe6: {  	v9 =	vand.u32 $0xFFFF0000, v9;
	[tilespmem:s0+$0x47C0] =	vst.add.f32.msk $0xffff, v10  }
0xe7: {  	[tilespmem:s0+$0x47D0] =	vst.add.f32.msk $0xffff, v9  }
0xe8: {  	v9 =	vld [tilespmem:s13+$0xFFFFFFF0];
	_ =	sdelay $0x4  }
0xe9: {  	v10 =	vshll.u32 v9, $0x10  }
0xea: {  	v9 =	vand.u32 $0xFFFF0000, v9;
	[tilespmem:s0+$0x47E0] =	vst.add.f32.msk $0xffff, v10  }
0xeb: {  	[tilespmem:s0+$0x47F0] =	vst.add.f32.msk $0xffff, v9  }
0xec: {  	v9 =	vld [tilespmem:s13+$0x0];
	_ =	sdelay $0x4  }
0xed: {  	v10 =	vshll.u32 v9, $0x10  }
0xee: {  	v9 =	vand.u32 $0xFFFF0000, v9;
	[tilespmem:s0+$0x4800] =	vst.add.f32.msk $0xffff, v10  }
0xef: {  	[tilespmem:s0+$0x4810] =	vst.add.f32.msk $0xffff, v9  }
0xf0: {  	v9 =	vld [tilespmem:s13+$0x10];
	_ =	sdelay $0x4  }
0xf1: {  	v10 =	vshll.u32 v9, $0x10  }
0xf2: {  	v9 =	vand.u32 $0xFFFF0000, v9;
	[tilespmem:s0+$0x4820] =	vst.add.f32.msk $0xffff, v10  }
0xf3: {  	[tilespmem:s0+$0x4830] =	vst.add.f32.msk $0xffff, v9  }
0xf4: {  	v9 =	vld [tilespmem:s13+$0x20];
	_ =	sdelay $0x4  }
0xf5: {  	v10 =	vshll.u32 v9, $0x10  }
0xf6: {  	s1 =	simm.s32 $0x400;
	s22 =	simm.s32 $0x167C0;
	v9 =	vand.u32 $0xFFFF0000, v9;
	[tilespmem:s0+$0x4840] =	vst.add.f32.msk $0xffff, v10  }
.LBB2_5:
0xf7: {  	p1 =	sne.s32 s1, $0xFC00  }
0xf8: {  	[tilespmem:s0+$0x4850] =	vst.add.f32.msk $0xffff, v9;
	s13 =	sadd.s32 $0x80, s13;
	s25 =	smov.u32 s1;
	s1 =	sadd.s32 $0x400, s1  }
0xf9: {  	v9 =	vld [tilespmem:s22+$0x30];
	s22 =	smov.u32 s13;
	_ =	sdelay $0x4  }
0xfa: {  	v10 =	vshll.u32 v9, $0x10;
	v9 =	vand.u32 $0xFFFF0000, v9  }
0xfb: {  	[tilespmem:s0+$0x4860] =	vst.add.f32.msk $0xffff, v10  }
0xfc: {  	[tilespmem:s0+$0x4870] =	vst.add.f32.msk $0xffff, v9  }
0xfd: {  	v9 =	vld [tilespmem:s13+$0xFFFFFFC0];
	_ =	sdelay $0x4  }
0xfe: {  	s0 =	sshra.s32 s25, $0x2;
	v10 =	vshll.u32 v9, $0x10;
	v9 =	vand.u32 $0xFFFF0000, v9  }
0xff: {  	[tilespmem:s0+$0x4780] =	vst.add.f32.msk $0xffff, v10  }
0x100: {  	[tilespmem:s0+$0x4790] =	vst.add.f32.msk $0xffff, v9  }
0x101: {  	v9 =	vld [tilespmem:s13+$0xFFFFFFD0];
	_ =	sdelay $0x4  }
0x102: {  	v10 =	vshll.u32 v9, $0x10;
	v9 =	vand.u32 $0xFFFF0000, v9  }
0x103: {  	[tilespmem:s0+$0x47A0] =	vst.add.f32.msk $0xffff, v10  }
0x104: {  	[tilespmem:s0+$0x47B0] =	vst.add.f32.msk $0xffff, v9  }
0x105: {  	v9 =	vld [tilespmem:s13+$0xFFFFFFE0];
	_ =	sdelay $0x4  }
0x106: {  	v10 =	vshll.u32 v9, $0x10;
	v9 =	vand.u32 $0xFFFF0000, v9  }
0x107: {  	[tilespmem:s0+$0x47C0] =	vst.add.f32.msk $0xffff, v10  }
0x108: {  	[tilespmem:s0+$0x47D0] =	vst.add.f32.msk $0xffff, v9  }
0x109: {  	v9 =	vld [tilespmem:s13+$0xFFFFFFF0];
	_ =	sdelay $0x4  }
0x10a: {  	v10 =	vshll.u32 v9, $0x10;
	v9 =	vand.u32 $0xFFFF0000, v9  }
0x10b: {  	[tilespmem:s0+$0x47E0] =	vst.add.f32.msk $0xffff, v10  }
0x10c: {  	[tilespmem:s0+$0x47F0] =	vst.add.f32.msk $0xffff, v9  }
0x10d: {  	v9 =	vld [tilespmem:s13+$0x0];
	_ =	sdelay $0x4  }
0x10e: {  	v10 =	vshll.u32 v9, $0x10;
	v9 =	vand.u32 $0xFFFF0000, v9  }
0x10f: {  	[tilespmem:s0+$0x4800] =	vst.add.f32.msk $0xffff, v10  }
0x110: {  	[tilespmem:s0+$0x4810] =	vst.add.f32.msk $0xffff, v9  }
0x111: {  	v9 =	vld [tilespmem:s13+$0x10];
	_ =	sdelay $0x4  }
0x112: {  	v10 =	vshll.u32 v9, $0x10;
	v9 =	vand.u32 $0xFFFF0000, v9  }
0x113: {  	[tilespmem:s0+$0x4820] =	vst.add.f32.msk $0xffff, v10  }
0x114: {  	[tilespmem:s0+$0x4830] =	vst.add.f32.msk $0xffff, v9  }
0x115: {  	v9 =	vld [tilespmem:s13+$0x20];
	_ =	sdelay $0x1  }
.Ltmp1:
0x116: {  	(pc) =	sbr.rel @p1 .LBB2_5-.Ltmp1, $3  }
0x117: {  	_ =	sdelay $0x1  }
0x118: {  	v10 =	vshll.u32 v9, $0x10;
	v9 =	vand.u32 $0xFFFF0000, v9  }
0x119: {  	[tilespmem:s0+$0x4840] =	vst.add.f32.msk $0xffff, v10  }
0x11a: {  	[tilespmem:s0+$0x4850] =	vst.add.f32.msk $0xffff, v9  }
0x11b: {  	v9 =	vld [tilespmem:s22+$0x30];
	_ =	sdelay $0x3  }
0x11c: {  	s1 =	rddreg [dreg:$0xa]  }
0x11d: {  	p1 =	seq.s32 @!p0 s15, $0x9;
	s1 =	sadd.s32 s18, s1;
	v10 =	vshll.u32 v9, $0x10  }
0x11e: {  	s25 =	simm.s32 $0x4780;
	p2 =	por p0, !p1;
	s1 =	sshll.u32 s1, $0x4;
	v9 =	vand.u32 $0xFFFF0000, v9;
	[tilespmem:s0+$0x4860] =	vst.add.f32.msk $0xffff, v10  }
.Ltmp2:
0x11f: {  	s22 =	sadd.s32 s3, s1;
	[tilespmem:s0+$0x4870] =	vst.add.f32.msk $0xffff, v9;
	s0 =	simm.s32 @!p0 $0x14;
	(pc) =	sbr.rel @!p2 .LBB2_8-.Ltmp2, $4  }
0x120: {  	[hbm4b:s22+s4] =	stream.linear.scatter [tilespmem:s25], [sflag:$0x11], $0x4000, $0x38;
	[tilespmem:$0x1E780] =	vst v63  }
0x121: {  	_ =	swait.ge @!p0 [sflag:s0], $0x4000  }
0x122: {  	[sflag:s0] =	ssyncset.done @!p0 $0x0  }
0x123: {  	s13 =	sadd.s32 @!p0 $0x5, s21;
	p1 =	por @!p0 $0x1, $0x1;
	[sflag:s0] =	ssyncadd.s32 @!p0 $0xFFFFC000  }
0x124: {  	s13 =	simm.s32 @p0 $0x5  }
0x125: {  	s0 =	sshll.u32 s13, $0x7  }
0x126: {  	s1 =	sshll.u32 s13, $0x6;
	s0 =	sadd.s32 s5, s0  }
0x127: {  	s1 =	sadd.s32 s7, s1;
	s0 =	sshrl.u32 s0, $0x3  }
0x128: {  	s22 =	sshrl.u32 s1, $0x3;
	s0 =	sadd.s32 s6, s0  }
0x129: {  	[tilespmem:s4], [sflag:$0x1] =	stream.linear.gather [hbm4b:s0+s4], $0x80, $0x38;
	[tilespmem:$0x1E780] =	vst v63  }
0x12a: {  	s25 =	simm.s32 $0x280;
	p1 =	por $0x0, $0x0;
	s0 =	sadd.s32 s8, s22  }
0x12b: {  	[tilespmem:s25], [sflag:$0x1] =	stream.linear.gather [hbm4b:s0+s4], $0x40, $0x38;
	[tilespmem:$0x1E780] =	vst v63  }
.LBB2_8:
0x12c: {  	_ =	swait.ge [sflag:s11], $0x80  }
0x12d: {  	[sflag:s11] =	ssyncset.done $0x0  }
0x12e: {  	[sflag:s11] =	ssyncadd.s32 $0xFFFFFF80  }
0x12f: {  	_ =	swait.ge [sflag:s11], $0x40  }
0x130: {  	[sflag:s11] =	ssyncset.done $0x0  }
0x131: {  	[sflag:s11] =	ssyncadd.s32 $0xFFFFFFC0  }
0x132: {  	v9 =	vor.u32 s19, v0;
	v10 =	vld [tilespmem:$0x480]  }
0x133: {  	v11 =	vmulhi.u32 $0x51EB851F, v9  }
0x134: {  	s0 =	sor.u32 $0x10, s19  }
0x135: {  	s18 =	sor.u32 $0x20, s19;
	v12 =	vor.u32 s0, v0;
	v11 =	vshrl.u32 v11, $0x5;
	v13 =	vld [tilespmem:$0x490]  }
0x136: {  	s22 =	sor.u32 $0x30, s19;
	v15 =	vor.u32 s18, v0;
	v14 =	vmulhi.u32 $0x51EB851F, v12;
	v11 =	vmul.u32 $0x64, v11;
	v16 =	vld [tilespmem:$0x4A0]  }
0x137: {  	v18 =	vor.u32 s22, v0;
	v17 =	vmulhi.u32 $0x51EB851F, v15;
	v19 =	vld [tilespmem:$0x4B0];
	v10 =	vmul.u32 $0x64, v10  }
0x138: {  	v62 =	vmulhi.u32 $0x51EB851F, v18;
	v9 =	vsub.s32 v9, v11;
	v11 =	vshrl.u32 v14, $0x5  }
0x139: {  	v9 =	vadd.s32 v9, v10;
	v10 =	vmul.u32 $0x64, v11;
	v11 =	vshrl.u32 v17, $0x5  }
0x13a: {  	v14 =	vshrl.u32 v62, $0x5;
	v13 =	vmul.u32 $0x64, v13;
	v11 =	vmul.u32 $0x64, v11  }
0x13b: {  	v14 =	vmul.u32 $0x64, v14;
	v63 =	vmul.u32 $0x64, v16;
	v10 =	vsub.s32 v12, v10  }
0x13c: {  	[tilespmem:$0x700] =	vst v9;
	v9 =	vadd.s32 v10, v13;
	v10 =	vsub.s32 v15, v11;
	v11 =	vmul.u32 $0x64, v19  }
0x13d: {  	[tilespmem:$0x710] =	vst v9;
	v9 =	vadd.s32 v10, v63;
	v10 =	vsub.s32 v18, v14  }
0x13e: {  	[tilespmem:$0x720] =	vst v9;
	v9 =	vadd.s32 v10, v11  }
0x13f: {  	s25 =	simm.s32 $0x200;
	s1 =	simm.s32 $0x10780;
	[tilespmem:$0x730] =	vst v9  }
0x140: {  	[tilespmem:s1], [sflag:$0xA] =	stream.indirect.gather [hbm4b:s2+s20], $0x80, s25, s20, $0xb8;
	[tilespmem:$0x1E780] =	vst v63  }
0x141: {  	s19 =	simm.s32 $0x1C780;
	s18 =	simm.s32 $0x700;
	s22 =	simm.s32 $0x8  }
0x142: {  	[tilespmem:s19], [sflag:$0xF] =	stream.indirect.gather [hbm4b:s9+s26], $0x80, s18, s26, $0xb8;
	[tilespmem:$0x1E780] =	vst v63  }
0x143: {  	_ =	swait.ge [sflag:s22], $0x4000  }
0x144: {  	[sflag:s22] =	ssyncset.done $0x0  }
0x145: {  	s25 =	simm.s32 $0xD;
	[sflag:s22] =	ssyncadd.s32 $0xFFFFC000  }
0x146: {  	_ =	swait.ge [sflag:s25], $0x2000  }
0x147: {  	[sflag:s25] =	ssyncset.done $0x0  }
0x148: {  	s18 =	simm.s32 $0x187C0;
	[sflag:s25] =	ssyncadd.s32 $0xFFFFE000  }
0x149: {  	v9 =	vld [tilespmem:s18+$0xFFFFFFC0];
	_ =	sdelay $0x4  }
0x14a: {  	s19 =	simm.s32 $0x0;
	v10 =	vshll.u32 v9, $0x10  }
0x14b: {  	v9 =	vand.u32 $0xFFFF0000, v9;
	[tilespmem:s19+$0x8780] =	vst.add.f32.msk $0xffff, v10  }
0x14c: {  	[tilespmem:s19+$0x8790] =	vst.add.f32.msk $0xffff, v9  }
0x14d: {  	v9 =	vld [tilespmem:s18+$0xFFFFFFD0];
	_ =	sdelay $0x4  }
0x14e: {  	v10 =	vshll.u32 v9, $0x10  }
0x14f: {  	v9 =	vand.u32 $0xFFFF0000, v9;
	[tilespmem:s19+$0x87A0] =	vst.add.f32.msk $0xffff, v10  }
0x150: {  	[tilespmem:s19+$0x87B0] =	vst.add.f32.msk $0xffff, v9  }
0x151: {  	v9 =	vld [tilespmem:s18+$0xFFFFFFE0];
	_ =	sdelay $0x4  }
0x152: {  	v10 =	vshll.u32 v9, $0x10  }
0x153: {  	v9 =	vand.u32 $0xFFFF0000, v9;
	[tilespmem:s19+$0x87C0] =	vst.add.f32.msk $0xffff, v10  }
0x154: {  	[tilespmem:s19+$0x87D0] =	vst.add.f32.msk $0xffff, v9  }
0x155: {  	v9 =	vld [tilespmem:s18+$0xFFFFFFF0];
	_ =	sdelay $0x4  }
0x156: {  	v10 =	vshll.u32 v9, $0x10  }
0x157: {  	v9 =	vand.u32 $0xFFFF0000, v9;
	[tilespmem:s19+$0x87E0] =	vst.add.f32.msk $0xffff, v10  }
0x158: {  	[tilespmem:s19+$0x87F0] =	vst.add.f32.msk $0xffff, v9  }
0x159: {  	v9 =	vld [tilespmem:s18+$0x0];
	_ =	sdelay $0x4  }
0x15a: {  	v10 =	vshll.u32 v9, $0x10  }
0x15b: {  	v9 =	vand.u32 $0xFFFF0000, v9;
	[tilespmem:s19+$0x8800] =	vst.add.f32.msk $0xffff, v10  }
0x15c: {  	[tilespmem:s19+$0x8810] =	vst.add.f32.msk $0xffff, v9  }
0x15d: {  	v9 =	vld [tilespmem:s18+$0x10];
	_ =	sdelay $0x4  }
0x15e: {  	v10 =	vshll.u32 v9, $0x10  }
0x15f: {  	v9 =	vand.u32 $0xFFFF0000, v9;
	[tilespmem:s19+$0x8820] =	vst.add.f32.msk $0xffff, v10  }
0x160: {  	[tilespmem:s19+$0x8830] =	vst.add.f32.msk $0xffff, v9  }
0x161: {  	v9 =	vld [tilespmem:s18+$0x20];
	_ =	sdelay $0x4  }
0x162: {  	v10 =	vshll.u32 v9, $0x10  }
0x163: {  	s0 =	simm.s32 $0x400;
	s1 =	simm.s32 $0x187C0;
	v9 =	vand.u32 $0xFFFF0000, v9;
	[tilespmem:s19+$0x8840] =	vst.add.f32.msk $0xffff, v10  }
.LBB2_9:
0x164: {  	p0 =	sne.s32 s0, $0xFC00  }
0x165: {  	[tilespmem:s19+$0x8850] =	vst.add.f32.msk $0xffff, v9;
	s18 =	sadd.s32 $0x80, s18;
	s22 =	smov.u32 s0;
	s0 =	sadd.s32 $0x400, s0  }
0x166: {  	v9 =	vld [tilespmem:s1+$0x30];
	s1 =	smov.u32 s18;
	_ =	sdelay $0x4  }
0x167: {  	v10 =	vshll.u32 v9, $0x10;
	v9 =	vand.u32 $0xFFFF0000, v9  }
0x168: {  	[tilespmem:s19+$0x8860] =	vst.add.f32.msk $0xffff, v10  }
0x169: {  	[tilespmem:s19+$0x8870] =	vst.add.f32.msk $0xffff, v9  }
0x16a: {  	v9 =	vld [tilespmem:s18+$0xFFFFFFC0];
	_ =	sdelay $0x4  }
0x16b: {  	s19 =	sshra.s32 s22, $0x2;
	v10 =	vshll.u32 v9, $0x10;
	v9 =	vand.u32 $0xFFFF0000, v9  }
0x16c: {  	[tilespmem:s19+$0x8780] =	vst.add.f32.msk $0xffff, v10  }
0x16d: {  	[tilespmem:s19+$0x8790] =	vst.add.f32.msk $0xffff, v9  }
0x16e: {  	v9 =	vld [tilespmem:s18+$0xFFFFFFD0];
	_ =	sdelay $0x4  }
0x16f: {  	v10 =	vshll.u32 v9, $0x10;
	v9 =	vand.u32 $0xFFFF0000, v9  }
0x170: {  	[tilespmem:s19+$0x87A0] =	vst.add.f32.msk $0xffff, v10  }
0x171: {  	[tilespmem:s19+$0x87B0] =	vst.add.f32.msk $0xffff, v9  }
0x172: {  	v9 =	vld [tilespmem:s18+$0xFFFFFFE0];
	_ =	sdelay $0x4  }
0x173: {  	v10 =	vshll.u32 v9, $0x10;
	v9 =	vand.u32 $0xFFFF0000, v9  }
0x174: {  	[tilespmem:s19+$0x87C0] =	vst.add.f32.msk $0xffff, v10  }
0x175: {  	[tilespmem:s19+$0x87D0] =	vst.add.f32.msk $0xffff, v9  }
0x176: {  	v9 =	vld [tilespmem:s18+$0xFFFFFFF0];
	_ =	sdelay $0x4  }
0x177: {  	v10 =	vshll.u32 v9, $0x10;
	v9 =	vand.u32 $0xFFFF0000, v9  }
0x178: {  	[tilespmem:s19+$0x87E0] =	vst.add.f32.msk $0xffff, v10  }
0x179: {  	[tilespmem:s19+$0x87F0] =	vst.add.f32.msk $0xffff, v9  }
0x17a: {  	v9 =	vld [tilespmem:s18+$0x0];
	_ =	sdelay $0x4  }
0x17b: {  	v10 =	vshll.u32 v9, $0x10;
	v9 =	vand.u32 $0xFFFF0000, v9  }
0x17c: {  	[tilespmem:s19+$0x8800] =	vst.add.f32.msk $0xffff, v10  }
0x17d: {  	[tilespmem:s19+$0x8810] =	vst.add.f32.msk $0xffff, v9  }
0x17e: {  	v9 =	vld [tilespmem:s18+$0x10];
	_ =	sdelay $0x4  }
0x17f: {  	v10 =	vshll.u32 v9, $0x10;
	v9 =	vand.u32 $0xFFFF0000, v9  }
0x180: {  	[tilespmem:s19+$0x8820] =	vst.add.f32.msk $0xffff, v10  }
0x181: {  	[tilespmem:s19+$0x8830] =	vst.add.f32.msk $0xffff, v9  }
0x182: {  	v9 =	vld [tilespmem:s18+$0x20];
	_ =	sdelay $0x1  }
.Ltmp3:
0x183: {  	(pc) =	sbr.rel @p0 .LBB2_9-.Ltmp3, $3  }
0x184: {  	_ =	sdelay $0x1  }
0x185: {  	v10 =	vshll.u32 v9, $0x10;
	v9 =	vand.u32 $0xFFFF0000, v9  }
0x186: {  	[tilespmem:s19+$0x8840] =	vst.add.f32.msk $0xffff, v10  }
0x187: {  	[tilespmem:s19+$0x8850] =	vst.add.f32.msk $0xffff, v9  }
0x188: {  	v9 =	vld [tilespmem:s1+$0x30];
	_ =	sdelay $0x3  }
0x189: {  	s0 =	sshll.u32 s10, $0xE;
	s22 =	rddreg [dreg:$0xb]  }
0x18a: {  	s0 =	sadd.s32 s22, s0;
	v10 =	vshll.u32 v9, $0x10  }
0x18b: {  	s25 =	simm.s32 $0x10;
	s0 =	sshrl.u32 s0, $0x3;
	v9 =	vand.u32 $0xFFFF0000, v9;
	[tilespmem:s19+$0x8860] =	vst.add.f32.msk $0xffff, v10  }
.Ltmp4:
0x18c: {  	s22 =	simm.s32 $0x8780;
	s0 =	sadd.s32 s3, s0;
	[tilespmem:s19+$0x8870] =	vst.add.f32.msk $0xffff, v9;
	(pc) =	sbr.rel @p1 .LBB2_12-.Ltmp4, $4  }
0x18d: {  	[hbm4b:s0+s4] =	stream.linear.scatter [tilespmem:s22], [sflag:$0x12], $0x4000, $0x38;
	[tilespmem:$0x1E780] =	vst v63  }
0x18e: {  	_ =	swait.ge [sflag:s25], $0x4000  }
0x18f: {  	[sflag:s25] =	ssyncset.done $0x0  }
0x190: {  	s10 =	sadd.s32 $0x6, s21;
	[sflag:s25] =	ssyncadd.s32 $0xFFFFC000;
	s25 =	simm.s32 $0x180  }
0x191: {  	s0 =	sshll.u32 s10, $0x7  }
0x192: {  	s1 =	sshll.u32 s10, $0x6;
	s0 =	sadd.s32 s5, s0  }
0x193: {  	s1 =	sadd.s32 s7, s1;
	s0 =	sshrl.u32 s0, $0x3  }
0x194: {  	s18 =	sshrl.u32 s1, $0x3;
	s0 =	sadd.s32 s6, s0  }
0x195: {  	[tilespmem:s20], [sflag:$0x2] =	stream.linear.gather [hbm4b:s0+s4], $0x80, $0x38;
	[tilespmem:$0x1E780] =	vst v63  }
0x196: {  	s19 =	simm.s32 $0x300;
	s0 =	sadd.s32 s8, s18  }
0x197: {  	[tilespmem:s19], [sflag:$0x2] =	stream.linear.gather [hbm4b:s0+s4], $0x40, $0x38;
	[tilespmem:$0x1E780] =	vst v63  }
0x198: {  	_ =	swait.ge [sflag:s24], $0x80  }
0x199: {  	[sflag:s24] =	ssyncset.done $0x0  }
0x19a: {  	[sflag:s24] =	ssyncadd.s32 $0xFFFFFF80  }
0x19b: {  	_ =	swait.ge [sflag:s24], $0x40  }
0x19c: {  	s13 =	sshll.u32 s13, $0x6;
	[sflag:s24] =	ssyncset.done $0x0  }
0x19d: {  	s0 =	sadd.s32 s7, s13;
	[sflag:s24] =	ssyncadd.s32 $0xFFFFFFC0  }
0x19e: {  	v9 =	vor.u32 s0, v0;
	v10 =	vld [tilespmem:$0x280]  }
0x19f: {  	v11 =	vmulhi.u32 $0x51EB851F, v9  }
0x1a0: {  	s18 =	sor.u32 $0x10, s0  }
0x1a1: {  	s19 =	sor.u32 $0x20, s0;
	v12 =	vor.u32 s18, v0;
	v11 =	vshrl.u32 v11, $0x5;
	v13 =	vld [tilespmem:$0x290]  }
0x1a2: {  	s0 =	sor.u32 $0x30, s0;
	v15 =	vor.u32 s19, v0;
	v14 =	vmulhi.u32 $0x51EB851F, v12;
	v11 =	vmul.u32 $0x64, v11;
	v16 =	vld [tilespmem:$0x2A0]  }
0x1a3: {  	v18 =	vor.u32 s0, v0;
	v17 =	vmulhi.u32 $0x51EB851F, v15;
	v19 =	vld [tilespmem:$0x2B0];
	v10 =	vmul.u32 $0x64, v10  }
0x1a4: {  	v62 =	vmulhi.u32 $0x51EB851F, v18;
	v9 =	vsub.s32 v9, v11;
	v11 =	vshrl.u32 v14, $0x5  }
0x1a5: {  	v9 =	vadd.s32 v9, v10;
	v10 =	vmul.u32 $0x64, v11;
	v11 =	vshrl.u32 v17, $0x5  }
0x1a6: {  	v14 =	vshrl.u32 v62, $0x5;
	v13 =	vmul.u32 $0x64, v13;
	v11 =	vmul.u32 $0x64, v11  }
0x1a7: {  	v14 =	vmul.u32 $0x64, v14;
	v63 =	vmul.u32 $0x64, v16;
	v10 =	vsub.s32 v12, v10  }
0x1a8: {  	[tilespmem:$0x500] =	vst v9;
	v9 =	vadd.s32 v10, v13;
	v10 =	vsub.s32 v15, v11;
	v11 =	vmul.u32 $0x64, v19  }
0x1a9: {  	[tilespmem:$0x510] =	vst v9;
	v9 =	vadd.s32 v10, v63;
	v10 =	vsub.s32 v18, v14  }
0x1aa: {  	[tilespmem:$0x520] =	vst v9;
	v9 =	vadd.s32 v10, v11  }
0x1ab: {  	s13 =	simm.s32 $0x780;
	[tilespmem:$0x530] =	vst v9  }
0x1ac: {  	[tilespmem:s13], [sflag:$0x6] =	stream.indirect.gather [hbm4b:s2+s20], $0x80, s4, s20, $0xb8;
	[tilespmem:$0x1E780] =	vst v63  }
0x1ad: {  	s18 =	simm.s32 $0x500;
	s19 =	simm.s32 $0x14780  }
0x1ae: {  	[tilespmem:s19], [sflag:$0xB] =	stream.indirect.gather [hbm4b:s9+s26], $0x80, s18, s26, $0xb8;
	[tilespmem:$0x1E780] =	vst v63  }
.LBB2_12:
0x1af: {  	s0 =	simm.s32 $0x9  }
0x1b0: {  	_ =	swait.ge [sflag:s0], $0x4000  }
0x1b1: {  	[sflag:s0] =	ssyncset.done $0x0  }
0x1b2: {  	[sflag:s0] =	ssyncadd.s32 $0xFFFFC000  }
0x1b3: {  	_ =	swait.ge [sflag:s31], $0x2000  }
0x1b4: {  	[sflag:s31] =	ssyncset.done $0x0  }
0x1b5: {  	s13 =	simm.s32 $0x1A7C0;
	[sflag:s31] =	ssyncadd.s32 $0xFFFFE000  }
0x1b6: {  	v9 =	vld [tilespmem:s13+$0xFFFFFFC0];
	_ =	sdelay $0x4  }
0x1b7: {  	s0 =	simm.s32 $0x0;
	v10 =	vshll.u32 v9, $0x10  }
0x1b8: {  	v9 =	vand.u32 $0xFFFF0000, v9;
	[tilespmem:s0+$0xC780] =	vst.add.f32.msk $0xffff, v10  }
0x1b9: {  	[tilespmem:s0+$0xC790] =	vst.add.f32.msk $0xffff, v9  }
0x1ba: {  	v9 =	vld [tilespmem:s13+$0xFFFFFFD0];
	_ =	sdelay $0x4  }
0x1bb: {  	v10 =	vshll.u32 v9, $0x10  }
0x1bc: {  	v9 =	vand.u32 $0xFFFF0000, v9;
	[tilespmem:s0+$0xC7A0] =	vst.add.f32.msk $0xffff, v10  }
0x1bd: {  	[tilespmem:s0+$0xC7B0] =	vst.add.f32.msk $0xffff, v9  }
0x1be: {  	v9 =	vld [tilespmem:s13+$0xFFFFFFE0];
	_ =	sdelay $0x4  }
0x1bf: {  	v10 =	vshll.u32 v9, $0x10  }
0x1c0: {  	v9 =	vand.u32 $0xFFFF0000, v9;
	[tilespmem:s0+$0xC7C0] =	vst.add.f32.msk $0xffff, v10  }
0x1c1: {  	[tilespmem:s0+$0xC7D0] =	vst.add.f32.msk $0xffff, v9  }
0x1c2: {  	v9 =	vld [tilespmem:s13+$0xFFFFFFF0];
	_ =	sdelay $0x4  }
0x1c3: {  	v10 =	vshll.u32 v9, $0x10  }
0x1c4: {  	v9 =	vand.u32 $0xFFFF0000, v9;
	[tilespmem:s0+$0xC7E0] =	vst.add.f32.msk $0xffff, v10  }
0x1c5: {  	[tilespmem:s0+$0xC7F0] =	vst.add.f32.msk $0xffff, v9  }
0x1c6: {  	v9 =	vld [tilespmem:s13+$0x0];
	_ =	sdelay $0x4  }
0x1c7: {  	v10 =	vshll.u32 v9, $0x10  }
0x1c8: {  	v9 =	vand.u32 $0xFFFF0000, v9;
	[tilespmem:s0+$0xC800] =	vst.add.f32.msk $0xffff, v10  }
0x1c9: {  	[tilespmem:s0+$0xC810] =	vst.add.f32.msk $0xffff, v9  }
0x1ca: {  	v9 =	vld [tilespmem:s13+$0x10];
	_ =	sdelay $0x4  }
0x1cb: {  	v10 =	vshll.u32 v9, $0x10  }
0x1cc: {  	v9 =	vand.u32 $0xFFFF0000, v9;
	[tilespmem:s0+$0xC820] =	vst.add.f32.msk $0xffff, v10  }
0x1cd: {  	[tilespmem:s0+$0xC830] =	vst.add.f32.msk $0xffff, v9  }
0x1ce: {  	v9 =	vld [tilespmem:s13+$0x20];
	_ =	sdelay $0x4  }
0x1cf: {  	v10 =	vshll.u32 v9, $0x10  }
0x1d0: {  	s1 =	simm.s32 $0x400;
	s18 =	simm.s32 $0x1A7C0;
	v9 =	vand.u32 $0xFFFF0000, v9;
	[tilespmem:s0+$0xC840] =	vst.add.f32.msk $0xffff, v10  }
.LBB2_13:
0x1d1: {  	p0 =	sne.s32 s1, $0xFC00  }
0x1d2: {  	[tilespmem:s0+$0xC850] =	vst.add.f32.msk $0xffff, v9;
	s13 =	sadd.s32 $0x80, s13;
	s19 =	smov.u32 s1;
	s1 =	sadd.s32 $0x400, s1  }
0x1d3: {  	v9 =	vld [tilespmem:s18+$0x30];
	s18 =	smov.u32 s13;
	_ =	sdelay $0x4  }
0x1d4: {  	v10 =	vshll.u32 v9, $0x10;
	v9 =	vand.u32 $0xFFFF0000, v9  }
0x1d5: {  	[tilespmem:s0+$0xC860] =	vst.add.f32.msk $0xffff, v10  }
0x1d6: {  	[tilespmem:s0+$0xC870] =	vst.add.f32.msk $0xffff, v9  }
0x1d7: {  	v9 =	vld [tilespmem:s13+$0xFFFFFFC0];
	_ =	sdelay $0x4  }
0x1d8: {  	s0 =	sshra.s32 s19, $0x2;
	v10 =	vshll.u32 v9, $0x10;
	v9 =	vand.u32 $0xFFFF0000, v9  }
0x1d9: {  	[tilespmem:s0+$0xC780] =	vst.add.f32.msk $0xffff, v10  }
0x1da: {  	[tilespmem:s0+$0xC790] =	vst.add.f32.msk $0xffff, v9  }
0x1db: {  	v9 =	vld [tilespmem:s13+$0xFFFFFFD0];
	_ =	sdelay $0x4  }
0x1dc: {  	v10 =	vshll.u32 v9, $0x10;
	v9 =	vand.u32 $0xFFFF0000, v9  }
0x1dd: {  	[tilespmem:s0+$0xC7A0] =	vst.add.f32.msk $0xffff, v10  }
0x1de: {  	[tilespmem:s0+$0xC7B0] =	vst.add.f32.msk $0xffff, v9  }
0x1df: {  	v9 =	vld [tilespmem:s13+$0xFFFFFFE0];
	_ =	sdelay $0x4  }
0x1e0: {  	v10 =	vshll.u32 v9, $0x10;
	v9 =	vand.u32 $0xFFFF0000, v9  }
0x1e1: {  	[tilespmem:s0+$0xC7C0] =	vst.add.f32.msk $0xffff, v10  }
0x1e2: {  	[tilespmem:s0+$0xC7D0] =	vst.add.f32.msk $0xffff, v9  }
0x1e3: {  	v9 =	vld [tilespmem:s13+$0xFFFFFFF0];
	_ =	sdelay $0x4  }
0x1e4: {  	v10 =	vshll.u32 v9, $0x10;
	v9 =	vand.u32 $0xFFFF0000, v9  }
0x1e5: {  	[tilespmem:s0+$0xC7E0] =	vst.add.f32.msk $0xffff, v10  }
0x1e6: {  	[tilespmem:s0+$0xC7F0] =	vst.add.f32.msk $0xffff, v9  }
0x1e7: {  	v9 =	vld [tilespmem:s13+$0x0];
	_ =	sdelay $0x4  }
0x1e8: {  	v10 =	vshll.u32 v9, $0x10;
	v9 =	vand.u32 $0xFFFF0000, v9  }
0x1e9: {  	[tilespmem:s0+$0xC800] =	vst.add.f32.msk $0xffff, v10  }
0x1ea: {  	[tilespmem:s0+$0xC810] =	vst.add.f32.msk $0xffff, v9  }
0x1eb: {  	v9 =	vld [tilespmem:s13+$0x10];
	_ =	sdelay $0x4  }
0x1ec: {  	v10 =	vshll.u32 v9, $0x10;
	v9 =	vand.u32 $0xFFFF0000, v9  }
0x1ed: {  	[tilespmem:s0+$0xC820] =	vst.add.f32.msk $0xffff, v10  }
0x1ee: {  	[tilespmem:s0+$0xC830] =	vst.add.f32.msk $0xffff, v9  }
0x1ef: {  	v9 =	vld [tilespmem:s13+$0x20];
	_ =	sdelay $0x1  }
.Ltmp5:
0x1f0: {  	(pc) =	sbr.rel @p0 .LBB2_13-.Ltmp5, $3  }
0x1f1: {  	_ =	sdelay $0x1  }
0x1f2: {  	v10 =	vshll.u32 v9, $0x10;
	v9 =	vand.u32 $0xFFFF0000, v9  }
0x1f3: {  	[tilespmem:s0+$0xC840] =	vst.add.f32.msk $0xffff, v10  }
0x1f4: {  	[tilespmem:s0+$0xC850] =	vst.add.f32.msk $0xffff, v9  }
0x1f5: {  	v9 =	vld [tilespmem:s18+$0x30];
	_ =	sdelay $0x4  }
0x1f6: {  	v10 =	vshll.u32 v9, $0x10  }
0x1f7: {  	s1 =	sshll.u32 s29, $0x4;
	v9 =	vand.u32 $0xFFFF0000, v9;
	[tilespmem:s0+$0xC860] =	vst.add.f32.msk $0xffff, v10  }
.Ltmp6:
0x1f8: {  	s29 =	simm.s32 $0xC780;
	s19 =	sadd.s32 s3, s1;
	[tilespmem:s0+$0xC870] =	vst.add.f32.msk $0xffff, v9;
	(pc) =	sbr.rel @p1 .LBB2_16-.Ltmp6, $4  }
0x1f9: {  	[hbm4b:s19+s4] =	stream.linear.scatter [tilespmem:s29], [sflag:$0x13], $0x4000, $0x38;
	[tilespmem:$0x1E780] =	vst v63  }
0x1fa: {  	_ =	swait.ge [sflag:s16], $0x4000  }
0x1fb: {  	[sflag:s16] =	ssyncset.done $0x0  }
0x1fc: {  	[sflag:s16] =	ssyncadd.s32 $0xFFFFC000  }
0x1fd: {  	s0 =	sadd.s32 $0x7, s21  }
0x1fe: {  	s1 =	sshll.u32 s0, $0x7  }
0x1ff: {  	s0 =	sshll.u32 s0, $0x6;
	s1 =	sadd.s32 s5, s1  }
0x200: {  	s0 =	sadd.s32 s7, s0;
	s1 =	sshrl.u32 s1, $0x3  }
0x201: {  	s13 =	simm.s32 $0x100;
	s0 =	sshrl.u32 s0, $0x3;
	s1 =	sadd.s32 s6, s1  }
0x202: {  	[tilespmem:s13], [sflag:$0x3] =	stream.linear.gather [hbm4b:s1+s4], $0x80, $0x38;
	[tilespmem:$0x1E780] =	vst v63  }
0x203: {  	s29 =	simm.s32 $0x380;
	s0 =	sadd.s32 s8, s0  }
0x204: {  	[tilespmem:s29], [sflag:$0x3] =	stream.linear.gather [hbm4b:s0+s4], $0x40, $0x38;
	[tilespmem:$0x1E780] =	vst v63  }
0x205: {  	_ =	swait.ge [sflag:s30], $0x80  }
0x206: {  	[sflag:s30] =	ssyncset.done $0x0  }
0x207: {  	[sflag:s30] =	ssyncadd.s32 $0xFFFFFF80  }
0x208: {  	_ =	swait.ge [sflag:s30], $0x40  }
0x209: {  	s10 =	sshll.u32 s10, $0x6;
	[sflag:s30] =	ssyncset.done $0x0  }
0x20a: {  	s0 =	sadd.s32 s7, s10;
	[sflag:s30] =	ssyncadd.s32 $0xFFFFFFC0  }
0x20b: {  	v9 =	vor.u32 s0, v0;
	v10 =	vld [tilespmem:$0x300]  }
0x20c: {  	v11 =	vmulhi.u32 $0x51EB851F, v9  }
0x20d: {  	s13 =	sor.u32 $0x10, s0  }
0x20e: {  	s18 =	sor.u32 $0x20, s0;
	v12 =	vor.u32 s13, v0;
	v11 =	vshrl.u32 v11, $0x5;
	v13 =	vld [tilespmem:$0x310]  }
0x20f: {  	s0 =	sor.u32 $0x30, s0;
	v15 =	vor.u32 s18, v0;
	v14 =	vmulhi.u32 $0x51EB851F, v12;
	v11 =	vmul.u32 $0x64, v11;
	v16 =	vld [tilespmem:$0x320]  }
0x210: {  	v18 =	vor.u32 s0, v0;
	v17 =	vmulhi.u32 $0x51EB851F, v15;
	v19 =	vld [tilespmem:$0x330];
	v10 =	vmul.u32 $0x64, v10  }
0x211: {  	v62 =	vmulhi.u32 $0x51EB851F, v18;
	v9 =	vsub.s32 v9, v11;
	v11 =	vshrl.u32 v14, $0x5  }
0x212: {  	v9 =	vadd.s32 v9, v10;
	v10 =	vmul.u32 $0x64, v11;
	v11 =	vshrl.u32 v17, $0x5  }
0x213: {  	v14 =	vshrl.u32 v62, $0x5;
	v13 =	vmul.u32 $0x64, v13;
	v11 =	vmul.u32 $0x64, v11  }
0x214: {  	v14 =	vmul.u32 $0x64, v14;
	v63 =	vmul.u32 $0x64, v16;
	v10 =	vsub.s32 v12, v10  }
0x215: {  	[tilespmem:$0x580] =	vst v9;
	v9 =	vadd.s32 v10, v13;
	v10 =	vsub.s32 v15, v11;
	v11 =	vmul.u32 $0x64, v19  }
0x216: {  	[tilespmem:$0x590] =	vst v9;
	v9 =	vadd.s32 v10, v63;
	v10 =	vsub.s32 v18, v14  }
0x217: {  	[tilespmem:$0x5A0] =	vst v9;
	v9 =	vadd.s32 v10, v11  }
0x218: {  	s19 =	simm.s32 $0x4780;
	[tilespmem:$0x5B0] =	vst v9  }
0x219: {  	[tilespmem:s19], [sflag:$0x7] =	stream.indirect.gather [hbm4b:s2+s20], $0x80, s20, s20, $0xb8;
	[tilespmem:$0x1E780] =	vst v63  }
0x21a: {  	s21 =	simm.s32 $0x580;
	s29 =	simm.s32 $0x16780  }
0x21b: {  	[tilespmem:s29], [sflag:$0xC] =	stream.indirect.gather [hbm4b:s9+s26], $0x80, s21, s26, $0xb8;
	[tilespmem:$0x1E780] =	vst v63  }
.LBB2_16:
0x21c: {  	_ =	swait.ge [sflag:s17], $0x4000  }
0x21d: {  	[sflag:s17] =	ssyncset.done $0x0  }
0x21e: {  	[sflag:s17] =	ssyncadd.s32 $0xFFFFC000  }
0x21f: {  	_ =	swait.ge [sflag:s12], $0x2000  }
0x220: {  	[sflag:s12] =	ssyncset.done $0x0  }
0x221: {  	s10 =	simm.s32 $0x1C7C0;
	[sflag:s12] =	ssyncadd.s32 $0xFFFFE000  }
0x222: {  	v9 =	vld [tilespmem:s10+$0xFFFFFFC0];
	_ =	sdelay $0x4  }
0x223: {  	s0 =	simm.s32 $0x0;
	v10 =	vshll.u32 v9, $0x10  }
0x224: {  	v9 =	vand.u32 $0xFFFF0000, v9;
	[tilespmem:s0+$0x10780] =	vst.add.f32.msk $0xffff, v10  }
0x225: {  	[tilespmem:s0+$0x10790] =	vst.add.f32.msk $0xffff, v9  }
0x226: {  	v9 =	vld [tilespmem:s10+$0xFFFFFFD0];
	_ =	sdelay $0x4  }
0x227: {  	v10 =	vshll.u32 v9, $0x10  }
0x228: {  	v9 =	vand.u32 $0xFFFF0000, v9;
	[tilespmem:s0+$0x107A0] =	vst.add.f32.msk $0xffff, v10  }
0x229: {  	[tilespmem:s0+$0x107B0] =	vst.add.f32.msk $0xffff, v9  }
0x22a: {  	v9 =	vld [tilespmem:s10+$0xFFFFFFE0];
	_ =	sdelay $0x4  }
0x22b: {  	v10 =	vshll.u32 v9, $0x10  }
0x22c: {  	v9 =	vand.u32 $0xFFFF0000, v9;
	[tilespmem:s0+$0x107C0] =	vst.add.f32.msk $0xffff, v10  }
0x22d: {  	[tilespmem:s0+$0x107D0] =	vst.add.f32.msk $0xffff, v9  }
0x22e: {  	v9 =	vld [tilespmem:s10+$0xFFFFFFF0];
	_ =	sdelay $0x4  }
0x22f: {  	v10 =	vshll.u32 v9, $0x10  }
0x230: {  	v9 =	vand.u32 $0xFFFF0000, v9;
	[tilespmem:s0+$0x107E0] =	vst.add.f32.msk $0xffff, v10  }
0x231: {  	[tilespmem:s0+$0x107F0] =	vst.add.f32.msk $0xffff, v9  }
0x232: {  	v9 =	vld [tilespmem:s10+$0x0];
	_ =	sdelay $0x4  }
0x233: {  	v10 =	vshll.u32 v9, $0x10  }
0x234: {  	v9 =	vand.u32 $0xFFFF0000, v9;
	[tilespmem:s0+$0x10800] =	vst.add.f32.msk $0xffff, v10  }
0x235: {  	[tilespmem:s0+$0x10810] =	vst.add.f32.msk $0xffff, v9  }
0x236: {  	v9 =	vld [tilespmem:s10+$0x10];
	_ =	sdelay $0x4  }
0x237: {  	v10 =	vshll.u32 v9, $0x10  }
0x238: {  	v9 =	vand.u32 $0xFFFF0000, v9;
	[tilespmem:s0+$0x10820] =	vst.add.f32.msk $0xffff, v10  }
0x239: {  	[tilespmem:s0+$0x10830] =	vst.add.f32.msk $0xffff, v9  }
0x23a: {  	v9 =	vld [tilespmem:s10+$0x20];
	_ =	sdelay $0x4  }
0x23b: {  	v10 =	vshll.u32 v9, $0x10  }
0x23c: {  	s1 =	simm.s32 $0x400;
	s13 =	simm.s32 $0x1C7C0;
	v9 =	vand.u32 $0xFFFF0000, v9;
	[tilespmem:s0+$0x10840] =	vst.add.f32.msk $0xffff, v10  }
.LBB2_17:
0x23d: {  	p0 =	sne.s32 s1, $0xFC00  }
0x23e: {  	[tilespmem:s0+$0x10850] =	vst.add.f32.msk $0xffff, v9;
	s10 =	sadd.s32 $0x80, s10;
	s18 =	smov.u32 s1;
	s1 =	sadd.s32 $0x400, s1  }
0x23f: {  	v9 =	vld [tilespmem:s13+$0x30];
	s13 =	smov.u32 s10;
	_ =	sdelay $0x4  }
0x240: {  	v10 =	vshll.u32 v9, $0x10;
	v9 =	vand.u32 $0xFFFF0000, v9  }
0x241: {  	[tilespmem:s0+$0x10860] =	vst.add.f32.msk $0xffff, v10  }
0x242: {  	[tilespmem:s0+$0x10870] =	vst.add.f32.msk $0xffff, v9  }
0x243: {  	v9 =	vld [tilespmem:s10+$0xFFFFFFC0];
	_ =	sdelay $0x4  }
0x244: {  	s0 =	sshra.s32 s18, $0x2;
	v10 =	vshll.u32 v9, $0x10;
	v9 =	vand.u32 $0xFFFF0000, v9  }
0x245: {  	[tilespmem:s0+$0x10780] =	vst.add.f32.msk $0xffff, v10  }
0x246: {  	[tilespmem:s0+$0x10790] =	vst.add.f32.msk $0xffff, v9  }
0x247: {  	v9 =	vld [tilespmem:s10+$0xFFFFFFD0];
	_ =	sdelay $0x4  }
0x248: {  	v10 =	vshll.u32 v9, $0x10;
	v9 =	vand.u32 $0xFFFF0000, v9  }
0x249: {  	[tilespmem:s0+$0x107A0] =	vst.add.f32.msk $0xffff, v10  }
0x24a: {  	[tilespmem:s0+$0x107B0] =	vst.add.f32.msk $0xffff, v9  }
0x24b: {  	v9 =	vld [tilespmem:s10+$0xFFFFFFE0];
	_ =	sdelay $0x4  }
0x24c: {  	v10 =	vshll.u32 v9, $0x10;
	v9 =	vand.u32 $0xFFFF0000, v9  }
0x24d: {  	[tilespmem:s0+$0x107C0] =	vst.add.f32.msk $0xffff, v10  }
0x24e: {  	[tilespmem:s0+$0x107D0] =	vst.add.f32.msk $0xffff, v9  }
0x24f: {  	v9 =	vld [tilespmem:s10+$0xFFFFFFF0];
	_ =	sdelay $0x4  }
0x250: {  	v10 =	vshll.u32 v9, $0x10;
	v9 =	vand.u32 $0xFFFF0000, v9  }
0x251: {  	[tilespmem:s0+$0x107E0] =	vst.add.f32.msk $0xffff, v10  }
0x252: {  	[tilespmem:s0+$0x107F0] =	vst.add.f32.msk $0xffff, v9  }
0x253: {  	v9 =	vld [tilespmem:s10+$0x0];
	_ =	sdelay $0x4  }
0x254: {  	v10 =	vshll.u32 v9, $0x10;
	v9 =	vand.u32 $0xFFFF0000, v9  }
0x255: {  	[tilespmem:s0+$0x10800] =	vst.add.f32.msk $0xffff, v10  }
0x256: {  	[tilespmem:s0+$0x10810] =	vst.add.f32.msk $0xffff, v9  }
0x257: {  	v9 =	vld [tilespmem:s10+$0x10];
	_ =	sdelay $0x4  }
0x258: {  	v10 =	vshll.u32 v9, $0x10;
	v9 =	vand.u32 $0xFFFF0000, v9  }
0x259: {  	[tilespmem:s0+$0x10820] =	vst.add.f32.msk $0xffff, v10  }
0x25a: {  	[tilespmem:s0+$0x10830] =	vst.add.f32.msk $0xffff, v9  }
0x25b: {  	v9 =	vld [tilespmem:s10+$0x20];
	_ =	sdelay $0x1  }
.Ltmp7:
0x25c: {  	(pc) =	sbr.rel @p0 .LBB2_17-.Ltmp7, $3  }
0x25d: {  	_ =	sdelay $0x1  }
0x25e: {  	v10 =	vshll.u32 v9, $0x10;
	v9 =	vand.u32 $0xFFFF0000, v9  }
0x25f: {  	[tilespmem:s0+$0x10840] =	vst.add.f32.msk $0xffff, v10  }
0x260: {  	[tilespmem:s0+$0x10850] =	vst.add.f32.msk $0xffff, v9  }
0x261: {  	v9 =	vld [tilespmem:s13+$0x30];
	_ =	sdelay $0x1  }
0x262: {  	s15 =	sadd.s32 $0x1, s15  }
0x263: {  	p0 =	sne.s32 s15, $0xA  }
.Ltmp8:
0x264: {  	_ = 	snop;
	(pc) =	sbr.rel @p0 .LBB2_2-.Ltmp8, $4  }
0x265: {  	v10 =	vshll.u32 v9, $0x10  }
0x266: {  	s1 =	sshll.u32 s23, $0x4;
	v9 =	vand.u32 $0xFFFF0000, v9;
	[tilespmem:s0+$0x10860] =	vst.add.f32.msk $0xffff, v10  }
0x267: {  	s29 =	simm.s32 $0x10780;
	s23 =	sadd.s32 s3, s1;
	[tilespmem:s0+$0x10870] =	vst.add.f32.msk $0xffff, v9  }
0x268: {  	[hbm4b:s23+s4] =	stream.linear.scatter [tilespmem:s29], [sflag:$0x14], $0x4000, $0x38;
	[tilespmem:$0x1E780] =	vst v63  }
0x269: {  	s0 =	simm.s32 $0x12  }
0x26a: {  	_ =	swait.ge [sflag:s0], $0x4000  }
0x26b: {  	[sflag:s0] =	ssyncset.done $0x0  }
0x26c: {  	s23 =	simm.s32 $0x13;
	[sflag:s0] =	ssyncadd.s32 $0xFFFFC000  }
0x26d: {  	_ =	swait.ge [sflag:s23], $0x4000  }
0x26e: {  	[sflag:s23] =	ssyncset.done $0x0  }
0x26f: {  	s1 =	simm.s32 $0x14;
	[sflag:s23] =	ssyncadd.s32 $0xFFFFC000  }
0x270: {  	_ =	swait.ge [sflag:s1], $0x4000  }
0x271: {  	s10 =	rddreg [dreg:$0xd]  }
0x272: {  	s29 =	rddreg [dreg:$0xc];
	s10 =	sadd.s32 $0x1, s10  }
0x273: {  	p0 =	sne.s32 s10, s29  }
.Ltmp9:
0x274: {  	_ = 	snop;
	(pc) =	sbr.rel @p0 .LBB2_1-.Ltmp9, $3  }
0x275: {  	_ =	sdelay $0x1  }
0x276: {  	[sflag:s1] =	ssyncset.done $0x0  }
0x277: {  	[sflag:s1] =	ssyncadd.s32 $0xFFFFC000  }
0x278: {  	_ =	sfence.sel $0x180000  }
0x279: {  	[bflag:$0x0] =	sbarrier.arrive $0xFFFF  }
0x27a: {  	_ =	strace $0x90000047  }
0x27b: {  	s0 =	stileid.u32;
	[bflag:$0x2] =	sbarrier.arrive $0xFFFF  }
0x27c: {  	p0 =	sne.s32 s0, $0x0;
	s0 =	rddreg [dreg:$0x3]  }
0x27d: {  	s0 =	sadd.s32 @!p0 $0x100000, s0  }
0x27e: {  	[sflag:s0] =	ssyncadd.tile.s32 @!p0 $0x1;
	_ =	shalt  }
.Lfunc_end2:
_tile_overlayer_lowered:
.L_overlay_start_2:
0x27f: {  	(tag) =	ssettag $0x2  }
0x280: {  	s0 =	rddreg [dreg:$0x0];
	s2 =	stileid.u32  }
0x281: {  	s1 =	rddreg [dreg:$0x1];
	p0 =	sne.s32 s2, $0x0  }
0x282: {  	s3 =	rddreg [dreg:$0x2];
	[bflag:$0x3] =	sbarrier.arrive $0xFFFF;
	s2 =	simm.s32 @!p0 $0x1C15  }
0x283: {  	[timem:s3], [sflag:s2] =	dma.local @!p0 [hbm:s0], s1  }
0x284: {  	s0 =	simm.s32 @!p0 $0x15  }
0x285: {  	_ =	swait.ge @!p0 [sflag:s0], s1  }
0x286: {  	s1 =	ssub.s32 @!p0 $0x0, s1;
	[sflag:s0] =	ssyncset.done @!p0 $0x0  }
0x287: {  	[sflag:s0] =	ssyncadd.s32 @!p0 s1  }
0x288: {  	[bflag:$0x3] =	sbarrier.arrive $0xFFFF  }
0x289: {  	_ =	shalt  }

</sc_bundles>
